<compile_context>
chip_gen: v7x
topology: tpu7x:2x2x1
jax: 0.10.2.dev20260603
libtpu: 0.0.44.dev20260713+nightly
codegen_flags: <defaults>
</compile_context>

<pallas_src>
import functools

import jax
import jax.numpy as jnp
from jax import lax
from jax.experimental import pallas as pl
from jax.experimental.pallas import tpu as pltpu
from jax.experimental.pallas import tpu_sc as plsc

N_CAM = 6
NQ = 10000
C = 128
H = 50
W = 100
HW = H * W
Y = 4
NUM_HEADS = 4
NUM_POINTS = 8
HEAD_DIM = C // NUM_HEADS

R_ROWS = N_CAM * NQ * NUM_HEADS
K_SAMP = NUM_POINTS * 4
TBL_ROWS = N_CAM * NUM_HEADS * HW



def _a1_body(v_ref, wv_ref, bv_ref, out_ref):
    x = jnp.dot(v_ref[0], wv_ref[...], preferred_element_type=jnp.float32)
    x = x + bv_ref[...]
    for h in range(NUM_HEADS):
        out_ref[0, h] = x[:, h * HEAD_DIM:(h + 1) * HEAD_DIM]


def _value_table(value, W_value, b_value):
    hw_blk = 1000
    grid = (N_CAM, HW // hw_blk)
    out = pl.pallas_call(
        _a1_body,
        grid=grid,
        in_specs=[
            pl.BlockSpec((1, hw_blk, C), lambda c, i: (c, i, 0)),
            pl.BlockSpec((C, C), lambda c, i: (0, 0)),
            pl.BlockSpec((1, C), lambda c, i: (0, 0)),
        ],
        out_specs=pl.BlockSpec((1, NUM_HEADS, hw_blk, HEAD_DIM),
                               lambda c, i: (c, 0, i, 0)),
        out_shape=jax.ShapeDtypeStruct((N_CAM, NUM_HEADS, HW, HEAD_DIM),
                                       jnp.float32),
    )(value, W_value.T, b_value.reshape(1, C))
    return out.reshape(TBL_ROWS, HEAD_DIM)



def _a2_body(q_ref, qp_ref, wo_ref, bo_ref, wa_ref, ba_ref, off_ref, aw_ref):
    q2 = q_ref[...] + qp_ref[...]
    off_ref[...] = jnp.dot(q2, wo_ref[...],
                           preferred_element_type=jnp.float32) + bo_ref[...]
    a = jnp.dot(q2, wa_ref[...], preferred_element_type=jnp.float32) + ba_ref[...]
    for h in range(NUM_HEADS):
        s = a[:, h * NUM_POINTS:(h + 1) * NUM_POINTS]
        m = jnp.max(s, axis=1, keepdims=True)
        e = jnp.exp(s - m)
        aw_ref[:, h * NUM_POINTS:(h + 1) * NUM_POINTS] = (
            e / jnp.sum(e, axis=1, keepdims=True))


def _proj_off_aw(query2d, query_pos2d, W_off, b_off, W_attn, b_attn):
    q_blk = 2000
    grid = (NQ // q_blk,)
    noff = NUM_HEADS * NUM_POINTS * 2
    naw = NUM_HEADS * NUM_POINTS
    off, aw = pl.pallas_call(
        _a2_body,
        grid=grid,
        in_specs=[
            pl.BlockSpec((q_blk, C), lambda i: (i, 0)),
            pl.BlockSpec((q_blk, C), lambda i: (i, 0)),
            pl.BlockSpec((C, noff), lambda i: (0, 0)),
            pl.BlockSpec((1, noff), lambda i: (0, 0)),
            pl.BlockSpec((C, naw), lambda i: (0, 0)),
            pl.BlockSpec((1, naw), lambda i: (0, 0)),
        ],
        out_specs=[
            pl.BlockSpec((q_blk, noff), lambda i: (i, 0)),
            pl.BlockSpec((q_blk, naw), lambda i: (i, 0)),
        ],
        out_shape=[
            jax.ShapeDtypeStruct((NQ, noff), jnp.float32),
            jax.ShapeDtypeStruct((NQ, naw), jnp.float32),
        ],
    )(query2d, query_pos2d, W_off.T, b_off.reshape(1, noff),
      W_attn.T, b_attn.reshape(1, naw))
    return off, aw



def _sample_idx_wt(off, aw, ref_pts_cam):
    off_r = off.reshape(NQ, NUM_HEADS, NUM_POINTS, 2)
    off_x = off_r[..., 0] / float(W)
    off_y = off_r[..., 1] / float(H)
    rr = ref_pts_cam.reshape(N_CAM, NQ, 1, Y, 2)
    rr_b = jnp.broadcast_to(rr[:, :, :, None, :, :],
                            (N_CAM, NQ, 1, NUM_POINTS // Y, Y, 2))
    rr_b = rr_b.reshape(N_CAM, NQ, 1, NUM_POINTS, 2)
    x = (rr_b[..., 0] + off_x[None]) * W - 0.5
    y = (rr_b[..., 1] + off_y[None]) * H - 0.5
    x0 = jnp.floor(x)[..., None]
    y0 = jnp.floor(y)[..., None]
    wx1 = x[..., None] - x0
    wy1 = y[..., None] - y0
    dxc = jnp.array([0.0, 1.0, 0.0, 1.0], jnp.float32)
    dyc = jnp.array([0.0, 0.0, 1.0, 1.0], jnp.float32)
    xi = x0 + dxc
    yi = y0 + dyc
    wc = (dxc * wx1 + (1.0 - dxc) * (1.0 - wx1)) * (
        dyc * wy1 + (1.0 - dyc) * (1.0 - wy1))
    valid = ((xi >= 0.0) & (xi <= float(W - 1))
             & (yi >= 0.0) & (yi <= float(H - 1))).astype(jnp.float32)
    xc = jnp.clip(xi, 0.0, float(W - 1)).astype(jnp.int32)
    yc = jnp.clip(yi, 0.0, float(H - 1)).astype(jnp.int32)
    lidx = yc * W + xc
    cam_h = (jnp.arange(N_CAM, dtype=jnp.int32)[:, None, None, None, None]
             * NUM_HEADS
             + jnp.arange(NUM_HEADS, dtype=jnp.int32)[None, None, :, None, None])
    gidx = cam_h * HW + lidx
    wt = aw.reshape(NQ, NUM_HEADS, NUM_POINTS)[None, :, :, :, None] * wc * valid
    return gidx.reshape(-1), wt.reshape(-1)



_SC_CH = 48
_SC_S = _SC_CH * K_SAMP
_SC_NCHUNKS = R_ROWS // _SC_CH


def _sc_gather_kernel(table_hbm, idx_hbm, wt_hbm, out_hbm,
                      idx_v0, wt_v0, rows_v0, idx_v1, wt_v1, rows_v1,
                      out_v, sem0, sem1):
    info = plsc.get_sparse_core_info()
    nw = info.num_cores * info.num_subcores
    n_iters = (_SC_NCHUNKS + nw - 1) // nw
    n_pairs = (n_iters + 1) // 2
    wid = lax.axis_index("s") * info.num_cores + lax.axis_index("c")

    bufs = ((idx_v0, wt_v0, rows_v0, sem0), (idx_v1, wt_v1, rows_v1, sem1))

    def start(it, buf):
        idx_v, wt_v, rows_v, sem = buf
        chunk = wid + it * nw

        @pl.when(chunk < _SC_NCHUNKS)
        def _():
            base_s = chunk * _SC_S
            pltpu.sync_copy(idx_hbm.at[pl.ds(base_s, _SC_S)], idx_v)
            pltpu.sync_copy(wt_hbm.at[pl.ds(base_s, _SC_S)], wt_v)
            pltpu.async_copy(table_hbm.at[idx_v], rows_v, sem)

    def finish(it, buf):
        idx_v, wt_v, rows_v, sem = buf
        chunk = wid + it * nw

        @pl.when(chunk < _SC_NCHUNKS)
        def _():
            pltpu.make_async_copy(table_hbm.at[idx_v], rows_v, sem).wait()

            def row_body(r, c2):
                s0 = r * K_SAMP
                wv0 = wt_v[pl.ds(s0, 16)]
                wv1 = wt_v[pl.ds(s0 + 16, 16)]
                a0 = jnp.zeros((16,), jnp.float32)
                a1 = jnp.zeros((16,), jnp.float32)
                for k in range(K_SAMP):
                    w = wv0[k] if k < 16 else wv1[k - 16]
                    a0 = a0 + w * rows_v[s0 + k, pl.ds(0, 16)]
                    a1 = a1 + w * rows_v[s0 + k, pl.ds(16, 16)]
                out_v[r, pl.ds(0, 16)] = a0
                out_v[r, pl.ds(16, 16)] = a1
                return c2
            lax.fori_loop(0, _SC_CH, row_body, 0)
            pltpu.sync_copy(out_v, out_hbm.at[pl.ds(chunk * _SC_CH, _SC_CH)])

    start(0, bufs[0])

    def pair_body(p, carry):
        it0 = p * 2
        start(it0 + 1, bufs[1])
        finish(it0, bufs[0])
        start(it0 + 2, bufs[0])
        finish(it0 + 1, bufs[1])
        return carry

    lax.fori_loop(0, n_pairs, pair_body, 0)


def _sc_gather(table, idx, wt):
    mesh = plsc.VectorSubcoreMesh(core_axis_name="c", subcore_axis_name="s")
    k = functools.partial(
        pl.kernel,
        mesh=mesh,
        compiler_params=pltpu.CompilerParams(use_tc_tiling_on_sc=False),
        out_type=jax.ShapeDtypeStruct((R_ROWS, HEAD_DIM), jnp.float32),
        scratch_types=[
            pltpu.VMEM((_SC_S,), jnp.int32),
            pltpu.VMEM((_SC_S,), jnp.float32),
            pltpu.VMEM((_SC_S, HEAD_DIM), jnp.float32),
            pltpu.VMEM((_SC_S,), jnp.int32),
            pltpu.VMEM((_SC_S,), jnp.float32),
            pltpu.VMEM((_SC_S, HEAD_DIM), jnp.float32),
            pltpu.VMEM((_SC_CH, HEAD_DIM), jnp.float32),
            pltpu.SemaphoreType.DMA,
            pltpu.SemaphoreType.DMA,
        ],
    )(_sc_gather_kernel)
    return k(table, idx, wt)



def _c_body(o_ref, m_ref, q_ref, wo_ref, bo_ref, out_ref):
    msum = jnp.sum(m_ref[...], axis=2)
    vf = (msum > 0.0).astype(jnp.float32)
    acc = jnp.sum(o_ref[...] * vf[:, :, None], axis=0)
    cnt = jnp.maximum(jnp.sum(vf, axis=0), 1.0)
    qo = acc / cnt[:, None]
    out_ref[...] = (jnp.dot(qo, wo_ref[...], preferred_element_type=jnp.float32)
                    + bo_ref[...] + q_ref[...])


def _finalize(out_sc, maskf, query2d, W_out, b_out):
    q_blk = 2000
    grid = (NQ // q_blk,)
    res = pl.pallas_call(
        _c_body,
        grid=grid,
        in_specs=[
            pl.BlockSpec((N_CAM, q_blk, C), lambda i: (0, i, 0)),
            pl.BlockSpec((N_CAM, q_blk, Y), lambda i: (0, i, 0)),
            pl.BlockSpec((q_blk, C), lambda i: (i, 0)),
            pl.BlockSpec((C, C), lambda i: (0, 0)),
            pl.BlockSpec((1, C), lambda i: (0, 0)),
        ],
        out_specs=pl.BlockSpec((q_blk, C), lambda i: (i, 0)),
        out_shape=jax.ShapeDtypeStruct((NQ, C), jnp.float32),
    )(out_sc, maskf, query2d, W_out.T, b_out.reshape(1, C))
    return res



def kernel(query, key, value, query_pos, ref_pts_cam, spatial_shapes, bev_mask,
           W_value, b_value, W_off, b_off, W_attn, b_attn, W_out, b_out):
    del key, spatial_shapes
    query2d = query.reshape(NQ, C)
    qp2d = query_pos.reshape(NQ, C)
    val = jnp.transpose(value, (0, 2, 1, 3)).reshape(N_CAM, HW, C)

    table = _value_table(val, W_value, b_value)
    off, aw = _proj_off_aw(query2d, qp2d, W_off, b_off, W_attn, b_attn)
    idx, wt = _sample_idx_wt(off, aw, ref_pts_cam)
    out_sc = _sc_gather(table, idx, wt)

    out3 = out_sc.reshape(N_CAM, NQ, C)
    maskf = bev_mask.reshape(N_CAM, NQ, Y).astype(jnp.float32)
    res = _finalize(out3, maskf, query2d, W_out, b_out)
    return res.reshape(1, NQ, C)

# --- scband reference (transcript-rebuilt; emitter-appended) ---
"""Pipeline reference for scband-cadefn-attn-76768245449529 (READ-ONLY COPY).

The authoritative reference and input builder live on the scoring server;
editing this copy changes nothing except your own understanding.
"""

import jax, jax.numpy as jnp
import numpy as np

B = 1
N_CAM = 6
NQ = 10000
C = 128
H, W = 50, 100
HW = H * W
Y = 4
NUM_HEADS = 4
NUM_LEVELS = 1
NUM_POINTS = 8
HEAD_DIM = C // NUM_HEADS

def setup_inputs(seed: int = 0):
    key = jax.random.key(seed)
    ks = jax.random.split(key, 12)
    query = jax.random.normal(ks[0], (B, NQ, C), dtype=jnp.float32)
    key_t = jax.random.normal(ks[1], (N_CAM, HW, B, C), dtype=jnp.float32)
    value_t = jax.random.normal(ks[2], (N_CAM, HW, B, C), dtype=jnp.float32)
    query_pos = jax.random.normal(ks[3], (B, NQ, C), dtype=jnp.float32)
    ref_pts_cam = jax.random.uniform(ks[4], (N_CAM, B, NQ, Y, 2), dtype=jnp.float32)
    spatial_shapes = jnp.array([[H, W]], dtype=jnp.int32)
    bev_mask = jax.random.bernoulli(ks[5], 0.15, (N_CAM, B, NQ, Y))
    s = 1.0 / np.sqrt(C)
    W_value = (jax.random.normal(ks[6], (C, C)) * s).astype(jnp.float32)
    b_value = jnp.zeros((C,), dtype=jnp.float32)
    W_off = (jax.random.normal(ks[7], (NUM_HEADS * NUM_LEVELS * NUM_POINTS * 2, C)) * 0.01).astype(jnp.float32)
    b_off = (jax.random.normal(ks[8], (NUM_HEADS * NUM_LEVELS * NUM_POINTS * 2,)) * 0.01).astype(jnp.float32)
    W_attn = (jax.random.normal(ks[9], (NUM_HEADS * NUM_LEVELS * NUM_POINTS, C)) * s).astype(jnp.float32)
    b_attn = jnp.zeros((NUM_HEADS * NUM_LEVELS * NUM_POINTS,), dtype=jnp.float32)
    W_out = (jax.random.normal(ks[10], (C, C)) * s).astype(jnp.float32)
    b_out = jnp.zeros((C,), dtype=jnp.float32)
    return dict(query=query, key=key_t, value=value_t, query_pos=query_pos, ref_pts_cam=ref_pts_cam, spatial_shapes=spatial_shapes, bev_mask=bev_mask, W_value=W_value, b_value=b_value, W_off=W_off, b_off=b_off, W_attn=W_attn, b_attn=b_attn, W_out=W_out, b_out=b_out)

def _bilinear_sample(img, x, y, Hh, Ww):
    x0 = jnp.floor(x)
    y0 = jnp.floor(y)
    def gather(xi, yi):
        valid = (xi >= 0) & (xi <= Ww - 1) & (yi >= 0) & (yi <= Hh - 1)
        xc = jnp.clip(xi, 0, Ww - 1).astype(jnp.int32)
        yc = jnp.clip(yi, 0, Hh - 1).astype(jnp.int32)
        idx = yc * Ww + xc
        g = jnp.take_along_axis(img, idx[..., None], axis=1)
        return g * valid[..., None].astype(img.dtype)
    wx1 = x - x0
    wx0 = 1.0 - wx1
    wy1 = y - y0
    wy0 = 1.0 - wy1
    v00 = gather(x0, y0)
    v01 = gather(x0 + 1, y0)
    v10 = gather(x0, y0 + 1)
    v11 = gather(x0 + 1, y0 + 1)
    return v00 * (wx0 * wy0)[..., None] + v01 * (wx1 * wy0)[..., None] + v10 * (wx0 * wy1)[..., None] + v11 * (wx1 * wy1)[..., None]

def _ms_deform_attn(value, sampling_locations, attention_weights, Hh, Ww):
    bs, hw, heads, d = value.shape
    nq = sampling_locations.shape[1]
    npts = sampling_locations.shape[3]
    v = jnp.transpose(value, (0, 2, 1, 3)).reshape(bs * heads, hw, d)
    loc = jnp.transpose(sampling_locations, (0, 2, 1, 3, 4)).reshape(bs * heads, nq * npts, 2)
    x = loc[..., 0] * Ww - 0.5
    y = loc[..., 1] * Hh - 0.5
    sampled = _bilinear_sample(v, x, y, Hh, Ww).reshape(bs, heads, nq, npts, d)
    w = jnp.transpose(attention_weights, (0, 2, 1, 3))
    out = (sampled * w[..., None]).sum(axis=3)
    return jnp.transpose(out, (0, 2, 1, 3)).reshape(bs, nq, heads * d)

def _msdeform3d(query, value, reference_points, W_value, b_value, W_off, b_off, W_attn, b_attn, Hh, Ww):
    bs, num_query, _ = query.shape
    v = value @ W_value.T + b_value
    v = v.reshape(bs, v.shape[1], NUM_HEADS, HEAD_DIM)
    off = (query @ W_off.T + b_off).reshape(bs, num_query, NUM_HEADS, NUM_LEVELS, NUM_POINTS, 2)
    aw = (query @ W_attn.T + b_attn).reshape(bs, num_query, NUM_HEADS, NUM_LEVELS * NUM_POINTS)
    aw = jax.nn.softmax(aw, axis=-1).reshape(bs, num_query, NUM_HEADS, NUM_LEVELS, NUM_POINTS)
    offset_normalizer = jnp.stack([Ww, Hh]).astype(jnp.float32)
    off = off / offset_normalizer
    off = off.reshape(bs, num_query, NUM_HEADS, NUM_LEVELS, NUM_POINTS // Y, Y, 2)
    ref = reference_points[:, :, None, None, None, :, :]
    loc = (ref + off).reshape(bs, num_query, NUM_HEADS, NUM_LEVELS, NUM_POINTS, 2)
    return _ms_deform_attn(v, loc[:, :, :, 0], aw[:, :, :, 0], Hh, Ww)

def reference(query, key, value, query_pos, ref_pts_cam, spatial_shapes, bev_mask, W_value, b_value, W_off, b_off, W_attn, b_attn, W_out, b_out):
    b, Nq, c = query.shape
    n = key.shape[0]
    valid = bev_mask.sum(-1) > 0
    query_residual = query
    q = query + query_pos
    qr = jnp.broadcast_to(q[:, None], (b, n, Nq, c))
    rr = jnp.transpose(ref_pts_cam, (1, 0, 2, 3, 4))
    val_r = jnp.transpose(value, (2, 0, 1, 3)).reshape(b * n, value.shape[1], c)
    qr = qr.reshape(b * n, Nq, c)
    rr = rr.reshape(b * n, Nq, Y, 2)
    Hh = spatial_shapes[0, 0]
    Ww = spatial_shapes[0, 1]
    out = _msdeform3d(qr, val_r, rr, W_value, b_value, W_off, b_off, W_attn, b_attn, Hh, Ww)
    out = out.reshape(b, n, Nq, c)
    validf = jnp.transpose(valid, (1, 0, 2)).astype(query.dtype)
    query_out = jnp.zeros_like(query)
    for i in range(n):
        query_out = query_out + out[:, i] * validf[:, i, :, None]
    cnt = jnp.transpose(valid, (1, 2, 0)).sum(-1, keepdims=True).astype(jnp.float32)
    cnt = jnp.maximum(cnt, 1.0)
    query_out = query_out / cnt
    return query_out @ W_out.T + b_out + query_residual

if __name__ == "__main__":
    import jax
    _d = setup_inputs()
    print(jax.jit(kernel)(*tuple(_d.values())))

</pallas_src>

<mosaic_0001>
#map = affine_map<(d0, d1) -> (0, 0)>
#map1 = affine_map<(d0, d1) -> (0)>
module attributes {stable_mosaic.version = 14 : i64} {
  func.func @_sc_gather_kernel(%arg0: i32, %arg1: i32, %arg2: memref<120000x32xf32, #tpu.memory_space<hbm>>, %arg3: memref<7680000xi32, #tpu.memory_space<hbm>>, %arg4: memref<7680000xf32, #tpu.memory_space<hbm>>, %arg5: memref<240000x32xf32, #tpu.memory_space<hbm>>, %arg6: memref<1536xi32, #tpu.memory_space<vmem>>, %arg7: memref<1536xf32, #tpu.memory_space<vmem>>, %arg8: memref<1536x32xf32, #tpu.memory_space<vmem>>, %arg9: memref<1536xi32, #tpu.memory_space<vmem>>, %arg10: memref<1536xf32, #tpu.memory_space<vmem>>, %arg11: memref<1536x32xf32, #tpu.memory_space<vmem>>, %arg12: memref<48x32xf32, #tpu.memory_space<vmem>>, %arg13: memref<!tpu.dma_semaphore, #tpu.memory_space<semaphore_mem>>, %arg14: memref<!tpu.dma_semaphore, #tpu.memory_space<semaphore_mem>>) attributes {dimension_semantics = [#tpu.dimension_semantics<core_parallel>, #tpu.dimension_semantics<subcore_parallel>], iteration_bounds = array<i64: 2, 16>, scalar_prefetch = 0 : i64, scratch_operands = 9 : i64, tpu.core_type = #tpu.core_type<sc_vector_subcore>, window_params = [{transform_indices = #map}, {transform_indices = #map1}, {transform_indices = #map1}, {transform_indices = #map}]} {
    %mul3A = arith.constant 2 : i32
    %mul3A_0 = arith.muli %arg1, %mul3A : i32
    %add3A = arith.addi %mul3A_0, %arg0 : i32
    %add3A_1 = arith.constant 0 : i32
    %add3A_2 = arith.addi %add3A, %add3A_1 : i32
    %lt3A = arith.constant 5000 : i32
    %lt3A_3 = arith.cmpi slt, %add3A_2, %lt3A : i32
    %convert_element_type3A = arith.extui %lt3A_3 : i1 to i32
    %cond3A = arith.constant 0 : i32
    %cond3A_4 = arith.cmpi ne, %convert_element_type3A, %cond3A : i32
    scf.if %cond3A_4 {
      %mul3A_10 = arith.constant 1536 : i32
      %mul3A_11 = arith.muli %add3A_2, %mul3A_10 : i32
      "tpu.region"() ({
        %run_scoped3A = tpu.sem_alloc : memref<!tpu.dma_semaphore, #tpu.memory_space<semaphore_mem>>
        %dma_start3A_14 = tpu.memref_slice %arg3[%mul3A_11] : memref<7680000xi32, #tpu.memory_space<hbm>> -> memref<1536xi32, #tpu.memory_space<hbm>>
        %dma_start3A_15 = tpu.memref_slice %arg3[%mul3A_11] : memref<7680000xi32, #tpu.memory_space<hbm>> -> memref<1536xi32, #tpu.memory_space<hbm>>
        tpu.enqueue_dma source(%dma_start3A_15 : memref<1536xi32, #tpu.memory_space<hbm>>) target(%arg6 : memref<1536xi32, #tpu.memory_space<vmem>>) target_semaphore(%run_scoped3A : memref<!tpu.dma_semaphore, #tpu.memory_space<semaphore_mem>>)
        %dma_wait3A = tpu.memref_slice %arg3[%mul3A_11] : memref<7680000xi32, #tpu.memory_space<hbm>> -> memref<1536xi32, #tpu.memory_space<hbm>>
        %dma_wait3A_16 = tpu.memref_slice %arg3[%mul3A_11] : memref<7680000xi32, #tpu.memory_space<hbm>> -> memref<1536xi32, #tpu.memory_space<hbm>>
        tpu.wait_dma2 semaphore(%run_scoped3A : memref<!tpu.dma_semaphore, #tpu.memory_space<semaphore_mem>>) src(%dma_wait3A_16 : memref<1536xi32, #tpu.memory_space<hbm>>) dst(%arg6 : memref<1536xi32, #tpu.memory_space<vmem>>)
        tpu.yield
      }) : () -> ()
      "tpu.region"() ({
        %run_scoped3A = tpu.sem_alloc : memref<!tpu.dma_semaphore, #tpu.memory_space<semaphore_mem>>
        %dma_start3A_14 = tpu.memref_slice %arg4[%mul3A_11] : memref<7680000xf32, #tpu.memory_space<hbm>> -> memref<1536xf32, #tpu.memory_space<hbm>>
        %dma_start3A_15 = tpu.memref_slice %arg4[%mul3A_11] : memref<7680000xf32, #tpu.memory_space<hbm>> -> memref<1536xf32, #tpu.memory_space<hbm>>
        tpu.enqueue_dma source(%dma_start3A_15 : memref<1536xf32, #tpu.memory_space<hbm>>) target(%arg7 : memref<1536xf32, #tpu.memory_space<vmem>>) target_semaphore(%run_scoped3A : memref<!tpu.dma_semaphore, #tpu.memory_space<semaphore_mem>>)
        %dma_wait3A = tpu.memref_slice %arg4[%mul3A_11] : memref<7680000xf32, #tpu.memory_space<hbm>> -> memref<1536xf32, #tpu.memory_space<hbm>>
        %dma_wait3A_16 = tpu.memref_slice %arg4[%mul3A_11] : memref<7680000xf32, #tpu.memory_space<hbm>> -> memref<1536xf32, #tpu.memory_space<hbm>>
        tpu.wait_dma2 semaphore(%run_scoped3A : memref<!tpu.dma_semaphore, #tpu.memory_space<semaphore_mem>>) src(%dma_wait3A_16 : memref<1536xf32, #tpu.memory_space<hbm>>) dst(%arg7 : memref<1536xf32, #tpu.memory_space<vmem>>)
        tpu.yield
      }) : () -> ()
      %dma_start3A = arith.constant 0 : i32
      %dma_start3A_12 = arith.constant 0 : i32
      %dma_start3A_13 = tpu.memref_slice %arg2[%dma_start3A, %dma_start3A_12] : memref<120000x32xf32, #tpu.memory_space<hbm>> -> memref<120000x32xf32, #tpu.memory_space<hbm>>
      tpu.enqueue_indirect_dma source(%dma_start3A_13 : memref<120000x32xf32, #tpu.memory_space<hbm>>) target(%arg8 : memref<1536x32xf32, #tpu.memory_space<vmem>>) offsets(%arg6 : memref<1536xi32, #tpu.memory_space<vmem>>) semaphore(%arg13 : memref<!tpu.dma_semaphore, #tpu.memory_space<semaphore_mem>>)
    } else {
    }
    %scan3A = arith.constant 0 : i32
    %scan3A_5 = arith.constant 0 : i32
    %scan3A_6 = arith.constant 79 : i32
    %scan3A_7 = arith.addi %scan3A_5, %scan3A_6 : i32
    %scan3A_8 = arith.constant 1 : i32
    scf.for %scan3A_10 = %scan3A_5 to %scan3A_7 step %scan3A_8  : i32 {
      %mul3A_11 = arith.constant 2 : i32
      %mul3A_12 = arith.muli %scan3A_10, %mul3A_11 : i32
      %add3A_13 = arith.constant 1 : i32
      %add3A_14 = arith.addi %mul3A_12, %add3A_13 : i32
      %mul3A_15 = arith.constant 32 : i32
      %mul3A_16 = arith.muli %add3A_14, %mul3A_15 : i32
      %add3A_17 = arith.addi %add3A, %mul3A_16 : i32
      %lt3A_18 = arith.constant 5000 : i32
      %lt3A_19 = arith.cmpi slt, %add3A_17, %lt3A_18 : i32
      %convert_element_type3A_20 = arith.extui %lt3A_19 : i1 to i32
      %cond3A_21 = arith.constant 0 : i32
      %cond3A_22 = arith.cmpi ne, %convert_element_type3A_20, %cond3A_21 : i32
      scf.if %cond3A_22 {
        %mul3A_51 = arith.constant 1536 : i32
        %mul3A_52 = arith.muli %add3A_17, %mul3A_51 : i32
        "tpu.region"() ({
          %run_scoped3A = tpu.sem_alloc : memref<!tpu.dma_semaphore, #tpu.memory_space<semaphore_mem>>
          %dma_start3A_55 = tpu.memref_slice %arg3[%mul3A_52] : memref<7680000xi32, #tpu.memory_space<hbm>> -> memref<1536xi32, #tpu.memory_space<hbm>>
          %dma_start3A_56 = tpu.memref_slice %arg3[%mul3A_52] : memref<7680000xi32, #tpu.memory_space<hbm>> -> memref<1536xi32, #tpu.memory_space<hbm>>
          tpu.enqueue_dma source(%dma_start3A_56 : memref<1536xi32, #tpu.memory_space<hbm>>) target(%arg9 : memref<1536xi32, #tpu.memory_space<vmem>>) target_semaphore(%run_scoped3A : memref<!tpu.dma_semaphore, #tpu.memory_space<semaphore_mem>>)
          %dma_wait3A = tpu.memref_slice %arg3[%mul3A_52] : memref<7680000xi32, #tpu.memory_space<hbm>> -> memref<1536xi32, #tpu.memory_space<hbm>>
          %dma_wait3A_57 = tpu.memref_slice %arg3[%mul3A_52] : memref<7680000xi32, #tpu.memory_space<hbm>> -> memref<1536xi32, #tpu.memory_space<hbm>>
          tpu.wait_dma2 semaphore(%run_scoped3A : memref<!tpu.dma_semaphore, #tpu.memory_space<semaphore_mem>>) src(%dma_wait3A_57 : memref<1536xi32, #tpu.memory_space<hbm>>) dst(%arg9 : memref<1536xi32, #tpu.memory_space<vmem>>)
          tpu.yield
        }) : () -> ()
        "tpu.region"() ({
          %run_scoped3A = tpu.sem_alloc : memref<!tpu.dma_semaphore, #tpu.memory_space<semaphore_mem>>
          %dma_start3A_55 = tpu.memref_slice %arg4[%mul3A_52] : memref<7680000xf32, #tpu.memory_space<hbm>> -> memref<1536xf32, #tpu.memory_space<hbm>>
          %dma_start3A_56 = tpu.memref_slice %arg4[%mul3A_52] : memref<7680000xf32, #tpu.memory_space<hbm>> -> memref<1536xf32, #tpu.memory_space<hbm>>
          tpu.enqueue_dma source(%dma_start3A_56 : memref<1536xf32, #tpu.memory_space<hbm>>) target(%arg10 : memref<1536xf32, #tpu.memory_space<vmem>>) target_semaphore(%run_scoped3A : memref<!tpu.dma_semaphore, #tpu.memory_space<semaphore_mem>>)
          %dma_wait3A = tpu.memref_slice %arg4[%mul3A_52] : memref<7680000xf32, #tpu.memory_space<hbm>> -> memref<1536xf32, #tpu.memory_space<hbm>>
          %dma_wait3A_57 = tpu.memref_slice %arg4[%mul3A_52] : memref<7680000xf32, #tpu.memory_space<hbm>> -> memref<1536xf32, #tpu.memory_space<hbm>>
          tpu.wait_dma2 semaphore(%run_scoped3A : memref<!tpu.dma_semaphore, #tpu.memory_space<semaphore_mem>>) src(%dma_wait3A_57 : memref<1536xf32, #tpu.memory_space<hbm>>) dst(%arg10 : memref<1536xf32, #tpu.memory_space<vmem>>)
          tpu.yield
        }) : () -> ()
        %dma_start3A = arith.constant 0 : i32
        %dma_start3A_53 = arith.constant 0 : i32
        %dma_start3A_54 = tpu.memref_slice %arg2[%dma_start3A, %dma_start3A_53] : memref<120000x32xf32, #tpu.memory_space<hbm>> -> memref<120000x32xf32, #tpu.memory_space<hbm>>
        tpu.enqueue_indirect_dma source(%dma_start3A_54 : memref<120000x32xf32, #tpu.memory_space<hbm>>) target(%arg11 : memref<1536x32xf32, #tpu.memory_space<vmem>>) offsets(%arg9 : memref<1536xi32, #tpu.memory_space<vmem>>) semaphore(%arg14 : memref<!tpu.dma_semaphore, #tpu.memory_space<semaphore_mem>>)
      } else {
      }
      %mul3A_23 = arith.constant 32 : i32
      %mul3A_24 = arith.muli %mul3A_12, %mul3A_23 : i32
      %add3A_25 = arith.addi %add3A, %mul3A_24 : i32
      %lt3A_26 = arith.constant 5000 : i32
      %lt3A_27 = arith.cmpi slt, %add3A_25, %lt3A_26 : i32
      %convert_element_type3A_28 = arith.extui %lt3A_27 : i1 to i32
      %cond3A_29 = arith.constant 0 : i32
      %cond3A_30 = arith.cmpi ne, %convert_element_type3A_28, %cond3A_29 : i32
      scf.if %cond3A_30 {
        %dma_wait3A = arith.constant 0 : i32
        %dma_wait3A_51 = arith.constant 0 : i32
        %dma_wait3A_52 = tpu.memref_slice %arg2[%dma_wait3A, %dma_wait3A_51] : memref<120000x32xf32, #tpu.memory_space<hbm>> -> memref<120000x32xf32, #tpu.memory_space<hbm>>
        tpu.wait_indirect_dma semaphore(%arg13 : memref<!tpu.dma_semaphore, #tpu.memory_space<semaphore_mem>>) src(%dma_wait3A_52 : memref<120000x32xf32, #tpu.memory_space<hbm>>) dst(%arg8 : memref<1536x32xf32, #tpu.memory_space<vmem>>)
        %scan3A_53 = arith.constant 0 : i32
        %scan3A_54 = arith.constant 0 : i32
        %scan3A_55 = arith.constant 48 : i32
        %scan3A_56 = arith.addi %scan3A_54, %scan3A_55 : i32
        %scan3A_57 = arith.constant 1 : i32
        scf.for %scan3A_61 = %scan3A_54 to %scan3A_56 step %scan3A_57  : i32 {
          %mul3A_62 = arith.constant 32 : i32
          %mul3A_63 = arith.muli %scan3A_61, %mul3A_62 : i32
          %get3A = arith.index_cast %mul3A_63 : i32 to index
          %get3A_64 = tpu.vector_load %arg7[%get3A] {strides = array<i32>} : memref<1536xf32, #tpu.memory_space<vmem>>, vector<16xf32>,
          %get3A_65 = vector.shape_cast %get3A_64 : vector<16xf32> to vector<16xf32>
          %add3A_66 = arith.constant 16 : i32
          %add3A_67 = arith.addi %mul3A_63, %add3A_66 : i32
          %get3A_68 = arith.index_cast %add3A_67 : i32 to index
          %get3A_69 = tpu.vector_load %arg7[%get3A_68] {strides = array<i32>} : memref<1536xf32, #tpu.memory_space<vmem>>, vector<16xf32>,
          %get3A_70 = vector.shape_cast %get3A_69 : vector<16xf32> to vector<16xf32>
          %broadcast_in_dim3A = arith.constant 0.000000e+00 : f32
          %broadcast_in_dim3A_71 = vector.broadcast %broadcast_in_dim3A : f32 to vector<16xf32>
          %broadcast_in_dim3A_72 = arith.constant 0.000000e+00 : f32
          %broadcast_in_dim3A_73 = vector.broadcast %broadcast_in_dim3A_72 : f32 to vector<16xf32>
          %slice3A = vector.extract_strided_slice %get3A_65 {offsets = [0], sizes = [1], strides = [1]} : vector<16xf32> to vector<1xf32>
          %squeeze3A = vector.extract %slice3A[0] : f32 from vector<1xf32>
          %add3A_74 = arith.constant 0 : i32
          %add3A_75 = arith.addi %mul3A_63, %add3A_74 : i32
          %get3A_76 = arith.index_cast %add3A_75 : i32 to index
          %get3A_77 = arith.constant 0 : index
          %get3A_78 = tpu.vector_load %arg8[%get3A_76, %get3A_77] {strides = array<i32>} : memref<1536x32xf32, #tpu.memory_space<vmem>>, vector<1x16xf32>,
          %get3A_79 = vector.shape_cast %get3A_78 : vector<1x16xf32> to vector<16xf32>
          %mul3A_80 = vector.broadcast %squeeze3A : f32 to vector<16xf32>
          %mul3A_81 = arith.mulf %mul3A_80, %get3A_79 : vector<16xf32>
          %add3A_82 = arith.addf %broadcast_in_dim3A_71, %mul3A_81 : vector<16xf32>
          %add3A_83 = arith.constant 0 : i32
          %add3A_84 = arith.addi %mul3A_63, %add3A_83 : i32
          %get3A_85 = arith.index_cast %add3A_84 : i32 to index
          %get3A_86 = arith.constant 16 : index
          %get3A_87 = tpu.vector_load %arg8[%get3A_85, %get3A_86] {strides = array<i32>} : memref<1536x32xf32, #tpu.memory_space<vmem>>, vector<1x16xf32>,
          %get3A_88 = vector.shape_cast %get3A_87 : vector<1x16xf32> to vector<16xf32>
          %mul3A_89 = vector.broadcast %squeeze3A : f32 to vector<16xf32>
          %mul3A_90 = arith.mulf %mul3A_89, %get3A_88 : vector<16xf32>
          %add3A_91 = arith.addf %broadcast_in_dim3A_73, %mul3A_90 : vector<16xf32>
          %slice3A_92 = vector.extract_strided_slice %get3A_65 {offsets = [1], sizes = [1], strides = [1]} : vector<16xf32> to vector<1xf32>
          %squeeze3A_93 = vector.extract %slice3A_92[0] : f32 from vector<1xf32>
          %add3A_94 = arith.constant 1 : i32
          %add3A_95 = arith.addi %mul3A_63, %add3A_94 : i32
          %get3A_96 = arith.index_cast %add3A_95 : i32 to index
          %get3A_97 = arith.constant 0 : index
          %get3A_98 = tpu.vector_load %arg8[%get3A_96, %get3A_97] {strides = array<i32>} : memref<1536x32xf32, #tpu.memory_space<vmem>>, vector<1x16xf32>,
          %get3A_99 = vector.shape_cast %get3A_98 : vector<1x16xf32> to vector<16xf32>
          %mul3A_100 = vector.broadcast %squeeze3A_93 : f32 to vector<16xf32>
          %mul3A_101 = arith.mulf %mul3A_100, %get3A_99 : vector<16xf32>
          %add3A_102 = arith.addf %add3A_82, %mul3A_101 : vector<16xf32>
          %add3A_103 = arith.constant 1 : i32
          %add3A_104 = arith.addi %mul3A_63, %add3A_103 : i32
          %get3A_105 = arith.index_cast %add3A_104 : i32 to index
          %get3A_106 = arith.constant 16 : index
          %get3A_107 = tpu.vector_load %arg8[%get3A_105, %get3A_106] {strides = array<i32>} : memref<1536x32xf32, #tpu.memory_space<vmem>>, vector<1x16xf32>,
          %get3A_108 = vector.shape_cast %get3A_107 : vector<1x16xf32> to vector<16xf32>
          %mul3A_109 = vector.broadcast %squeeze3A_93 : f32 to vector<16xf32>
          %mul3A_110 = arith.mulf %mul3A_109, %get3A_108 : vector<16xf32>
          %add3A_111 = arith.addf %add3A_91, %mul3A_110 : vector<16xf32>
          %slice3A_112 = vector.extract_strided_slice %get3A_65 {offsets = [2], sizes = [1], strides = [1]} : vector<16xf32> to vector<1xf32>
          %squeeze3A_113 = vector.extract %slice3A_112[0] : f32 from vector<1xf32>
          %add3A_114 = arith.constant 2 : i32
          %add3A_115 = arith.addi %mul3A_63, %add3A_114 : i32
          %get3A_116 = arith.index_cast %add3A_115 : i32 to index
          %get3A_117 = arith.constant 0 : index
          %get3A_118 = tpu.vector_load %arg8[%get3A_116, %get3A_117] {strides = array<i32>} : memref<1536x32xf32, #tpu.memory_space<vmem>>, vector<1x16xf32>,
          %get3A_119 = vector.shape_cast %get3A_118 : vector<1x16xf32> to vector<16xf32>
          %mul3A_120 = vector.broadcast %squeeze3A_113 : f32 to vector<16xf32>
          %mul3A_121 = arith.mulf %mul3A_120, %get3A_119 : vector<16xf32>
          %add3A_122 = arith.addf %add3A_102, %mul3A_121 : vector<16xf32>
          %add3A_123 = arith.constant 2 : i32
          %add3A_124 = arith.addi %mul3A_63, %add3A_123 : i32
          %get3A_125 = arith.index_cast %add3A_124 : i32 to index
          %get3A_126 = arith.constant 16 : index
          %get3A_127 = tpu.vector_load %arg8[%get3A_125, %get3A_126] {strides = array<i32>} : memref<1536x32xf32, #tpu.memory_space<vmem>>, vector<1x16xf32>,
          %get3A_128 = vector.shape_cast %get3A_127 : vector<1x16xf32> to vector<16xf32>
          %mul3A_129 = vector.broadcast %squeeze3A_113 : f32 to vector<16xf32>
          %mul3A_130 = arith.mulf %mul3A_129, %get3A_128 : vector<16xf32>
          %add3A_131 = arith.addf %add3A_111, %mul3A_130 : vector<16xf32>
          %slice3A_132 = vector.extract_strided_slice %get3A_65 {offsets = [3], sizes = [1], strides = [1]} : vector<16xf32> to vector<1xf32>
          %squeeze3A_133 = vector.extract %slice3A_132[0] : f32 from vector<1xf32>
          %add3A_134 = arith.constant 3 : i32
          %add3A_135 = arith.addi %mul3A_63, %add3A_134 : i32
          %get3A_136 = arith.index_cast %add3A_135 : i32 to index
          %get3A_137 = arith.constant 0 : index
          %get3A_138 = tpu.vector_load %arg8[%get3A_136, %get3A_137] {strides = array<i32>} : memref<1536x32xf32, #tpu.memory_space<vmem>>, vector<1x16xf32>,
          %get3A_139 = vector.shape_cast %get3A_138 : vector<1x16xf32> to vector<16xf32>
          %mul3A_140 = vector.broadcast %squeeze3A_133 : f32 to vector<16xf32>
          %mul3A_141 = arith.mulf %mul3A_140, %get3A_139 : vector<16xf32>
          %add3A_142 = arith.addf %add3A_122, %mul3A_141 : vector<16xf32>
          %add3A_143 = arith.constant 3 : i32
          %add3A_144 = arith.addi %mul3A_63, %add3A_143 : i32
          %get3A_145 = arith.index_cast %add3A_144 : i32 to index
          %get3A_146 = arith.constant 16 : index
          %get3A_147 = tpu.vector_load %arg8[%get3A_145, %get3A_146] {strides = array<i32>} : memref<1536x32xf32, #tpu.memory_space<vmem>>, vector<1x16xf32>,
          %get3A_148 = vector.shape_cast %get3A_147 : vector<1x16xf32> to vector<16xf32>
          %mul3A_149 = vector.broadcast %squeeze3A_133 : f32 to vector<16xf32>
          %mul3A_150 = arith.mulf %mul3A_149, %get3A_148 : vector<16xf32>
          %add3A_151 = arith.addf %add3A_131, %mul3A_150 : vector<16xf32>
          %slice3A_152 = vector.extract_strided_slice %get3A_65 {offsets = [4], sizes = [1], strides = [1]} : vector<16xf32> to vector<1xf32>
          %squeeze3A_153 = vector.extract %slice3A_152[0] : f32 from vector<1xf32>
          %add3A_154 = arith.constant 4 : i32
          %add3A_155 = arith.addi %mul3A_63, %add3A_154 : i32
          %get3A_156 = arith.index_cast %add3A_155 : i32 to index
          %get3A_157 = arith.constant 0 : index
          %get3A_158 = tpu.vector_load %arg8[%get3A_156, %get3A_157] {strides = array<i32>} : memref<1536x32xf32, #tpu.memory_space<vmem>>, vector<1x16xf32>,
          %get3A_159 = vector.shape_cast %get3A_158 : vector<1x16xf32> to vector<16xf32>
          %mul3A_160 = vector.broadcast %squeeze3A_153 : f32 to vector<16xf32>
          %mul3A_161 = arith.mulf %mul3A_160, %get3A_159 : vector<16xf32>
          %add3A_162 = arith.addf %add3A_142, %mul3A_161 : vector<16xf32>
          %add3A_163 = arith.constant 4 : i32
          %add3A_164 = arith.addi %mul3A_63, %add3A_163 : i32
          %get3A_165 = arith.index_cast %add3A_164 : i32 to index
          %get3A_166 = arith.constant 16 : index
          %get3A_167 = tpu.vector_load %arg8[%get3A_165, %get3A_166] {strides = array<i32>} : memref<1536x32xf32, #tpu.memory_space<vmem>>, vector<1x16xf32>,
          %get3A_168 = vector.shape_cast %get3A_167 : vector<1x16xf32> to vector<16xf32>
          %mul3A_169 = vector.broadcast %squeeze3A_153 : f32 to vector<16xf32>
          %mul3A_170 = arith.mulf %mul3A_169, %get3A_168 : vector<16xf32>
          %add3A_171 = arith.addf %add3A_151, %mul3A_170 : vector<16xf32>
          %slice3A_172 = vector.extract_strided_slice %get3A_65 {offsets = [5], sizes = [1], strides = [1]} : vector<16xf32> to vector<1xf32>
          %squeeze3A_173 = vector.extract %slice3A_172[0] : f32 from vector<1xf32>
          %add3A_174 = arith.constant 5 : i32
          %add3A_175 = arith.addi %mul3A_63, %add3A_174 : i32
          %get3A_176 = arith.index_cast %add3A_175 : i32 to index
          %get3A_177 = arith.constant 0 : index
          %get3A_178 = tpu.vector_load %arg8[%get3A_176, %get3A_177] {strides = array<i32>} : memref<1536x32xf32, #tpu.memory_space<vmem>>, vector<1x16xf32>,
          %get3A_179 = vector.shape_cast %get3A_178 : vector<1x16xf32> to vector<16xf32>
          %mul3A_180 = vector.broadcast %squeeze3A_173 : f32 to vector<16xf32>
          %mul3A_181 = arith.mulf %mul3A_180, %get3A_179 : vector<16xf32>
          %add3A_182 = arith.addf %add3A_162, %mul3A_181 : vector<16xf32>
          %add3A_183 = arith.constant 5 : i32
          %add3A_184 = arith.addi %mul3A_63, %add3A_183 : i32
          %get3A_185 = arith.index_cast %add3A_184 : i32 to index
          %get3A_186 = arith.constant 16 : index
          %get3A_187 = tpu.vector_load %arg8[%get3A_185, %get3A_186] {strides = array<i32>} : memref<1536x32xf32, #tpu.memory_space<vmem>>, vector<1x16xf32>,
          %get3A_188 = vector.shape_cast %get3A_187 : vector<1x16xf32> to vector<16xf32>
          %mul3A_189 = vector.broadcast %squeeze3A_173 : f32 to vector<16xf32>
          %mul3A_190 = arith.mulf %mul3A_189, %get3A_188 : vector<16xf32>
          %add3A_191 = arith.addf %add3A_171, %mul3A_190 : vector<16xf32>
          %slice3A_192 = vector.extract_strided_slice %get3A_65 {offsets = [6], sizes = [1], strides = [1]} : vector<16xf32> to vector<1xf32>
          %squeeze3A_193 = vector.extract %slice3A_192[0] : f32 from vector<1xf32>
          %add3A_194 = arith.constant 6 : i32
          %add3A_195 = arith.addi %mul3A_63, %add3A_194 : i32
          %get3A_196 = arith.index_cast %add3A_195 : i32 to index
          %get3A_197 = arith.constant 0 : index
          %get3A_198 = tpu.vector_load %arg8[%get3A_196, %get3A_197] {strides = array<i32>} : memref<1536x32xf32, #tpu.memory_space<vmem>>, vector<1x16xf32>,
          %get3A_199 = vector.shape_cast %get3A_198 : vector<1x16xf32> to vector<16xf32>
          %mul3A_200 = vector.broadcast %squeeze3A_193 : f32 to vector<16xf32>
          %mul3A_201 = arith.mulf %mul3A_200, %get3A_199 : vector<16xf32>
          %add3A_202 = arith.addf %add3A_182, %mul3A_201 : vector<16xf32>
          %add3A_203 = arith.constant 6 : i32
          %add3A_204 = arith.addi %mul3A_63, %add3A_203 : i32
          %get3A_205 = arith.index_cast %add3A_204 : i32 to index
          %get3A_206 = arith.constant 16 : index
          %get3A_207 = tpu.vector_load %arg8[%get3A_205, %get3A_206] {strides = array<i32>} : memref<1536x32xf32, #tpu.memory_space<vmem>>, vector<1x16xf32>,
          %get3A_208 = vector.shape_cast %get3A_207 : vector<1x16xf32> to vector<16xf32>
          %mul3A_209 = vector.broadcast %squeeze3A_193 : f32 to vector<16xf32>
          %mul3A_210 = arith.mulf %mul3A_209, %get3A_208 : vector<16xf32>
          %add3A_211 = arith.addf %add3A_191, %mul3A_210 : vector<16xf32>
          %slice3A_212 = vector.extract_strided_slice %get3A_65 {offsets = [7], sizes = [1], strides = [1]} : vector<16xf32> to vector<1xf32>
          %squeeze3A_213 = vector.extract %slice3A_212[0] : f32 from vector<1xf32>
          %add3A_214 = arith.constant 7 : i32
          %add3A_215 = arith.addi %mul3A_63, %add3A_214 : i32
          %get3A_216 = arith.index_cast %add3A_215 : i32 to index
          %get3A_217 = arith.constant 0 : index
          %get3A_218 = tpu.vector_load %arg8[%get3A_216, %get3A_217] {strides = array<i32>} : memref<1536x32xf32, #tpu.memory_space<vmem>>, vector<1x16xf32>,
          %get3A_219 = vector.shape_cast %get3A_218 : vector<1x16xf32> to vector<16xf32>
          %mul3A_220 = vector.broadcast %squeeze3A_213 : f32 to vector<16xf32>
          %mul3A_221 = arith.mulf %mul3A_220, %get3A_219 : vector<16xf32>
          %add3A_222 = arith.addf %add3A_202, %mul3A_221 : vector<16xf32>
          %add3A_223 = arith.constant 7 : i32
          %add3A_224 = arith.addi %mul3A_63, %add3A_223 : i32
          %get3A_225 = arith.index_cast %add3A_224 : i32 to index
          %get3A_226 = arith.constant 16 : index
          %get3A_227 = tpu.vector_load %arg8[%get3A_225, %get3A_226] {strides = array<i32>} : memref<1536x32xf32, #tpu.memory_space<vmem>>, vector<1x16xf32>,
          %get3A_228 = vector.shape_cast %get3A_227 : vector<1x16xf32> to vector<16xf32>
          %mul3A_229 = vector.broadcast %squeeze3A_213 : f32 to vector<16xf32>
          %mul3A_230 = arith.mulf %mul3A_229, %get3A_228 : vector<16xf32>
          %add3A_231 = arith.addf %add3A_211, %mul3A_230 : vector<16xf32>
          %slice3A_232 = vector.extract_strided_slice %get3A_65 {offsets = [8], sizes = [1], strides = [1]} : vector<16xf32> to vector<1xf32>
          %squeeze3A_233 = vector.extract %slice3A_232[0] : f32 from vector<1xf32>
          %add3A_234 = arith.constant 8 : i32
          %add3A_235 = arith.addi %mul3A_63, %add3A_234 : i32
          %get3A_236 = arith.index_cast %add3A_235 : i32 to index
          %get3A_237 = arith.constant 0 : index
          %get3A_238 = tpu.vector_load %arg8[%get3A_236, %get3A_237] {strides = array<i32>} : memref<1536x32xf32, #tpu.memory_space<vmem>>, vector<1x16xf32>,
          %get3A_239 = vector.shape_cast %get3A_238 : vector<1x16xf32> to vector<16xf32>
          %mul3A_240 = vector.broadcast %squeeze3A_233 : f32 to vector<16xf32>
          %mul3A_241 = arith.mulf %mul3A_240, %get3A_239 : vector<16xf32>
          %add3A_242 = arith.addf %add3A_222, %mul3A_241 : vector<16xf32>
          %add3A_243 = arith.constant 8 : i32
          %add3A_244 = arith.addi %mul3A_63, %add3A_243 : i32
          %get3A_245 = arith.index_cast %add3A_244 : i32 to index
          %get3A_246 = arith.constant 16 : index
          %get3A_247 = tpu.vector_load %arg8[%get3A_245, %get3A_246] {strides = array<i32>} : memref<1536x32xf32, #tpu.memory_space<vmem>>, vector<1x16xf32>,
          %get3A_248 = vector.shape_cast %get3A_247 : vector<1x16xf32> to vector<16xf32>
          %mul3A_249 = vector.broadcast %squeeze3A_233 : f32 to vector<16xf32>
          %mul3A_250 = arith.mulf %mul3A_249, %get3A_248 : vector<16xf32>
          %add3A_251 = arith.addf %add3A_231, %mul3A_250 : vector<16xf32>
          %slice3A_252 = vector.extract_strided_slice %get3A_65 {offsets = [9], sizes = [1], strides = [1]} : vector<16xf32> to vector<1xf32>
          %squeeze3A_253 = vector.extract %slice3A_252[0] : f32 from vector<1xf32>
          %add3A_254 = arith.constant 9 : i32
          %add3A_255 = arith.addi %mul3A_63, %add3A_254 : i32
          %get3A_256 = arith.index_cast %add3A_255 : i32 to index
          %get3A_257 = arith.constant 0 : index
          %get3A_258 = tpu.vector_load %arg8[%get3A_256, %get3A_257] {strides = array<i32>} : memref<1536x32xf32, #tpu.memory_space<vmem>>, vector<1x16xf32>,
          %get3A_259 = vector.shape_cast %get3A_258 : vector<1x16xf32> to vector<16xf32>
          %mul3A_260 = vector.broadcast %squeeze3A_253 : f32 to vector<16xf32>
          %mul3A_261 = arith.mulf %mul3A_260, %get3A_259 : vector<16xf32>
          %add3A_262 = arith.addf %add3A_242, %mul3A_261 : vector<16xf32>
          %add3A_263 = arith.constant 9 : i32
          %add3A_264 = arith.addi %mul3A_63, %add3A_263 : i32
          %get3A_265 = arith.index_cast %add3A_264 : i32 to index
          %get3A_266 = arith.constant 16 : index
          %get3A_267 = tpu.vector_load %arg8[%get3A_265, %get3A_266] {strides = array<i32>} : memref<1536x32xf32, #tpu.memory_space<vmem>>, vector<1x16xf32>,
          %get3A_268 = vector.shape_cast %get3A_267 : vector<1x16xf32> to vector<16xf32>
          %mul3A_269 = vector.broadcast %squeeze3A_253 : f32 to vector<16xf32>
          %mul3A_270 = arith.mulf %mul3A_269, %get3A_268 : vector<16xf32>
          %add3A_271 = arith.addf %add3A_251, %mul3A_270 : vector<16xf32>
          %slice3A_272 = vector.extract_strided_slice %get3A_65 {offsets = [10], sizes = [1], strides = [1]} : vector<16xf32> to vector<1xf32>
          %squeeze3A_273 = vector.extract %slice3A_272[0] : f32 from vector<1xf32>
          %add3A_274 = arith.constant 10 : i32
          %add3A_275 = arith.addi %mul3A_63, %add3A_274 : i32
          %get3A_276 = arith.index_cast %add3A_275 : i32 to index
          %get3A_277 = arith.constant 0 : index
          %get3A_278 = tpu.vector_load %arg8[%get3A_276, %get3A_277] {strides = array<i32>} : memref<1536x32xf32, #tpu.memory_space<vmem>>, vector<1x16xf32>,
          %get3A_279 = vector.shape_cast %get3A_278 : vector<1x16xf32> to vector<16xf32>
          %mul3A_280 = vector.broadcast %squeeze3A_273 : f32 to vector<16xf32>
          %mul3A_281 = arith.mulf %mul3A_280, %get3A_279 : vector<16xf32>
          %add3A_282 = arith.addf %add3A_262, %mul3A_281 : vector<16xf32>
          %add3A_283 = arith.constant 10 : i32
          %add3A_284 = arith.addi %mul3A_63, %add3A_283 : i32
          %get3A_285 = arith.index_cast %add3A_284 : i32 to index
          %get3A_286 = arith.constant 16 : index
          %get3A_287 = tpu.vector_load %arg8[%get3A_285, %get3A_286] {strides = array<i32>} : memref<1536x32xf32, #tpu.memory_space<vmem>>, vector<1x16xf32>,
          %get3A_288 = vector.shape_cast %get3A_287 : vector<1x16xf32> to vector<16xf32>
          %mul3A_289 = vector.broadcast %squeeze3A_273 : f32 to vector<16xf32>
          %mul3A_290 = arith.mulf %mul3A_289, %get3A_288 : vector<16xf32>
          %add3A_291 = arith.addf %add3A_271, %mul3A_290 : vector<16xf32>
          %slice3A_292 = vector.extract_strided_slice %get3A_65 {offsets = [11], sizes = [1], strides = [1]} : vector<16xf32> to vector<1xf32>
          %squeeze3A_293 = vector.extract %slice3A_292[0] : f32 from vector<1xf32>
          %add3A_294 = arith.constant 11 : i32
          %add3A_295 = arith.addi %mul3A_63, %add3A_294 : i32
          %get3A_296 = arith.index_cast %add3A_295 : i32 to index
          %get3A_297 = arith.constant 0 : index
          %get3A_298 = tpu.vector_load %arg8[%get3A_296, %get3A_297] {strides = array<i32>} : memref<1536x32xf32, #tpu.memory_space<vmem>>, vector<1x16xf32>,
          %get3A_299 = vector.shape_cast %get3A_298 : vector<1x16xf32> to vector<16xf32>
          %mul3A_300 = vector.broadcast %squeeze3A_293 : f32 to vector<16xf32>
          %mul3A_301 = arith.mulf %mul3A_300, %get3A_299 : vector<16xf32>
          %add3A_302 = arith.addf %add3A_282, %mul3A_301 : vector<16xf32>
          %add3A_303 = arith.constant 11 : i32
          %add3A_304 = arith.addi %mul3A_63, %add3A_303 : i32
          %get3A_305 = arith.index_cast %add3A_304 : i32 to index
          %get3A_306 = arith.constant 16 : index
          %get3A_307 = tpu.vector_load %arg8[%get3A_305, %get3A_306] {strides = array<i32>} : memref<1536x32xf32, #tpu.memory_space<vmem>>, vector<1x16xf32>,
          %get3A_308 = vector.shape_cast %get3A_307 : vector<1x16xf32> to vector<16xf32>
          %mul3A_309 = vector.broadcast %squeeze3A_293 : f32 to vector<16xf32>
          %mul3A_310 = arith.mulf %mul3A_309, %get3A_308 : vector<16xf32>
          %add3A_311 = arith.addf %add3A_291, %mul3A_310 : vector<16xf32>
          %slice3A_312 = vector.extract_strided_slice %get3A_65 {offsets = [12], sizes = [1], strides = [1]} : vector<16xf32> to vector<1xf32>
          %squeeze3A_313 = vector.extract %slice3A_312[0] : f32 from vector<1xf32>
          %add3A_314 = arith.constant 12 : i32
          %add3A_315 = arith.addi %mul3A_63, %add3A_314 : i32
          %get3A_316 = arith.index_cast %add3A_315 : i32 to index
          %get3A_317 = arith.constant 0 : index
          %get3A_318 = tpu.vector_load %arg8[%get3A_316, %get3A_317] {strides = array<i32>} : memref<1536x32xf32, #tpu.memory_space<vmem>>, vector<1x16xf32>,
          %get3A_319 = vector.shape_cast %get3A_318 : vector<1x16xf32> to vector<16xf32>
          %mul3A_320 = vector.broadcast %squeeze3A_313 : f32 to vector<16xf32>
          %mul3A_321 = arith.mulf %mul3A_320, %get3A_319 : vector<16xf32>
          %add3A_322 = arith.addf %add3A_302, %mul3A_321 : vector<16xf32>
          %add3A_323 = arith.constant 12 : i32
          %add3A_324 = arith.addi %mul3A_63, %add3A_323 : i32
          %get3A_325 = arith.index_cast %add3A_324 : i32 to index
          %get3A_326 = arith.constant 16 : index
          %get3A_327 = tpu.vector_load %arg8[%get3A_325, %get3A_326] {strides = array<i32>} : memref<1536x32xf32, #tpu.memory_space<vmem>>, vector<1x16xf32>,
          %get3A_328 = vector.shape_cast %get3A_327 : vector<1x16xf32> to vector<16xf32>
          %mul3A_329 = vector.broadcast %squeeze3A_313 : f32 to vector<16xf32>
          %mul3A_330 = arith.mulf %mul3A_329, %get3A_328 : vector<16xf32>
          %add3A_331 = arith.addf %add3A_311, %mul3A_330 : vector<16xf32>
          %slice3A_332 = vector.extract_strided_slice %get3A_65 {offsets = [13], sizes = [1], strides = [1]} : vector<16xf32> to vector<1xf32>
          %squeeze3A_333 = vector.extract %slice3A_332[0] : f32 from vector<1xf32>
          %add3A_334 = arith.constant 13 : i32
          %add3A_335 = arith.addi %mul3A_63, %add3A_334 : i32
          %get3A_336 = arith.index_cast %add3A_335 : i32 to index
          %get3A_337 = arith.constant 0 : index
          %get3A_338 = tpu.vector_load %arg8[%get3A_336, %get3A_337] {strides = array<i32>} : memref<1536x32xf32, #tpu.memory_space<vmem>>, vector<1x16xf32>,
          %get3A_339 = vector.shape_cast %get3A_338 : vector<1x16xf32> to vector<16xf32>
          %mul3A_340 = vector.broadcast %squeeze3A_333 : f32 to vector<16xf32>
          %mul3A_341 = arith.mulf %mul3A_340, %get3A_339 : vector<16xf32>
          %add3A_342 = arith.addf %add3A_322, %mul3A_341 : vector<16xf32>
          %add3A_343 = arith.constant 13 : i32
          %add3A_344 = arith.addi %mul3A_63, %add3A_343 : i32
          %get3A_345 = arith.index_cast %add3A_344 : i32 to index
          %get3A_346 = arith.constant 16 : index
          %get3A_347 = tpu.vector_load %arg8[%get3A_345, %get3A_346] {strides = array<i32>} : memref<1536x32xf32, #tpu.memory_space<vmem>>, vector<1x16xf32>,
          %get3A_348 = vector.shape_cast %get3A_347 : vector<1x16xf32> to vector<16xf32>
          %mul3A_349 = vector.broadcast %squeeze3A_333 : f32 to vector<16xf32>
          %mul3A_350 = arith.mulf %mul3A_349, %get3A_348 : vector<16xf32>
          %add3A_351 = arith.addf %add3A_331, %mul3A_350 : vector<16xf32>
          %slice3A_352 = vector.extract_strided_slice %get3A_65 {offsets = [14], sizes = [1], strides = [1]} : vector<16xf32> to vector<1xf32>
          %squeeze3A_353 = vector.extract %slice3A_352[0] : f32 from vector<1xf32>
          %add3A_354 = arith.constant 14 : i32
          %add3A_355 = arith.addi %mul3A_63, %add3A_354 : i32
          %get3A_356 = arith.index_cast %add3A_355 : i32 to index
          %get3A_357 = arith.constant 0 : index
          %get3A_358 = tpu.vector_load %arg8[%get3A_356, %get3A_357] {strides = array<i32>} : memref<1536x32xf32, #tpu.memory_space<vmem>>, vector<1x16xf32>,
          %get3A_359 = vector.shape_cast %get3A_358 : vector<1x16xf32> to vector<16xf32>
          %mul3A_360 = vector.broadcast %squeeze3A_353 : f32 to vector<16xf32>
          %mul3A_361 = arith.mulf %mul3A_360, %get3A_359 : vector<16xf32>
          %add3A_362 = arith.addf %add3A_342, %mul3A_361 : vector<16xf32>
          %add3A_363 = arith.constant 14 : i32
          %add3A_364 = arith.addi %mul3A_63, %add3A_363 : i32
          %get3A_365 = arith.index_cast %add3A_364 : i32 to index
          %get3A_366 = arith.constant 16 : index
          %get3A_367 = tpu.vector_load %arg8[%get3A_365, %get3A_366] {strides = array<i32>} : memref<1536x32xf32, #tpu.memory_space<vmem>>, vector<1x16xf32>,
          %get3A_368 = vector.shape_cast %get3A_367 : vector<1x16xf32> to vector<16xf32>
          %mul3A_369 = vector.broadcast %squeeze3A_353 : f32 to vector<16xf32>
          %mul3A_370 = arith.mulf %mul3A_369, %get3A_368 : vector<16xf32>
          %add3A_371 = arith.addf %add3A_351, %mul3A_370 : vector<16xf32>
          %slice3A_372 = vector.extract_strided_slice %get3A_65 {offsets = [15], sizes = [1], strides = [1]} : vector<16xf32> to vector<1xf32>
          %squeeze3A_373 = vector.extract %slice3A_372[0] : f32 from vector<1xf32>
          %add3A_374 = arith.constant 15 : i32
          %add3A_375 = arith.addi %mul3A_63, %add3A_374 : i32
          %get3A_376 = arith.index_cast %add3A_375 : i32 to index
          %get3A_377 = arith.constant 0 : index
          %get3A_378 = tpu.vector_load %arg8[%get3A_376, %get3A_377] {strides = array<i32>} : memref<1536x32xf32, #tpu.memory_space<vmem>>, vector<1x16xf32>,
          %get3A_379 = vector.shape_cast %get3A_378 : vector<1x16xf32> to vector<16xf32>
          %mul3A_380 = vector.broadcast %squeeze3A_373 : f32 to vector<16xf32>
          %mul3A_381 = arith.mulf %mul3A_380, %get3A_379 : vector<16xf32>
          %add3A_382 = arith.addf %add3A_362, %mul3A_381 : vector<16xf32>
          %add3A_383 = arith.constant 15 : i32
          %add3A_384 = arith.addi %mul3A_63, %add3A_383 : i32
          %get3A_385 = arith.index_cast %add3A_384 : i32 to index
          %get3A_386 = arith.constant 16 : index
          %get3A_387 = tpu.vector_load %arg8[%get3A_385, %get3A_386] {strides = array<i32>} : memref<1536x32xf32, #tpu.memory_space<vmem>>, vector<1x16xf32>,
          %get3A_388 = vector.shape_cast %get3A_387 : vector<1x16xf32> to vector<16xf32>
          %mul3A_389 = vector.broadcast %squeeze3A_373 : f32 to vector<16xf32>
          %mul3A_390 = arith.mulf %mul3A_389, %get3A_388 : vector<16xf32>
          %add3A_391 = arith.addf %add3A_371, %mul3A_390 : vector<16xf32>
          %slice3A_392 = vector.extract_strided_slice %get3A_70 {offsets = [0], sizes = [1], strides = [1]} : vector<16xf32> to vector<1xf32>
          %squeeze3A_393 = vector.extract %slice3A_392[0] : f32 from vector<1xf32>
          %add3A_394 = arith.constant 16 : i32
          %add3A_395 = arith.addi %mul3A_63, %add3A_394 : i32
          %get3A_396 = arith.index_cast %add3A_395 : i32 to index
          %get3A_397 = arith.constant 0 : index
          %get3A_398 = tpu.vector_load %arg8[%get3A_396, %get3A_397] {strides = array<i32>} : memref<1536x32xf32, #tpu.memory_space<vmem>>, vector<1x16xf32>,
          %get3A_399 = vector.shape_cast %get3A_398 : vector<1x16xf32> to vector<16xf32>
          %mul3A_400 = vector.broadcast %squeeze3A_393 : f32 to vector<16xf32>
          %mul3A_401 = arith.mulf %mul3A_400, %get3A_399 : vector<16xf32>
          %add3A_402 = arith.addf %add3A_382, %mul3A_401 : vector<16xf32>
          %add3A_403 = arith.constant 16 : i32
          %add3A_404 = arith.addi %mul3A_63, %add3A_403 : i32
          %get3A_405 = arith.index_cast %add3A_404 : i32 to index
          %get3A_406 = arith.constant 16 : index
          %get3A_407 = tpu.vector_load %arg8[%get3A_405, %get3A_406] {strides = array<i32>} : memref<1536x32xf32, #tpu.memory_space<vmem>>, vector<1x16xf32>,
          %get3A_408 = vector.shape_cast %get3A_407 : vector<1x16xf32> to vector<16xf32>
          %mul3A_409 = vector.broadcast %squeeze3A_393 : f32 to vector<16xf32>
          %mul3A_410 = arith.mulf %mul3A_409, %get3A_408 : vector<16xf32>
          %add3A_411 = arith.addf %add3A_391, %mul3A_410 : vector<16xf32>
          %slice3A_412 = vector.extract_strided_slice %get3A_70 {offsets = [1], sizes = [1], strides = [1]} : vector<16xf32> to vector<1xf32>
          %squeeze3A_413 = vector.extract %slice3A_412[0] : f32 from vector<1xf32>
          %add3A_414 = arith.constant 17 : i32
          %add3A_415 = arith.addi %mul3A_63, %add3A_414 : i32
          %get3A_416 = arith.index_cast %add3A_415 : i32 to index
          %get3A_417 = arith.constant 0 : index
          %get3A_418 = tpu.vector_load %arg8[%get3A_416, %get3A_417] {strides = array<i32>} : memref<1536x32xf32, #tpu.memory_space<vmem>>, vector<1x16xf32>,
          %get3A_419 = vector.shape_cast %get3A_418 : vector<1x16xf32> to vector<16xf32>
          %mul3A_420 = vector.broadcast %squeeze3A_413 : f32 to vector<16xf32>
          %mul3A_421 = arith.mulf %mul3A_420, %get3A_419 : vector<16xf32>
          %add3A_422 = arith.addf %add3A_402, %mul3A_421 : vector<16xf32>
          %add3A_423 = arith.constant 17 : i32
          %add3A_424 = arith.addi %mul3A_63, %add3A_423 : i32
          %get3A_425 = arith.index_cast %add3A_424 : i32 to index
          %get3A_426 = arith.constant 16 : index
          %get3A_427 = tpu.vector_load %arg8[%get3A_425, %get3A_426] {strides = array<i32>} : memref<1536x32xf32, #tpu.memory_space<vmem>>, vector<1x16xf32>,
          %get3A_428 = vector.shape_cast %get3A_427 : vector<1x16xf32> to vector<16xf32>
          %mul3A_429 = vector.broadcast %squeeze3A_413 : f32 to vector<16xf32>
          %mul3A_430 = arith.mulf %mul3A_429, %get3A_428 : vector<16xf32>
          %add3A_431 = arith.addf %add3A_411, %mul3A_430 : vector<16xf32>
          %slice3A_432 = vector.extract_strided_slice %get3A_70 {offsets = [2], sizes = [1], strides = [1]} : vector<16xf32> to vector<1xf32>
          %squeeze3A_433 = vector.extract %slice3A_432[0] : f32 from vector<1xf32>
          %add3A_434 = arith.constant 18 : i32
          %add3A_435 = arith.addi %mul3A_63, %add3A_434 : i32
          %get3A_436 = arith.index_cast %add3A_435 : i32 to index
          %get3A_437 = arith.constant 0 : index
          %get3A_438 = tpu.vector_load %arg8[%get3A_436, %get3A_437] {strides = array<i32>} : memref<1536x32xf32, #tpu.memory_space<vmem>>, vector<1x16xf32>,
          %get3A_439 = vector.shape_cast %get3A_438 : vector<1x16xf32> to vector<16xf32>
          %mul3A_440 = vector.broadcast %squeeze3A_433 : f32 to vector<16xf32>
          %mul3A_441 = arith.mulf %mul3A_440, %get3A_439 : vector<16xf32>
          %add3A_442 = arith.addf %add3A_422, %mul3A_441 : vector<16xf32>
          %add3A_443 = arith.constant 18 : i32
          %add3A_444 = arith.addi %mul3A_63, %add3A_443 : i32
          %get3A_445 = arith.index_cast %add3A_444 : i32 to index
          %get3A_446 = arith.constant 16 : index
          %get3A_447 = tpu.vector_load %arg8[%get3A_445, %get3A_446] {strides = array<i32>} : memref<1536x32xf32, #tpu.memory_space<vmem>>, vector<1x16xf32>,
          %get3A_448 = vector.shape_cast %get3A_447 : vector<1x16xf32> to vector<16xf32>
          %mul3A_449 = vector.broadcast %squeeze3A_433 : f32 to vector<16xf32>
          %mul3A_450 = arith.mulf %mul3A_449, %get3A_448 : vector<16xf32>
          %add3A_451 = arith.addf %add3A_431, %mul3A_450 : vector<16xf32>
          %slice3A_452 = vector.extract_strided_slice %get3A_70 {offsets = [3], sizes = [1], strides = [1]} : vector<16xf32> to vector<1xf32>
          %squeeze3A_453 = vector.extract %slice3A_452[0] : f32 from vector<1xf32>
          %add3A_454 = arith.constant 19 : i32
          %add3A_455 = arith.addi %mul3A_63, %add3A_454 : i32
          %get3A_456 = arith.index_cast %add3A_455 : i32 to index
          %get3A_457 = arith.constant 0 : index
          %get3A_458 = tpu.vector_load %arg8[%get3A_456, %get3A_457] {strides = array<i32>} : memref<1536x32xf32, #tpu.memory_space<vmem>>, vector<1x16xf32>,
          %get3A_459 = vector.shape_cast %get3A_458 : vector<1x16xf32> to vector<16xf32>
          %mul3A_460 = vector.broadcast %squeeze3A_453 : f32 to vector<16xf32>
          %mul3A_461 = arith.mulf %mul3A_460, %get3A_459 : vector<16xf32>
          %add3A_462 = arith.addf %add3A_442, %mul3A_461 : vector<16xf32>
          %add3A_463 = arith.constant 19 : i32
          %add3A_464 = arith.addi %mul3A_63, %add3A_463 : i32
          %get3A_465 = arith.index_cast %add3A_464 : i32 to index
          %get3A_466 = arith.constant 16 : index
          %get3A_467 = tpu.vector_load %arg8[%get3A_465, %get3A_466] {strides = array<i32>} : memref<1536x32xf32, #tpu.memory_space<vmem>>, vector<1x16xf32>,
          %get3A_468 = vector.shape_cast %get3A_467 : vector<1x16xf32> to vector<16xf32>
          %mul3A_469 = vector.broadcast %squeeze3A_453 : f32 to vector<16xf32>
          %mul3A_470 = arith.mulf %mul3A_469, %get3A_468 : vector<16xf32>
          %add3A_471 = arith.addf %add3A_451, %mul3A_470 : vector<16xf32>
          %slice3A_472 = vector.extract_strided_slice %get3A_70 {offsets = [4], sizes = [1], strides = [1]} : vector<16xf32> to vector<1xf32>
          %squeeze3A_473 = vector.extract %slice3A_472[0] : f32 from vector<1xf32>
          %add3A_474 = arith.constant 20 : i32
          %add3A_475 = arith.addi %mul3A_63, %add3A_474 : i32
          %get3A_476 = arith.index_cast %add3A_475 : i32 to index
          %get3A_477 = arith.constant 0 : index
          %get3A_478 = tpu.vector_load %arg8[%get3A_476, %get3A_477] {strides = array<i32>} : memref<1536x32xf32, #tpu.memory_space<vmem>>, vector<1x16xf32>,
          %get3A_479 = vector.shape_cast %get3A_478 : vector<1x16xf32> to vector<16xf32>
          %mul3A_480 = vector.broadcast %squeeze3A_473 : f32 to vector<16xf32>
          %mul3A_481 = arith.mulf %mul3A_480, %get3A_479 : vector<16xf32>
          %add3A_482 = arith.addf %add3A_462, %mul3A_481 : vector<16xf32>
          %add3A_483 = arith.constant 20 : i32
          %add3A_484 = arith.addi %mul3A_63, %add3A_483 : i32
          %get3A_485 = arith.index_cast %add3A_484 : i32 to index
          %get3A_486 = arith.constant 16 : index
          %get3A_487 = tpu.vector_load %arg8[%get3A_485, %get3A_486] {strides = array<i32>} : memref<1536x32xf32, #tpu.memory_space<vmem>>, vector<1x16xf32>,
          %get3A_488 = vector.shape_cast %get3A_487 : vector<1x16xf32> to vector<16xf32>
          %mul3A_489 = vector.broadcast %squeeze3A_473 : f32 to vector<16xf32>
          %mul3A_490 = arith.mulf %mul3A_489, %get3A_488 : vector<16xf32>
          %add3A_491 = arith.addf %add3A_471, %mul3A_490 : vector<16xf32>
          %slice3A_492 = vector.extract_strided_slice %get3A_70 {offsets = [5], sizes = [1], strides = [1]} : vector<16xf32> to vector<1xf32>
          %squeeze3A_493 = vector.extract %slice3A_492[0] : f32 from vector<1xf32>
          %add3A_494 = arith.constant 21 : i32
          %add3A_495 = arith.addi %mul3A_63, %add3A_494 : i32
          %get3A_496 = arith.index_cast %add3A_495 : i32 to index
          %get3A_497 = arith.constant 0 : index
          %get3A_498 = tpu.vector_load %arg8[%get3A_496, %get3A_497] {strides = array<i32>} : memref<1536x32xf32, #tpu.memory_space<vmem>>, vector<1x16xf32>,
          %get3A_499 = vector.shape_cast %get3A_498 : vector<1x16xf32> to vector<16xf32>
          %mul3A_500 = vector.broadcast %squeeze3A_493 : f32 to vector<16xf32>
          %mul3A_501 = arith.mulf %mul3A_500, %get3A_499 : vector<16xf32>
          %add3A_502 = arith.addf %add3A_482, %mul3A_501 : vector<16xf32>
          %add3A_503 = arith.constant 21 : i32
          %add3A_504 = arith.addi %mul3A_63, %add3A_503 : i32
          %get3A_505 = arith.index_cast %add3A_504 : i32 to index
          %get3A_506 = arith.constant 16 : index
          %get3A_507 = tpu.vector_load %arg8[%get3A_505, %get3A_506] {strides = array<i32>} : memref<1536x32xf32, #tpu.memory_space<vmem>>, vector<1x16xf32>,
          %get3A_508 = vector.shape_cast %get3A_507 : vector<1x16xf32> to vector<16xf32>
          %mul3A_509 = vector.broadcast %squeeze3A_493 : f32 to vector<16xf32>
          %mul3A_510 = arith.mulf %mul3A_509, %get3A_508 : vector<16xf32>
          %add3A_511 = arith.addf %add3A_491, %mul3A_510 : vector<16xf32>
          %slice3A_512 = vector.extract_strided_slice %get3A_70 {offsets = [6], sizes = [1], strides = [1]} : vector<16xf32> to vector<1xf32>
          %squeeze3A_513 = vector.extract %slice3A_512[0] : f32 from vector<1xf32>
          %add3A_514 = arith.constant 22 : i32
          %add3A_515 = arith.addi %mul3A_63, %add3A_514 : i32
          %get3A_516 = arith.index_cast %add3A_515 : i32 to index
          %get3A_517 = arith.constant 0 : index
          %get3A_518 = tpu.vector_load %arg8[%get3A_516, %get3A_517] {strides = array<i32>} : memref<1536x32xf32, #tpu.memory_space<vmem>>, vector<1x16xf32>,
          %get3A_519 = vector.shape_cast %get3A_518 : vector<1x16xf32> to vector<16xf32>
          %mul3A_520 = vector.broadcast %squeeze3A_513 : f32 to vector<16xf32>
          %mul3A_521 = arith.mulf %mul3A_520, %get3A_519 : vector<16xf32>
          %add3A_522 = arith.addf %add3A_502, %mul3A_521 : vector<16xf32>
          %add3A_523 = arith.constant 22 : i32
          %add3A_524 = arith.addi %mul3A_63, %add3A_523 : i32
          %get3A_525 = arith.index_cast %add3A_524 : i32 to index
          %get3A_526 = arith.constant 16 : index
          %get3A_527 = tpu.vector_load %arg8[%get3A_525, %get3A_526] {strides = array<i32>} : memref<1536x32xf32, #tpu.memory_space<vmem>>, vector<1x16xf32>,
          %get3A_528 = vector.shape_cast %get3A_527 : vector<1x16xf32> to vector<16xf32>
          %mul3A_529 = vector.broadcast %squeeze3A_513 : f32 to vector<16xf32>
          %mul3A_530 = arith.mulf %mul3A_529, %get3A_528 : vector<16xf32>
          %add3A_531 = arith.addf %add3A_511, %mul3A_530 : vector<16xf32>
          %slice3A_532 = vector.extract_strided_slice %get3A_70 {offsets = [7], sizes = [1], strides = [1]} : vector<16xf32> to vector<1xf32>
          %squeeze3A_533 = vector.extract %slice3A_532[0] : f32 from vector<1xf32>
          %add3A_534 = arith.constant 23 : i32
          %add3A_535 = arith.addi %mul3A_63, %add3A_534 : i32
          %get3A_536 = arith.index_cast %add3A_535 : i32 to index
          %get3A_537 = arith.constant 0 : index
          %get3A_538 = tpu.vector_load %arg8[%get3A_536, %get3A_537] {strides = array<i32>} : memref<1536x32xf32, #tpu.memory_space<vmem>>, vector<1x16xf32>,
          %get3A_539 = vector.shape_cast %get3A_538 : vector<1x16xf32> to vector<16xf32>
          %mul3A_540 = vector.broadcast %squeeze3A_533 : f32 to vector<16xf32>
          %mul3A_541 = arith.mulf %mul3A_540, %get3A_539 : vector<16xf32>
          %add3A_542 = arith.addf %add3A_522, %mul3A_541 : vector<16xf32>
          %add3A_543 = arith.constant 23 : i32
          %add3A_544 = arith.addi %mul3A_63, %add3A_543 : i32
          %get3A_545 = arith.index_cast %add3A_544 : i32 to index
          %get3A_546 = arith.constant 16 : index
          %get3A_547 = tpu.vector_load %arg8[%get3A_545, %get3A_546] {strides = array<i32>} : memref<1536x32xf32, #tpu.memory_space<vmem>>, vector<1x16xf32>,
          %get3A_548 = vector.shape_cast %get3A_547 : vector<1x16xf32> to vector<16xf32>
          %mul3A_549 = vector.broadcast %squeeze3A_533 : f32 to vector<16xf32>
          %mul3A_550 = arith.mulf %mul3A_549, %get3A_548 : vector<16xf32>
          %add3A_551 = arith.addf %add3A_531, %mul3A_550 : vector<16xf32>
          %slice3A_552 = vector.extract_strided_slice %get3A_70 {offsets = [8], sizes = [1], strides = [1]} : vector<16xf32> to vector<1xf32>
          %squeeze3A_553 = vector.extract %slice3A_552[0] : f32 from vector<1xf32>
          %add3A_554 = arith.constant 24 : i32
          %add3A_555 = arith.addi %mul3A_63, %add3A_554 : i32
          %get3A_556 = arith.index_cast %add3A_555 : i32 to index
          %get3A_557 = arith.constant 0 : index
          %get3A_558 = tpu.vector_load %arg8[%get3A_556, %get3A_557] {strides = array<i32>} : memref<1536x32xf32, #tpu.memory_space<vmem>>, vector<1x16xf32>,
          %get3A_559 = vector.shape_cast %get3A_558 : vector<1x16xf32> to vector<16xf32>
          %mul3A_560 = vector.broadcast %squeeze3A_553 : f32 to vector<16xf32>
          %mul3A_561 = arith.mulf %mul3A_560, %get3A_559 : vector<16xf32>
          %add3A_562 = arith.addf %add3A_542, %mul3A_561 : vector<16xf32>
          %add3A_563 = arith.constant 24 : i32
          %add3A_564 = arith.addi %mul3A_63, %add3A_563 : i32
          %get3A_565 = arith.index_cast %add3A_564 : i32 to index
          %get3A_566 = arith.constant 16 : index
          %get3A_567 = tpu.vector_load %arg8[%get3A_565, %get3A_566] {strides = array<i32>} : memref<1536x32xf32, #tpu.memory_space<vmem>>, vector<1x16xf32>,
          %get3A_568 = vector.shape_cast %get3A_567 : vector<1x16xf32> to vector<16xf32>
          %mul3A_569 = vector.broadcast %squeeze3A_553 : f32 to vector<16xf32>
          %mul3A_570 = arith.mulf %mul3A_569, %get3A_568 : vector<16xf32>
          %add3A_571 = arith.addf %add3A_551, %mul3A_570 : vector<16xf32>
          %slice3A_572 = vector.extract_strided_slice %get3A_70 {offsets = [9], sizes = [1], strides = [1]} : vector<16xf32> to vector<1xf32>
          %squeeze3A_573 = vector.extract %slice3A_572[0] : f32 from vector<1xf32>
          %add3A_574 = arith.constant 25 : i32
          %add3A_575 = arith.addi %mul3A_63, %add3A_574 : i32
          %get3A_576 = arith.index_cast %add3A_575 : i32 to index
          %get3A_577 = arith.constant 0 : index
          %get3A_578 = tpu.vector_load %arg8[%get3A_576, %get3A_577] {strides = array<i32>} : memref<1536x32xf32, #tpu.memory_space<vmem>>, vector<1x16xf32>,
          %get3A_579 = vector.shape_cast %get3A_578 : vector<1x16xf32> to vector<16xf32>
          %mul3A_580 = vector.broadcast %squeeze3A_573 : f32 to vector<16xf32>
          %mul3A_581 = arith.mulf %mul3A_580, %get3A_579 : vector<16xf32>
          %add3A_582 = arith.addf %add3A_562, %mul3A_581 : vector<16xf32>
          %add3A_583 = arith.constant 25 : i32
          %add3A_584 = arith.addi %mul3A_63, %add3A_583 : i32
          %get3A_585 = arith.index_cast %add3A_584 : i32 to index
          %get3A_586 = arith.constant 16 : index
          %get3A_587 = tpu.vector_load %arg8[%get3A_585, %get3A_586] {strides = array<i32>} : memref<1536x32xf32, #tpu.memory_space<vmem>>, vector<1x16xf32>,
          %get3A_588 = vector.shape_cast %get3A_587 : vector<1x16xf32> to vector<16xf32>
          %mul3A_589 = vector.broadcast %squeeze3A_573 : f32 to vector<16xf32>
          %mul3A_590 = arith.mulf %mul3A_589, %get3A_588 : vector<16xf32>
          %add3A_591 = arith.addf %add3A_571, %mul3A_590 : vector<16xf32>
          %slice3A_592 = vector.extract_strided_slice %get3A_70 {offsets = [10], sizes = [1], strides = [1]} : vector<16xf32> to vector<1xf32>
          %squeeze3A_593 = vector.extract %slice3A_592[0] : f32 from vector<1xf32>
          %add3A_594 = arith.constant 26 : i32
          %add3A_595 = arith.addi %mul3A_63, %add3A_594 : i32
          %get3A_596 = arith.index_cast %add3A_595 : i32 to index
          %get3A_597 = arith.constant 0 : index
          %get3A_598 = tpu.vector_load %arg8[%get3A_596, %get3A_597] {strides = array<i32>} : memref<1536x32xf32, #tpu.memory_space<vmem>>, vector<1x16xf32>,
          %get3A_599 = vector.shape_cast %get3A_598 : vector<1x16xf32> to vector<16xf32>
          %mul3A_600 = vector.broadcast %squeeze3A_593 : f32 to vector<16xf32>
          %mul3A_601 = arith.mulf %mul3A_600, %get3A_599 : vector<16xf32>
          %add3A_602 = arith.addf %add3A_582, %mul3A_601 : vector<16xf32>
          %add3A_603 = arith.constant 26 : i32
          %add3A_604 = arith.addi %mul3A_63, %add3A_603 : i32
          %get3A_605 = arith.index_cast %add3A_604 : i32 to index
          %get3A_606 = arith.constant 16 : index
          %get3A_607 = tpu.vector_load %arg8[%get3A_605, %get3A_606] {strides = array<i32>} : memref<1536x32xf32, #tpu.memory_space<vmem>>, vector<1x16xf32>,
          %get3A_608 = vector.shape_cast %get3A_607 : vector<1x16xf32> to vector<16xf32>
          %mul3A_609 = vector.broadcast %squeeze3A_593 : f32 to vector<16xf32>
          %mul3A_610 = arith.mulf %mul3A_609, %get3A_608 : vector<16xf32>
          %add3A_611 = arith.addf %add3A_591, %mul3A_610 : vector<16xf32>
          %slice3A_612 = vector.extract_strided_slice %get3A_70 {offsets = [11], sizes = [1], strides = [1]} : vector<16xf32> to vector<1xf32>
          %squeeze3A_613 = vector.extract %slice3A_612[0] : f32 from vector<1xf32>
          %add3A_614 = arith.constant 27 : i32
          %add3A_615 = arith.addi %mul3A_63, %add3A_614 : i32
          %get3A_616 = arith.index_cast %add3A_615 : i32 to index
          %get3A_617 = arith.constant 0 : index
          %get3A_618 = tpu.vector_load %arg8[%get3A_616, %get3A_617] {strides = array<i32>} : memref<1536x32xf32, #tpu.memory_space<vmem>>, vector<1x16xf32>,
          %get3A_619 = vector.shape_cast %get3A_618 : vector<1x16xf32> to vector<16xf32>
          %mul3A_620 = vector.broadcast %squeeze3A_613 : f32 to vector<16xf32>
          %mul3A_621 = arith.mulf %mul3A_620, %get3A_619 : vector<16xf32>
          %add3A_622 = arith.addf %add3A_602, %mul3A_621 : vector<16xf32>
          %add3A_623 = arith.constant 27 : i32
          %add3A_624 = arith.addi %mul3A_63, %add3A_623 : i32
          %get3A_625 = arith.index_cast %add3A_624 : i32 to index
          %get3A_626 = arith.constant 16 : index
          %get3A_627 = tpu.vector_load %arg8[%get3A_625, %get3A_626] {strides = array<i32>} : memref<1536x32xf32, #tpu.memory_space<vmem>>, vector<1x16xf32>,
          %get3A_628 = vector.shape_cast %get3A_627 : vector<1x16xf32> to vector<16xf32>
          %mul3A_629 = vector.broadcast %squeeze3A_613 : f32 to vector<16xf32>
          %mul3A_630 = arith.mulf %mul3A_629, %get3A_628 : vector<16xf32>
          %add3A_631 = arith.addf %add3A_611, %mul3A_630 : vector<16xf32>
          %slice3A_632 = vector.extract_strided_slice %get3A_70 {offsets = [12], sizes = [1], strides = [1]} : vector<16xf32> to vector<1xf32>
          %squeeze3A_633 = vector.extract %slice3A_632[0] : f32 from vector<1xf32>
          %add3A_634 = arith.constant 28 : i32
          %add3A_635 = arith.addi %mul3A_63, %add3A_634 : i32
          %get3A_636 = arith.index_cast %add3A_635 : i32 to index
          %get3A_637 = arith.constant 0 : index
          %get3A_638 = tpu.vector_load %arg8[%get3A_636, %get3A_637] {strides = array<i32>} : memref<1536x32xf32, #tpu.memory_space<vmem>>, vector<1x16xf32>,
          %get3A_639 = vector.shape_cast %get3A_638 : vector<1x16xf32> to vector<16xf32>
          %mul3A_640 = vector.broadcast %squeeze3A_633 : f32 to vector<16xf32>
          %mul3A_641 = arith.mulf %mul3A_640, %get3A_639 : vector<16xf32>
          %add3A_642 = arith.addf %add3A_622, %mul3A_641 : vector<16xf32>
          %add3A_643 = arith.constant 28 : i32
          %add3A_644 = arith.addi %mul3A_63, %add3A_643 : i32
          %get3A_645 = arith.index_cast %add3A_644 : i32 to index
          %get3A_646 = arith.constant 16 : index
          %get3A_647 = tpu.vector_load %arg8[%get3A_645, %get3A_646] {strides = array<i32>} : memref<1536x32xf32, #tpu.memory_space<vmem>>, vector<1x16xf32>,
          %get3A_648 = vector.shape_cast %get3A_647 : vector<1x16xf32> to vector<16xf32>
          %mul3A_649 = vector.broadcast %squeeze3A_633 : f32 to vector<16xf32>
          %mul3A_650 = arith.mulf %mul3A_649, %get3A_648 : vector<16xf32>
          %add3A_651 = arith.addf %add3A_631, %mul3A_650 : vector<16xf32>
          %slice3A_652 = vector.extract_strided_slice %get3A_70 {offsets = [13], sizes = [1], strides = [1]} : vector<16xf32> to vector<1xf32>
          %squeeze3A_653 = vector.extract %slice3A_652[0] : f32 from vector<1xf32>
          %add3A_654 = arith.constant 29 : i32
          %add3A_655 = arith.addi %mul3A_63, %add3A_654 : i32
          %get3A_656 = arith.index_cast %add3A_655 : i32 to index
          %get3A_657 = arith.constant 0 : index
          %get3A_658 = tpu.vector_load %arg8[%get3A_656, %get3A_657] {strides = array<i32>} : memref<1536x32xf32, #tpu.memory_space<vmem>>, vector<1x16xf32>,
          %get3A_659 = vector.shape_cast %get3A_658 : vector<1x16xf32> to vector<16xf32>
          %mul3A_660 = vector.broadcast %squeeze3A_653 : f32 to vector<16xf32>
          %mul3A_661 = arith.mulf %mul3A_660, %get3A_659 : vector<16xf32>
          %add3A_662 = arith.addf %add3A_642, %mul3A_661 : vector<16xf32>
          %add3A_663 = arith.constant 29 : i32
          %add3A_664 = arith.addi %mul3A_63, %add3A_663 : i32
          %get3A_665 = arith.index_cast %add3A_664 : i32 to index
          %get3A_666 = arith.constant 16 : index
          %get3A_667 = tpu.vector_load %arg8[%get3A_665, %get3A_666] {strides = array<i32>} : memref<1536x32xf32, #tpu.memory_space<vmem>>, vector<1x16xf32>,
          %get3A_668 = vector.shape_cast %get3A_667 : vector<1x16xf32> to vector<16xf32>
          %mul3A_669 = vector.broadcast %squeeze3A_653 : f32 to vector<16xf32>
          %mul3A_670 = arith.mulf %mul3A_669, %get3A_668 : vector<16xf32>
          %add3A_671 = arith.addf %add3A_651, %mul3A_670 : vector<16xf32>
          %slice3A_672 = vector.extract_strided_slice %get3A_70 {offsets = [14], sizes = [1], strides = [1]} : vector<16xf32> to vector<1xf32>
          %squeeze3A_673 = vector.extract %slice3A_672[0] : f32 from vector<1xf32>
          %add3A_674 = arith.constant 30 : i32
          %add3A_675 = arith.addi %mul3A_63, %add3A_674 : i32
          %get3A_676 = arith.index_cast %add3A_675 : i32 to index
          %get3A_677 = arith.constant 0 : index
          %get3A_678 = tpu.vector_load %arg8[%get3A_676, %get3A_677] {strides = array<i32>} : memref<1536x32xf32, #tpu.memory_space<vmem>>, vector<1x16xf32>,
          %get3A_679 = vector.shape_cast %get3A_678 : vector<1x16xf32> to vector<16xf32>
          %mul3A_680 = vector.broadcast %squeeze3A_673 : f32 to vector<16xf32>
          %mul3A_681 = arith.mulf %mul3A_680, %get3A_679 : vector<16xf32>
          %add3A_682 = arith.addf %add3A_662, %mul3A_681 : vector<16xf32>
          %add3A_683 = arith.constant 30 : i32
          %add3A_684 = arith.addi %mul3A_63, %add3A_683 : i32
          %get3A_685 = arith.index_cast %add3A_684 : i32 to index
          %get3A_686 = arith.constant 16 : index
          %get3A_687 = tpu.vector_load %arg8[%get3A_685, %get3A_686] {strides = array<i32>} : memref<1536x32xf32, #tpu.memory_space<vmem>>, vector<1x16xf32>,
          %get3A_688 = vector.shape_cast %get3A_687 : vector<1x16xf32> to vector<16xf32>
          %mul3A_689 = vector.broadcast %squeeze3A_673 : f32 to vector<16xf32>
          %mul3A_690 = arith.mulf %mul3A_689, %get3A_688 : vector<16xf32>
          %add3A_691 = arith.addf %add3A_671, %mul3A_690 : vector<16xf32>
          %slice3A_692 = vector.extract_strided_slice %get3A_70 {offsets = [15], sizes = [1], strides = [1]} : vector<16xf32> to vector<1xf32>
          %squeeze3A_693 = vector.extract %slice3A_692[0] : f32 from vector<1xf32>
          %add3A_694 = arith.constant 31 : i32
          %add3A_695 = arith.addi %mul3A_63, %add3A_694 : i32
          %get3A_696 = arith.index_cast %add3A_695 : i32 to index
          %get3A_697 = arith.constant 0 : index
          %get3A_698 = tpu.vector_load %arg8[%get3A_696, %get3A_697] {strides = array<i32>} : memref<1536x32xf32, #tpu.memory_space<vmem>>, vector<1x16xf32>,
          %get3A_699 = vector.shape_cast %get3A_698 : vector<1x16xf32> to vector<16xf32>
          %mul3A_700 = vector.broadcast %squeeze3A_693 : f32 to vector<16xf32>
          %mul3A_701 = arith.mulf %mul3A_700, %get3A_699 : vector<16xf32>
          %add3A_702 = arith.addf %add3A_682, %mul3A_701 : vector<16xf32>
          %add3A_703 = arith.constant 31 : i32
          %add3A_704 = arith.addi %mul3A_63, %add3A_703 : i32
          %get3A_705 = arith.index_cast %add3A_704 : i32 to index
          %get3A_706 = arith.constant 16 : index
          %get3A_707 = tpu.vector_load %arg8[%get3A_705, %get3A_706] {strides = array<i32>} : memref<1536x32xf32, #tpu.memory_space<vmem>>, vector<1x16xf32>,
          %get3A_708 = vector.shape_cast %get3A_707 : vector<1x16xf32> to vector<16xf32>
          %mul3A_709 = vector.broadcast %squeeze3A_693 : f32 to vector<16xf32>
          %mul3A_710 = arith.mulf %mul3A_709, %get3A_708 : vector<16xf32>
          %add3A_711 = arith.addf %add3A_691, %mul3A_710 : vector<16xf32>
          %swap3A = arith.index_cast %scan3A_61 : i32 to index
          %swap3A_712 = arith.constant 0 : index
          %swap3A_713 = tpu.vector_load %arg12[%swap3A, %swap3A_712] {strides = array<i32>} : memref<48x32xf32, #tpu.memory_space<vmem>>, vector<1x16xf32>,
          %swap3A_714 = vector.shape_cast %swap3A_713 : vector<1x16xf32> to vector<16xf32>
          %swap3A_715 = vector.shape_cast %add3A_702 : vector<16xf32> to vector<1x16xf32>
          tpu.vector_store %arg12[%swap3A, %swap3A_712], %swap3A_715 {strides = array<i32>} : memref<48x32xf32, #tpu.memory_space<vmem>>, vector<1x16xf32>,
          %swap3A_716 = arith.index_cast %scan3A_61 : i32 to index
          %swap3A_717 = arith.constant 16 : index
          %swap3A_718 = tpu.vector_load %arg12[%swap3A_716, %swap3A_717] {strides = array<i32>} : memref<48x32xf32, #tpu.memory_space<vmem>>, vector<1x16xf32>,
          %swap3A_719 = vector.shape_cast %swap3A_718 : vector<1x16xf32> to vector<16xf32>
          %swap3A_720 = vector.shape_cast %add3A_711 : vector<16xf32> to vector<1x16xf32>
          tpu.vector_store %arg12[%swap3A_716, %swap3A_717], %swap3A_720 {strides = array<i32>} : memref<48x32xf32, #tpu.memory_space<vmem>>, vector<1x16xf32>,
        }
        %scan3A_58 = arith.constant 48 : i32
        %mul3A_59 = arith.constant 48 : i32
        %mul3A_60 = arith.muli %add3A_25, %mul3A_59 : i32
        "tpu.region"() ({
          %run_scoped3A = tpu.sem_alloc : memref<!tpu.dma_semaphore, #tpu.memory_space<semaphore_mem>>
          %dma_start3A = arith.constant 0 : i32
          %dma_start3A_61 = tpu.memref_slice %arg5[%mul3A_60, %dma_start3A] : memref<240000x32xf32, #tpu.memory_space<hbm>> -> memref<48x32xf32, #tpu.memory_space<hbm>>
          %dma_start3A_62 = arith.constant 0 : i32
          %dma_start3A_63 = tpu.memref_slice %arg5[%mul3A_60, %dma_start3A_62] : memref<240000x32xf32, #tpu.memory_space<hbm>> -> memref<48x32xf32, #tpu.memory_space<hbm>>
          tpu.enqueue_dma source(%arg12 : memref<48x32xf32, #tpu.memory_space<vmem>>) target(%dma_start3A_63 : memref<48x32xf32, #tpu.memory_space<hbm>>) target_semaphore(%run_scoped3A : memref<!tpu.dma_semaphore, #tpu.memory_space<semaphore_mem>>)
          %dma_wait3A_64 = arith.constant 0 : i32
          %dma_wait3A_65 = tpu.memref_slice %arg5[%mul3A_60, %dma_wait3A_64] : memref<240000x32xf32, #tpu.memory_space<hbm>> -> memref<48x32xf32, #tpu.memory_space<hbm>>
          %dma_wait3A_66 = arith.constant 0 : i32
          %dma_wait3A_67 = tpu.memref_slice %arg5[%mul3A_60, %dma_wait3A_66] : memref<240000x32xf32, #tpu.memory_space<hbm>> -> memref<48x32xf32, #tpu.memory_space<hbm>>
          tpu.wait_dma2 semaphore(%run_scoped3A : memref<!tpu.dma_semaphore, #tpu.memory_space<semaphore_mem>>) src(%arg12 : memref<48x32xf32, #tpu.memory_space<vmem>>) dst(%dma_wait3A_67 : memref<48x32xf32, #tpu.memory_space<hbm>>)
          tpu.yield
        }) : () -> ()
      } else {
      }
      %add3A_31 = arith.constant 2 : i32
      %add3A_32 = arith.addi %mul3A_12, %add3A_31 : i32
      %mul3A_33 = arith.constant 32 : i32
      %mul3A_34 = arith.muli %add3A_32, %mul3A_33 : i32
      %add3A_35 = arith.addi %add3A, %mul3A_34 : i32
      %lt3A_36 = arith.constant 5000 : i32
      %lt3A_37 = arith.cmpi slt, %add3A_35, %lt3A_36 : i32
      %convert_element_type3A_38 = arith.extui %lt3A_37 : i1 to i32
      %cond3A_39 = arith.constant 0 : i32
      %cond3A_40 = arith.cmpi ne, %convert_element_type3A_38, %cond3A_39 : i32
      scf.if %cond3A_40 {
        %mul3A_51 = arith.constant 1536 : i32
        %mul3A_52 = arith.muli %add3A_35, %mul3A_51 : i32
        "tpu.region"() ({
          %run_scoped3A = tpu.sem_alloc : memref<!tpu.dma_semaphore, #tpu.memory_space<semaphore_mem>>
          %dma_start3A_55 = tpu.memref_slice %arg3[%mul3A_52] : memref<7680000xi32, #tpu.memory_space<hbm>> -> memref<1536xi32, #tpu.memory_space<hbm>>
          %dma_start3A_56 = tpu.memref_slice %arg3[%mul3A_52] : memref<7680000xi32, #tpu.memory_space<hbm>> -> memref<1536xi32, #tpu.memory_space<hbm>>
          tpu.enqueue_dma source(%dma_start3A_56 : memref<1536xi32, #tpu.memory_space<hbm>>) target(%arg6 : memref<1536xi32, #tpu.memory_space<vmem>>) target_semaphore(%run_scoped3A : memref<!tpu.dma_semaphore, #tpu.memory_space<semaphore_mem>>)
          %dma_wait3A = tpu.memref_slice %arg3[%mul3A_52] : memref<7680000xi32, #tpu.memory_space<hbm>> -> memref<1536xi32, #tpu.memory_space<hbm>>
          %dma_wait3A_57 = tpu.memref_slice %arg3[%mul3A_52] : memref<7680000xi32, #tpu.memory_space<hbm>> -> memref<1536xi32, #tpu.memory_space<hbm>>
          tpu.wait_dma2 semaphore(%run_scoped3A : memref<!tpu.dma_semaphore, #tpu.memory_space<semaphore_mem>>) src(%dma_wait3A_57 : memref<1536xi32, #tpu.memory_space<hbm>>) dst(%arg6 : memref<1536xi32, #tpu.memory_space<vmem>>)
          tpu.yield
        }) : () -> ()
        "tpu.region"() ({
          %run_scoped3A = tpu.sem_alloc : memref<!tpu.dma_semaphore, #tpu.memory_space<semaphore_mem>>
          %dma_start3A_55 = tpu.memref_slice %arg4[%mul3A_52] : memref<7680000xf32, #tpu.memory_space<hbm>> -> memref<1536xf32, #tpu.memory_space<hbm>>
          %dma_start3A_56 = tpu.memref_slice %arg4[%mul3A_52] : memref<7680000xf32, #tpu.memory_space<hbm>> -> memref<1536xf32, #tpu.memory_space<hbm>>
          tpu.enqueue_dma source(%dma_start3A_56 : memref<1536xf32, #tpu.memory_space<hbm>>) target(%arg7 : memref<1536xf32, #tpu.memory_space<vmem>>) target_semaphore(%run_scoped3A : memref<!tpu.dma_semaphore, #tpu.memory_space<semaphore_mem>>)
          %dma_wait3A = tpu.memref_slice %arg4[%mul3A_52] : memref<7680000xf32, #tpu.memory_space<hbm>> -> memref<1536xf32, #tpu.memory_space<hbm>>
          %dma_wait3A_57 = tpu.memref_slice %arg4[%mul3A_52] : memref<7680000xf32, #tpu.memory_space<hbm>> -> memref<1536xf32, #tpu.memory_space<hbm>>
          tpu.wait_dma2 semaphore(%run_scoped3A : memref<!tpu.dma_semaphore, #tpu.memory_space<semaphore_mem>>) src(%dma_wait3A_57 : memref<1536xf32, #tpu.memory_space<hbm>>) dst(%arg7 : memref<1536xf32, #tpu.memory_space<vmem>>)
          tpu.yield
        }) : () -> ()
        %dma_start3A = arith.constant 0 : i32
        %dma_start3A_53 = arith.constant 0 : i32
        %dma_start3A_54 = tpu.memref_slice %arg2[%dma_start3A, %dma_start3A_53] : memref<120000x32xf32, #tpu.memory_space<hbm>> -> memref<120000x32xf32, #tpu.memory_space<hbm>>
        tpu.enqueue_indirect_dma source(%dma_start3A_54 : memref<120000x32xf32, #tpu.memory_space<hbm>>) target(%arg8 : memref<1536x32xf32, #tpu.memory_space<vmem>>) offsets(%arg6 : memref<1536xi32, #tpu.memory_space<vmem>>) semaphore(%arg13 : memref<!tpu.dma_semaphore, #tpu.memory_space<semaphore_mem>>)
      } else {
      }
      %add3A_41 = arith.constant 1 : i32
      %add3A_42 = arith.addi %mul3A_12, %add3A_41 : i32
      %mul3A_43 = arith.constant 32 : i32
      %mul3A_44 = arith.muli %add3A_42, %mul3A_43 : i32
      %add3A_45 = arith.addi %add3A, %mul3A_44 : i32
      %lt3A_46 = arith.constant 5000 : i32
      %lt3A_47 = arith.cmpi slt, %add3A_45, %lt3A_46 : i32
      %convert_element_type3A_48 = arith.extui %lt3A_47 : i1 to i32
      %cond3A_49 = arith.constant 0 : i32
      %cond3A_50 = arith.cmpi ne, %convert_element_type3A_48, %cond3A_49 : i32
      scf.if %cond3A_50 {
        %dma_wait3A = arith.constant 0 : i32
        %dma_wait3A_51 = arith.constant 0 : i32
        %dma_wait3A_52 = tpu.memref_slice %arg2[%dma_wait3A, %dma_wait3A_51] : memref<120000x32xf32, #tpu.memory_space<hbm>> -> memref<120000x32xf32, #tpu.memory_space<hbm>>
        tpu.wait_indirect_dma semaphore(%arg14 : memref<!tpu.dma_semaphore, #tpu.memory_space<semaphore_mem>>) src(%dma_wait3A_52 : memref<120000x32xf32, #tpu.memory_space<hbm>>) dst(%arg11 : memref<1536x32xf32, #tpu.memory_space<vmem>>)
        %scan3A_53 = arith.constant 0 : i32
        %scan3A_54 = arith.constant 0 : i32
        %scan3A_55 = arith.constant 48 : i32
        %scan3A_56 = arith.addi %scan3A_54, %scan3A_55 : i32
        %scan3A_57 = arith.constant 1 : i32
        scf.for %scan3A_61 = %scan3A_54 to %scan3A_56 step %scan3A_57  : i32 {
          %mul3A_62 = arith.constant 32 : i32
          %mul3A_63 = arith.muli %scan3A_61, %mul3A_62 : i32
          %get3A = arith.index_cast %mul3A_63 : i32 to index
          %get3A_64 = tpu.vector_load %arg10[%get3A] {strides = array<i32>} : memref<1536xf32, #tpu.memory_space<vmem>>, vector<16xf32>,
          %get3A_65 = vector.shape_cast %get3A_64 : vector<16xf32> to vector<16xf32>
          %add3A_66 = arith.constant 16 : i32
          %add3A_67 = arith.addi %mul3A_63, %add3A_66 : i32
          %get3A_68 = arith.index_cast %add3A_67 : i32 to index
          %get3A_69 = tpu.vector_load %arg10[%get3A_68] {strides = array<i32>} : memref<1536xf32, #tpu.memory_space<vmem>>, vector<16xf32>,
          %get3A_70 = vector.shape_cast %get3A_69 : vector<16xf32> to vector<16xf32>
          %broadcast_in_dim3A = arith.constant 0.000000e+00 : f32
          %broadcast_in_dim3A_71 = vector.broadcast %broadcast_in_dim3A : f32 to vector<16xf32>
          %broadcast_in_dim3A_72 = arith.constant 0.000000e+00 : f32
          %broadcast_in_dim3A_73 = vector.broadcast %broadcast_in_dim3A_72 : f32 to vector<16xf32>
          %slice3A = vector.extract_strided_slice %get3A_65 {offsets = [0], sizes = [1], strides = [1]} : vector<16xf32> to vector<1xf32>
          %squeeze3A = vector.extract %slice3A[0] : f32 from vector<1xf32>
          %add3A_74 = arith.constant 0 : i32
          %add3A_75 = arith.addi %mul3A_63, %add3A_74 : i32
          %get3A_76 = arith.index_cast %add3A_75 : i32 to index
          %get3A_77 = arith.constant 0 : index
          %get3A_78 = tpu.vector_load %arg11[%get3A_76, %get3A_77] {strides = array<i32>} : memref<1536x32xf32, #tpu.memory_space<vmem>>, vector<1x16xf32>,
          %get3A_79 = vector.shape_cast %get3A_78 : vector<1x16xf32> to vector<16xf32>
          %mul3A_80 = vector.broadcast %squeeze3A : f32 to vector<16xf32>
          %mul3A_81 = arith.mulf %mul3A_80, %get3A_79 : vector<16xf32>
          %add3A_82 = arith.addf %broadcast_in_dim3A_71, %mul3A_81 : vector<16xf32>
          %add3A_83 = arith.constant 0 : i32
          %add3A_84 = arith.addi %mul3A_63, %add3A_83 : i32
          %get3A_85 = arith.index_cast %add3A_84 : i32 to index
          %get3A_86 = arith.constant 16 : index
          %get3A_87 = tpu.vector_load %arg11[%get3A_85, %get3A_86] {strides = array<i32>} : memref<1536x32xf32, #tpu.memory_space<vmem>>, vector<1x16xf32>,
          %get3A_88 = vector.shape_cast %get3A_87 : vector<1x16xf32> to vector<16xf32>
          %mul3A_89 = vector.broadcast %squeeze3A : f32 to vector<16xf32>
          %mul3A_90 = arith.mulf %mul3A_89, %get3A_88 : vector<16xf32>
          %add3A_91 = arith.addf %broadcast_in_dim3A_73, %mul3A_90 : vector<16xf32>
          %slice3A_92 = vector.extract_strided_slice %get3A_65 {offsets = [1], sizes = [1], strides = [1]} : vector<16xf32> to vector<1xf32>
          %squeeze3A_93 = vector.extract %slice3A_92[0] : f32 from vector<1xf32>
          %add3A_94 = arith.constant 1 : i32
          %add3A_95 = arith.addi %mul3A_63, %add3A_94 : i32
          %get3A_96 = arith.index_cast %add3A_95 : i32 to index
          %get3A_97 = arith.constant 0 : index
          %get3A_98 = tpu.vector_load %arg11[%get3A_96, %get3A_97] {strides = array<i32>} : memref<1536x32xf32, #tpu.memory_space<vmem>>, vector<1x16xf32>,
          %get3A_99 = vector.shape_cast %get3A_98 : vector<1x16xf32> to vector<16xf32>
          %mul3A_100 = vector.broadcast %squeeze3A_93 : f32 to vector<16xf32>
          %mul3A_101 = arith.mulf %mul3A_100, %get3A_99 : vector<16xf32>
          %add3A_102 = arith.addf %add3A_82, %mul3A_101 : vector<16xf32>
          %add3A_103 = arith.constant 1 : i32
          %add3A_104 = arith.addi %mul3A_63, %add3A_103 : i32
          %get3A_105 = arith.index_cast %add3A_104 : i32 to index
          %get3A_106 = arith.constant 16 : index
          %get3A_107 = tpu.vector_load %arg11[%get3A_105, %get3A_106] {strides = array<i32>} : memref<1536x32xf32, #tpu.memory_space<vmem>>, vector<1x16xf32>,
          %get3A_108 = vector.shape_cast %get3A_107 : vector<1x16xf32> to vector<16xf32>
          %mul3A_109 = vector.broadcast %squeeze3A_93 : f32 to vector<16xf32>
          %mul3A_110 = arith.mulf %mul3A_109, %get3A_108 : vector<16xf32>
          %add3A_111 = arith.addf %add3A_91, %mul3A_110 : vector<16xf32>
          %slice3A_112 = vector.extract_strided_slice %get3A_65 {offsets = [2], sizes = [1], strides = [1]} : vector<16xf32> to vector<1xf32>
          %squeeze3A_113 = vector.extract %slice3A_112[0] : f32 from vector<1xf32>
          %add3A_114 = arith.constant 2 : i32
          %add3A_115 = arith.addi %mul3A_63, %add3A_114 : i32
          %get3A_116 = arith.index_cast %add3A_115 : i32 to index
          %get3A_117 = arith.constant 0 : index
          %get3A_118 = tpu.vector_load %arg11[%get3A_116, %get3A_117] {strides = array<i32>} : memref<1536x32xf32, #tpu.memory_space<vmem>>, vector<1x16xf32>,
          %get3A_119 = vector.shape_cast %get3A_118 : vector<1x16xf32> to vector<16xf32>
          %mul3A_120 = vector.broadcast %squeeze3A_113 : f32 to vector<16xf32>
          %mul3A_121 = arith.mulf %mul3A_120, %get3A_119 : vector<16xf32>
          %add3A_122 = arith.addf %add3A_102, %mul3A_121 : vector<16xf32>
          %add3A_123 = arith.constant 2 : i32
          %add3A_124 = arith.addi %mul3A_63, %add3A_123 : i32
          %get3A_125 = arith.index_cast %add3A_124 : i32 to index
          %get3A_126 = arith.constant 16 : index
          %get3A_127 = tpu.vector_load %arg11[%get3A_125, %get3A_126] {strides = array<i32>} : memref<1536x32xf32, #tpu.memory_space<vmem>>, vector<1x16xf32>,
          %get3A_128 = vector.shape_cast %get3A_127 : vector<1x16xf32> to vector<16xf32>
          %mul3A_129 = vector.broadcast %squeeze3A_113 : f32 to vector<16xf32>
          %mul3A_130 = arith.mulf %mul3A_129, %get3A_128 : vector<16xf32>
          %add3A_131 = arith.addf %add3A_111, %mul3A_130 : vector<16xf32>
          %slice3A_132 = vector.extract_strided_slice %get3A_65 {offsets = [3], sizes = [1], strides = [1]} : vector<16xf32> to vector<1xf32>
          %squeeze3A_133 = vector.extract %slice3A_132[0] : f32 from vector<1xf32>
          %add3A_134 = arith.constant 3 : i32
          %add3A_135 = arith.addi %mul3A_63, %add3A_134 : i32
          %get3A_136 = arith.index_cast %add3A_135 : i32 to index
          %get3A_137 = arith.constant 0 : index
          %get3A_138 = tpu.vector_load %arg11[%get3A_136, %get3A_137] {strides = array<i32>} : memref<1536x32xf32, #tpu.memory_space<vmem>>, vector<1x16xf32>,
          %get3A_139 = vector.shape_cast %get3A_138 : vector<1x16xf32> to vector<16xf32>
          %mul3A_140 = vector.broadcast %squeeze3A_133 : f32 to vector<16xf32>
          %mul3A_141 = arith.mulf %mul3A_140, %get3A_139 : vector<16xf32>
          %add3A_142 = arith.addf %add3A_122, %mul3A_141 : vector<16xf32>
          %add3A_143 = arith.constant 3 : i32
          %add3A_144 = arith.addi %mul3A_63, %add3A_143 : i32
          %get3A_145 = arith.index_cast %add3A_144 : i32 to index
          %get3A_146 = arith.constant 16 : index
          %get3A_147 = tpu.vector_load %arg11[%get3A_145, %get3A_146] {strides = array<i32>} : memref<1536x32xf32, #tpu.memory_space<vmem>>, vector<1x16xf32>,
          %get3A_148 = vector.shape_cast %get3A_147 : vector<1x16xf32> to vector<16xf32>
          %mul3A_149 = vector.broadcast %squeeze3A_133 : f32 to vector<16xf32>
          %mul3A_150 = arith.mulf %mul3A_149, %get3A_148 : vector<16xf32>
          %add3A_151 = arith.addf %add3A_131, %mul3A_150 : vector<16xf32>
          %slice3A_152 = vector.extract_strided_slice %get3A_65 {offsets = [4], sizes = [1], strides = [1]} : vector<16xf32> to vector<1xf32>
          %squeeze3A_153 = vector.extract %slice3A_152[0] : f32 from vector<1xf32>
          %add3A_154 = arith.constant 4 : i32
          %add3A_155 = arith.addi %mul3A_63, %add3A_154 : i32
          %get3A_156 = arith.index_cast %add3A_155 : i32 to index
          %get3A_157 = arith.constant 0 : index
          %get3A_158 = tpu.vector_load %arg11[%get3A_156, %get3A_157] {strides = array<i32>} : memref<1536x32xf32, #tpu.memory_space<vmem>>, vector<1x16xf32>,
          %get3A_159 = vector.shape_cast %get3A_158 : vector<1x16xf32> to vector<16xf32>
          %mul3A_160 = vector.broadcast %squeeze3A_153 : f32 to vector<16xf32>
          %mul3A_161 = arith.mulf %mul3A_160, %get3A_159 : vector<16xf32>
          %add3A_162 = arith.addf %add3A_142, %mul3A_161 : vector<16xf32>
          %add3A_163 = arith.constant 4 : i32
          %add3A_164 = arith.addi %mul3A_63, %add3A_163 : i32
          %get3A_165 = arith.index_cast %add3A_164 : i32 to index
          %get3A_166 = arith.constant 16 : index
          %get3A_167 = tpu.vector_load %arg11[%get3A_165, %get3A_166] {strides = array<i32>} : memref<1536x32xf32, #tpu.memory_space<vmem>>, vector<1x16xf32>,
          %get3A_168 = vector.shape_cast %get3A_167 : vector<1x16xf32> to vector<16xf32>
          %mul3A_169 = vector.broadcast %squeeze3A_153 : f32 to vector<16xf32>
          %mul3A_170 = arith.mulf %mul3A_169, %get3A_168 : vector<16xf32>
          %add3A_171 = arith.addf %add3A_151, %mul3A_170 : vector<16xf32>
          %slice3A_172 = vector.extract_strided_slice %get3A_65 {offsets = [5], sizes = [1], strides = [1]} : vector<16xf32> to vector<1xf32>
          %squeeze3A_173 = vector.extract %slice3A_172[0] : f32 from vector<1xf32>
          %add3A_174 = arith.constant 5 : i32
          %add3A_175 = arith.addi %mul3A_63, %add3A_174 : i32
          %get3A_176 = arith.index_cast %add3A_175 : i32 to index
          %get3A_177 = arith.constant 0 : index
          %get3A_178 = tpu.vector_load %arg11[%get3A_176, %get3A_177] {strides = array<i32>} : memref<1536x32xf32, #tpu.memory_space<vmem>>, vector<1x16xf32>,
          %get3A_179 = vector.shape_cast %get3A_178 : vector<1x16xf32> to vector<16xf32>
          %mul3A_180 = vector.broadcast %squeeze3A_173 : f32 to vector<16xf32>
          %mul3A_181 = arith.mulf %mul3A_180, %get3A_179 : vector<16xf32>
          %add3A_182 = arith.addf %add3A_162, %mul3A_181 : vector<16xf32>
          %add3A_183 = arith.constant 5 : i32
          %add3A_184 = arith.addi %mul3A_63, %add3A_183 : i32
          %get3A_185 = arith.index_cast %add3A_184 : i32 to index
          %get3A_186 = arith.constant 16 : index
          %get3A_187 = tpu.vector_load %arg11[%get3A_185, %get3A_186] {strides = array<i32>} : memref<1536x32xf32, #tpu.memory_space<vmem>>, vector<1x16xf32>,
          %get3A_188 = vector.shape_cast %get3A_187 : vector<1x16xf32> to vector<16xf32>
          %mul3A_189 = vector.broadcast %squeeze3A_173 : f32 to vector<16xf32>
          %mul3A_190 = arith.mulf %mul3A_189, %get3A_188 : vector<16xf32>
          %add3A_191 = arith.addf %add3A_171, %mul3A_190 : vector<16xf32>
          %slice3A_192 = vector.extract_strided_slice %get3A_65 {offsets = [6], sizes = [1], strides = [1]} : vector<16xf32> to vector<1xf32>
          %squeeze3A_193 = vector.extract %slice3A_192[0] : f32 from vector<1xf32>
          %add3A_194 = arith.constant 6 : i32
          %add3A_195 = arith.addi %mul3A_63, %add3A_194 : i32
          %get3A_196 = arith.index_cast %add3A_195 : i32 to index
          %get3A_197 = arith.constant 0 : index
          %get3A_198 = tpu.vector_load %arg11[%get3A_196, %get3A_197] {strides = array<i32>} : memref<1536x32xf32, #tpu.memory_space<vmem>>, vector<1x16xf32>,
          %get3A_199 = vector.shape_cast %get3A_198 : vector<1x16xf32> to vector<16xf32>
          %mul3A_200 = vector.broadcast %squeeze3A_193 : f32 to vector<16xf32>
          %mul3A_201 = arith.mulf %mul3A_200, %get3A_199 : vector<16xf32>
          %add3A_202 = arith.addf %add3A_182, %mul3A_201 : vector<16xf32>
          %add3A_203 = arith.constant 6 : i32
          %add3A_204 = arith.addi %mul3A_63, %add3A_203 : i32
          %get3A_205 = arith.index_cast %add3A_204 : i32 to index
          %get3A_206 = arith.constant 16 : index
          %get3A_207 = tpu.vector_load %arg11[%get3A_205, %get3A_206] {strides = array<i32>} : memref<1536x32xf32, #tpu.memory_space<vmem>>, vector<1x16xf32>,
          %get3A_208 = vector.shape_cast %get3A_207 : vector<1x16xf32> to vector<16xf32>
          %mul3A_209 = vector.broadcast %squeeze3A_193 : f32 to vector<16xf32>
          %mul3A_210 = arith.mulf %mul3A_209, %get3A_208 : vector<16xf32>
          %add3A_211 = arith.addf %add3A_191, %mul3A_210 : vector<16xf32>
          %slice3A_212 = vector.extract_strided_slice %get3A_65 {offsets = [7], sizes = [1], strides = [1]} : vector<16xf32> to vector<1xf32>
          %squeeze3A_213 = vector.extract %slice3A_212[0] : f32 from vector<1xf32>
          %add3A_214 = arith.constant 7 : i32
          %add3A_215 = arith.addi %mul3A_63, %add3A_214 : i32
          %get3A_216 = arith.index_cast %add3A_215 : i32 to index
          %get3A_217 = arith.constant 0 : index
          %get3A_218 = tpu.vector_load %arg11[%get3A_216, %get3A_217] {strides = array<i32>} : memref<1536x32xf32, #tpu.memory_space<vmem>>, vector<1x16xf32>,
          %get3A_219 = vector.shape_cast %get3A_218 : vector<1x16xf32> to vector<16xf32>
          %mul3A_220 = vector.broadcast %squeeze3A_213 : f32 to vector<16xf32>
          %mul3A_221 = arith.mulf %mul3A_220, %get3A_219 : vector<16xf32>
          %add3A_222 = arith.addf %add3A_202, %mul3A_221 : vector<16xf32>
          %add3A_223 = arith.constant 7 : i32
          %add3A_224 = arith.addi %mul3A_63, %add3A_223 : i32
          %get3A_225 = arith.index_cast %add3A_224 : i32 to index
          %get3A_226 = arith.constant 16 : index
          %get3A_227 = tpu.vector_load %arg11[%get3A_225, %get3A_226] {strides = array<i32>} : memref<1536x32xf32, #tpu.memory_space<vmem>>, vector<1x16xf32>,
          %get3A_228 = vector.shape_cast %get3A_227 : vector<1x16xf32> to vector<16xf32>
          %mul3A_229 = vector.broadcast %squeeze3A_213 : f32 to vector<16xf32>
          %mul3A_230 = arith.mulf %mul3A_229, %get3A_228 : vector<16xf32>
          %add3A_231 = arith.addf %add3A_211, %mul3A_230 : vector<16xf32>
          %slice3A_232 = vector.extract_strided_slice %get3A_65 {offsets = [8], sizes = [1], strides = [1]} : vector<16xf32> to vector<1xf32>
          %squeeze3A_233 = vector.extract %slice3A_232[0] : f32 from vector<1xf32>
          %add3A_234 = arith.constant 8 : i32
          %add3A_235 = arith.addi %mul3A_63, %add3A_234 : i32
          %get3A_236 = arith.index_cast %add3A_235 : i32 to index
          %get3A_237 = arith.constant 0 : index
          %get3A_238 = tpu.vector_load %arg11[%get3A_236, %get3A_237] {strides = array<i32>} : memref<1536x32xf32, #tpu.memory_space<vmem>>, vector<1x16xf32>,
          %get3A_239 = vector.shape_cast %get3A_238 : vector<1x16xf32> to vector<16xf32>
          %mul3A_240 = vector.broadcast %squeeze3A_233 : f32 to vector<16xf32>
          %mul3A_241 = arith.mulf %mul3A_240, %get3A_239 : vector<16xf32>
          %add3A_242 = arith.addf %add3A_222, %mul3A_241 : vector<16xf32>
          %add3A_243 = arith.constant 8 : i32
          %add3A_244 = arith.addi %mul3A_63, %add3A_243 : i32
          %get3A_245 = arith.index_cast %add3A_244 : i32 to index
          %get3A_246 = arith.constant 16 : index
          %get3A_247 = tpu.vector_load %arg11[%get3A_245, %get3A_246] {strides = array<i32>} : memref<1536x32xf32, #tpu.memory_space<vmem>>, vector<1x16xf32>,
          %get3A_248 = vector.shape_cast %get3A_247 : vector<1x16xf32> to vector<16xf32>
          %mul3A_249 = vector.broadcast %squeeze3A_233 : f32 to vector<16xf32>
          %mul3A_250 = arith.mulf %mul3A_249, %get3A_248 : vector<16xf32>
          %add3A_251 = arith.addf %add3A_231, %mul3A_250 : vector<16xf32>
          %slice3A_252 = vector.extract_strided_slice %get3A_65 {offsets = [9], sizes = [1], strides = [1]} : vector<16xf32> to vector<1xf32>
          %squeeze3A_253 = vector.extract %slice3A_252[0] : f32 from vector<1xf32>
          %add3A_254 = arith.constant 9 : i32
          %add3A_255 = arith.addi %mul3A_63, %add3A_254 : i32
          %get3A_256 = arith.index_cast %add3A_255 : i32 to index
          %get3A_257 = arith.constant 0 : index
          %get3A_258 = tpu.vector_load %arg11[%get3A_256, %get3A_257] {strides = array<i32>} : memref<1536x32xf32, #tpu.memory_space<vmem>>, vector<1x16xf32>,
          %get3A_259 = vector.shape_cast %get3A_258 : vector<1x16xf32> to vector<16xf32>
          %mul3A_260 = vector.broadcast %squeeze3A_253 : f32 to vector<16xf32>
          %mul3A_261 = arith.mulf %mul3A_260, %get3A_259 : vector<16xf32>
          %add3A_262 = arith.addf %add3A_242, %mul3A_261 : vector<16xf32>
          %add3A_263 = arith.constant 9 : i32
          %add3A_264 = arith.addi %mul3A_63, %add3A_263 : i32
          %get3A_265 = arith.index_cast %add3A_264 : i32 to index
          %get3A_266 = arith.constant 16 : index
          %get3A_267 = tpu.vector_load %arg11[%get3A_265, %get3A_266] {strides = array<i32>} : memref<1536x32xf32, #tpu.memory_space<vmem>>, vector<1x16xf32>,
          %get3A_268 = vector.shape_cast %get3A_267 : vector<1x16xf32> to vector<16xf32>
          %mul3A_269 = vector.broadcast %squeeze3A_253 : f32 to vector<16xf32>
          %mul3A_270 = arith.mulf %mul3A_269, %get3A_268 : vector<16xf32>
          %add3A_271 = arith.addf %add3A_251, %mul3A_270 : vector<16xf32>
          %slice3A_272 = vector.extract_strided_slice %get3A_65 {offsets = [10], sizes = [1], strides = [1]} : vector<16xf32> to vector<1xf32>
          %squeeze3A_273 = vector.extract %slice3A_272[0] : f32 from vector<1xf32>
          %add3A_274 = arith.constant 10 : i32
          %add3A_275 = arith.addi %mul3A_63, %add3A_274 : i32
          %get3A_276 = arith.index_cast %add3A_275 : i32 to index
          %get3A_277 = arith.constant 0 : index
          %get3A_278 = tpu.vector_load %arg11[%get3A_276, %get3A_277] {strides = array<i32>} : memref<1536x32xf32, #tpu.memory_space<vmem>>, vector<1x16xf32>,
          %get3A_279 = vector.shape_cast %get3A_278 : vector<1x16xf32> to vector<16xf32>
          %mul3A_280 = vector.broadcast %squeeze3A_273 : f32 to vector<16xf32>
          %mul3A_281 = arith.mulf %mul3A_280, %get3A_279 : vector<16xf32>
          %add3A_282 = arith.addf %add3A_262, %mul3A_281 : vector<16xf32>
          %add3A_283 = arith.constant 10 : i32
          %add3A_284 = arith.addi %mul3A_63, %add3A_283 : i32
          %get3A_285 = arith.index_cast %add3A_284 : i32 to index
          %get3A_286 = arith.constant 16 : index
          %get3A_287 = tpu.vector_load %arg11[%get3A_285, %get3A_286] {strides = array<i32>} : memref<1536x32xf32, #tpu.memory_space<vmem>>, vector<1x16xf32>,
          %get3A_288 = vector.shape_cast %get3A_287 : vector<1x16xf32> to vector<16xf32>
          %mul3A_289 = vector.broadcast %squeeze3A_273 : f32 to vector<16xf32>
          %mul3A_290 = arith.mulf %mul3A_289, %get3A_288 : vector<16xf32>
          %add3A_291 = arith.addf %add3A_271, %mul3A_290 : vector<16xf32>
          %slice3A_292 = vector.extract_strided_slice %get3A_65 {offsets = [11], sizes = [1], strides = [1]} : vector<16xf32> to vector<1xf32>
          %squeeze3A_293 = vector.extract %slice3A_292[0] : f32 from vector<1xf32>
          %add3A_294 = arith.constant 11 : i32
          %add3A_295 = arith.addi %mul3A_63, %add3A_294 : i32
          %get3A_296 = arith.index_cast %add3A_295 : i32 to index
          %get3A_297 = arith.constant 0 : index
          %get3A_298 = tpu.vector_load %arg11[%get3A_296, %get3A_297] {strides = array<i32>} : memref<1536x32xf32, #tpu.memory_space<vmem>>, vector<1x16xf32>,
          %get3A_299 = vector.shape_cast %get3A_298 : vector<1x16xf32> to vector<16xf32>
          %mul3A_300 = vector.broadcast %squeeze3A_293 : f32 to vector<16xf32>
          %mul3A_301 = arith.mulf %mul3A_300, %get3A_299 : vector<16xf32>
          %add3A_302 = arith.addf %add3A_282, %mul3A_301 : vector<16xf32>
          %add3A_303 = arith.constant 11 : i32
          %add3A_304 = arith.addi %mul3A_63, %add3A_303 : i32
          %get3A_305 = arith.index_cast %add3A_304 : i32 to index
          %get3A_306 = arith.constant 16 : index
          %get3A_307 = tpu.vector_load %arg11[%get3A_305, %get3A_306] {strides = array<i32>} : memref<1536x32xf32, #tpu.memory_space<vmem>>, vector<1x16xf32>,
          %get3A_308 = vector.shape_cast %get3A_307 : vector<1x16xf32> to vector<16xf32>
          %mul3A_309 = vector.broadcast %squeeze3A_293 : f32 to vector<16xf32>
          %mul3A_310 = arith.mulf %mul3A_309, %get3A_308 : vector<16xf32>
          %add3A_311 = arith.addf %add3A_291, %mul3A_310 : vector<16xf32>
          %slice3A_312 = vector.extract_strided_slice %get3A_65 {offsets = [12], sizes = [1], strides = [1]} : vector<16xf32> to vector<1xf32>
          %squeeze3A_313 = vector.extract %slice3A_312[0] : f32 from vector<1xf32>
          %add3A_314 = arith.constant 12 : i32
          %add3A_315 = arith.addi %mul3A_63, %add3A_314 : i32
          %get3A_316 = arith.index_cast %add3A_315 : i32 to index
          %get3A_317 = arith.constant 0 : index
          %get3A_318 = tpu.vector_load %arg11[%get3A_316, %get3A_317] {strides = array<i32>} : memref<1536x32xf32, #tpu.memory_space<vmem>>, vector<1x16xf32>,
          %get3A_319 = vector.shape_cast %get3A_318 : vector<1x16xf32> to vector<16xf32>
          %mul3A_320 = vector.broadcast %squeeze3A_313 : f32 to vector<16xf32>
          %mul3A_321 = arith.mulf %mul3A_320, %get3A_319 : vector<16xf32>
          %add3A_322 = arith.addf %add3A_302, %mul3A_321 : vector<16xf32>
          %add3A_323 = arith.constant 12 : i32
          %add3A_324 = arith.addi %mul3A_63, %add3A_323 : i32
          %get3A_325 = arith.index_cast %add3A_324 : i32 to index
          %get3A_326 = arith.constant 16 : index
          %get3A_327 = tpu.vector_load %arg11[%get3A_325, %get3A_326] {strides = array<i32>} : memref<1536x32xf32, #tpu.memory_space<vmem>>, vector<1x16xf32>,
          %get3A_328 = vector.shape_cast %get3A_327 : vector<1x16xf32> to vector<16xf32>
          %mul3A_329 = vector.broadcast %squeeze3A_313 : f32 to vector<16xf32>
          %mul3A_330 = arith.mulf %mul3A_329, %get3A_328 : vector<16xf32>
          %add3A_331 = arith.addf %add3A_311, %mul3A_330 : vector<16xf32>
          %slice3A_332 = vector.extract_strided_slice %get3A_65 {offsets = [13], sizes = [1], strides = [1]} : vector<16xf32> to vector<1xf32>
          %squeeze3A_333 = vector.extract %slice3A_332[0] : f32 from vector<1xf32>
          %add3A_334 = arith.constant 13 : i32
          %add3A_335 = arith.addi %mul3A_63, %add3A_334 : i32
          %get3A_336 = arith.index_cast %add3A_335 : i32 to index
          %get3A_337 = arith.constant 0 : index
          %get3A_338 = tpu.vector_load %arg11[%get3A_336, %get3A_337] {strides = array<i32>} : memref<1536x32xf32, #tpu.memory_space<vmem>>, vector<1x16xf32>,
          %get3A_339 = vector.shape_cast %get3A_338 : vector<1x16xf32> to vector<16xf32>
          %mul3A_340 = vector.broadcast %squeeze3A_333 : f32 to vector<16xf32>
          %mul3A_341 = arith.mulf %mul3A_340, %get3A_339 : vector<16xf32>
          %add3A_342 = arith.addf %add3A_322, %mul3A_341 : vector<16xf32>
          %add3A_343 = arith.constant 13 : i32
          %add3A_344 = arith.addi %mul3A_63, %add3A_343 : i32
          %get3A_345 = arith.index_cast %add3A_344 : i32 to index
          %get3A_346 = arith.constant 16 : index
          %get3A_347 = tpu.vector_load %arg11[%get3A_345, %get3A_346] {strides = array<i32>} : memref<1536x32xf32, #tpu.memory_space<vmem>>, vector<1x16xf32>,
          %get3A_348 = vector.shape_cast %get3A_347 : vector<1x16xf32> to vector<16xf32>
          %mul3A_349 = vector.broadcast %squeeze3A_333 : f32 to vector<16xf32>
          %mul3A_350 = arith.mulf %mul3A_349, %get3A_348 : vector<16xf32>
          %add3A_351 = arith.addf %add3A_331, %mul3A_350 : vector<16xf32>
          %slice3A_352 = vector.extract_strided_slice %get3A_65 {offsets = [14], sizes = [1], strides = [1]} : vector<16xf32> to vector<1xf32>
          %squeeze3A_353 = vector.extract %slice3A_352[0] : f32 from vector<1xf32>
          %add3A_354 = arith.constant 14 : i32
          %add3A_355 = arith.addi %mul3A_63, %add3A_354 : i32
          %get3A_356 = arith.index_cast %add3A_355 : i32 to index
          %get3A_357 = arith.constant 0 : index
          %get3A_358 = tpu.vector_load %arg11[%get3A_356, %get3A_357] {strides = array<i32>} : memref<1536x32xf32, #tpu.memory_space<vmem>>, vector<1x16xf32>,
          %get3A_359 = vector.shape_cast %get3A_358 : vector<1x16xf32> to vector<16xf32>
          %mul3A_360 = vector.broadcast %squeeze3A_353 : f32 to vector<16xf32>
          %mul3A_361 = arith.mulf %mul3A_360, %get3A_359 : vector<16xf32>
          %add3A_362 = arith.addf %add3A_342, %mul3A_361 : vector<16xf32>
          %add3A_363 = arith.constant 14 : i32
          %add3A_364 = arith.addi %mul3A_63, %add3A_363 : i32
          %get3A_365 = arith.index_cast %add3A_364 : i32 to index
          %get3A_366 = arith.constant 16 : index
          %get3A_367 = tpu.vector_load %arg11[%get3A_365, %get3A_366] {strides = array<i32>} : memref<1536x32xf32, #tpu.memory_space<vmem>>, vector<1x16xf32>,
          %get3A_368 = vector.shape_cast %get3A_367 : vector<1x16xf32> to vector<16xf32>
          %mul3A_369 = vector.broadcast %squeeze3A_353 : f32 to vector<16xf32>
          %mul3A_370 = arith.mulf %mul3A_369, %get3A_368 : vector<16xf32>
          %add3A_371 = arith.addf %add3A_351, %mul3A_370 : vector<16xf32>
          %slice3A_372 = vector.extract_strided_slice %get3A_65 {offsets = [15], sizes = [1], strides = [1]} : vector<16xf32> to vector<1xf32>
          %squeeze3A_373 = vector.extract %slice3A_372[0] : f32 from vector<1xf32>
          %add3A_374 = arith.constant 15 : i32
          %add3A_375 = arith.addi %mul3A_63, %add3A_374 : i32
          %get3A_376 = arith.index_cast %add3A_375 : i32 to index
          %get3A_377 = arith.constant 0 : index
          %get3A_378 = tpu.vector_load %arg11[%get3A_376, %get3A_377] {strides = array<i32>} : memref<1536x32xf32, #tpu.memory_space<vmem>>, vector<1x16xf32>,
          %get3A_379 = vector.shape_cast %get3A_378 : vector<1x16xf32> to vector<16xf32>
          %mul3A_380 = vector.broadcast %squeeze3A_373 : f32 to vector<16xf32>
          %mul3A_381 = arith.mulf %mul3A_380, %get3A_379 : vector<16xf32>
          %add3A_382 = arith.addf %add3A_362, %mul3A_381 : vector<16xf32>
          %add3A_383 = arith.constant 15 : i32
          %add3A_384 = arith.addi %mul3A_63, %add3A_383 : i32
          %get3A_385 = arith.index_cast %add3A_384 : i32 to index
          %get3A_386 = arith.constant 16 : index
          %get3A_387 = tpu.vector_load %arg11[%get3A_385, %get3A_386] {strides = array<i32>} : memref<1536x32xf32, #tpu.memory_space<vmem>>, vector<1x16xf32>,
          %get3A_388 = vector.shape_cast %get3A_387 : vector<1x16xf32> to vector<16xf32>
          %mul3A_389 = vector.broadcast %squeeze3A_373 : f32 to vector<16xf32>
          %mul3A_390 = arith.mulf %mul3A_389, %get3A_388 : vector<16xf32>
          %add3A_391 = arith.addf %add3A_371, %mul3A_390 : vector<16xf32>
          %slice3A_392 = vector.extract_strided_slice %get3A_70 {offsets = [0], sizes = [1], strides = [1]} : vector<16xf32> to vector<1xf32>
          %squeeze3A_393 = vector.extract %slice3A_392[0] : f32 from vector<1xf32>
          %add3A_394 = arith.constant 16 : i32
          %add3A_395 = arith.addi %mul3A_63, %add3A_394 : i32
          %get3A_396 = arith.index_cast %add3A_395 : i32 to index
          %get3A_397 = arith.constant 0 : index
          %get3A_398 = tpu.vector_load %arg11[%get3A_396, %get3A_397] {strides = array<i32>} : memref<1536x32xf32, #tpu.memory_space<vmem>>, vector<1x16xf32>,
          %get3A_399 = vector.shape_cast %get3A_398 : vector<1x16xf32> to vector<16xf32>
          %mul3A_400 = vector.broadcast %squeeze3A_393 : f32 to vector<16xf32>
          %mul3A_401 = arith.mulf %mul3A_400, %get3A_399 : vector<16xf32>
          %add3A_402 = arith.addf %add3A_382, %mul3A_401 : vector<16xf32>
          %add3A_403 = arith.constant 16 : i32
          %add3A_404 = arith.addi %mul3A_63, %add3A_403 : i32
          %get3A_405 = arith.index_cast %add3A_404 : i32 to index
          %get3A_406 = arith.constant 16 : index
          %get3A_407 = tpu.vector_load %arg11[%get3A_405, %get3A_406] {strides = array<i32>} : memref<1536x32xf32, #tpu.memory_space<vmem>>, vector<1x16xf32>,
          %get3A_408 = vector.shape_cast %get3A_407 : vector<1x16xf32> to vector<16xf32>
          %mul3A_409 = vector.broadcast %squeeze3A_393 : f32 to vector<16xf32>
          %mul3A_410 = arith.mulf %mul3A_409, %get3A_408 : vector<16xf32>
          %add3A_411 = arith.addf %add3A_391, %mul3A_410 : vector<16xf32>
          %slice3A_412 = vector.extract_strided_slice %get3A_70 {offsets = [1], sizes = [1], strides = [1]} : vector<16xf32> to vector<1xf32>
          %squeeze3A_413 = vector.extract %slice3A_412[0] : f32 from vector<1xf32>
          %add3A_414 = arith.constant 17 : i32
          %add3A_415 = arith.addi %mul3A_63, %add3A_414 : i32
          %get3A_416 = arith.index_cast %add3A_415 : i32 to index
          %get3A_417 = arith.constant 0 : index
          %get3A_418 = tpu.vector_load %arg11[%get3A_416, %get3A_417] {strides = array<i32>} : memref<1536x32xf32, #tpu.memory_space<vmem>>, vector<1x16xf32>,
          %get3A_419 = vector.shape_cast %get3A_418 : vector<1x16xf32> to vector<16xf32>
          %mul3A_420 = vector.broadcast %squeeze3A_413 : f32 to vector<16xf32>
          %mul3A_421 = arith.mulf %mul3A_420, %get3A_419 : vector<16xf32>
          %add3A_422 = arith.addf %add3A_402, %mul3A_421 : vector<16xf32>
          %add3A_423 = arith.constant 17 : i32
          %add3A_424 = arith.addi %mul3A_63, %add3A_423 : i32
          %get3A_425 = arith.index_cast %add3A_424 : i32 to index
          %get3A_426 = arith.constant 16 : index
          %get3A_427 = tpu.vector_load %arg11[%get3A_425, %get3A_426] {strides = array<i32>} : memref<1536x32xf32, #tpu.memory_space<vmem>>, vector<1x16xf32>,
          %get3A_428 = vector.shape_cast %get3A_427 : vector<1x16xf32> to vector<16xf32>
          %mul3A_429 = vector.broadcast %squeeze3A_413 : f32 to vector<16xf32>
          %mul3A_430 = arith.mulf %mul3A_429, %get3A_428 : vector<16xf32>
          %add3A_431 = arith.addf %add3A_411, %mul3A_430 : vector<16xf32>
          %slice3A_432 = vector.extract_strided_slice %get3A_70 {offsets = [2], sizes = [1], strides = [1]} : vector<16xf32> to vector<1xf32>
          %squeeze3A_433 = vector.extract %slice3A_432[0] : f32 from vector<1xf32>
          %add3A_434 = arith.constant 18 : i32
          %add3A_435 = arith.addi %mul3A_63, %add3A_434 : i32
          %get3A_436 = arith.index_cast %add3A_435 : i32 to index
          %get3A_437 = arith.constant 0 : index
          %get3A_438 = tpu.vector_load %arg11[%get3A_436, %get3A_437] {strides = array<i32>} : memref<1536x32xf32, #tpu.memory_space<vmem>>, vector<1x16xf32>,
          %get3A_439 = vector.shape_cast %get3A_438 : vector<1x16xf32> to vector<16xf32>
          %mul3A_440 = vector.broadcast %squeeze3A_433 : f32 to vector<16xf32>
          %mul3A_441 = arith.mulf %mul3A_440, %get3A_439 : vector<16xf32>
          %add3A_442 = arith.addf %add3A_422, %mul3A_441 : vector<16xf32>
          %add3A_443 = arith.constant 18 : i32
          %add3A_444 = arith.addi %mul3A_63, %add3A_443 : i32
          %get3A_445 = arith.index_cast %add3A_444 : i32 to index
          %get3A_446 = arith.constant 16 : index
          %get3A_447 = tpu.vector_load %arg11[%get3A_445, %get3A_446] {strides = array<i32>} : memref<1536x32xf32, #tpu.memory_space<vmem>>, vector<1x16xf32>,
          %get3A_448 = vector.shape_cast %get3A_447 : vector<1x16xf32> to vector<16xf32>
          %mul3A_449 = vector.broadcast %squeeze3A_433 : f32 to vector<16xf32>
          %mul3A_450 = arith.mulf %mul3A_449, %get3A_448 : vector<16xf32>
          %add3A_451 = arith.addf %add3A_431, %mul3A_450 : vector<16xf32>
          %slice3A_452 = vector.extract_strided_slice %get3A_70 {offsets = [3], sizes = [1], strides = [1]} : vector<16xf32> to vector<1xf32>
          %squeeze3A_453 = vector.extract %slice3A_452[0] : f32 from vector<1xf32>
          %add3A_454 = arith.constant 19 : i32
          %add3A_455 = arith.addi %mul3A_63, %add3A_454 : i32
          %get3A_456 = arith.index_cast %add3A_455 : i32 to index
          %get3A_457 = arith.constant 0 : index
          %get3A_458 = tpu.vector_load %arg11[%get3A_456, %get3A_457] {strides = array<i32>} : memref<1536x32xf32, #tpu.memory_space<vmem>>, vector<1x16xf32>,
          %get3A_459 = vector.shape_cast %get3A_458 : vector<1x16xf32> to vector<16xf32>
          %mul3A_460 = vector.broadcast %squeeze3A_453 : f32 to vector<16xf32>
          %mul3A_461 = arith.mulf %mul3A_460, %get3A_459 : vector<16xf32>
          %add3A_462 = arith.addf %add3A_442, %mul3A_461 : vector<16xf32>
          %add3A_463 = arith.constant 19 : i32
          %add3A_464 = arith.addi %mul3A_63, %add3A_463 : i32
          %get3A_465 = arith.index_cast %add3A_464 : i32 to index
          %get3A_466 = arith.constant 16 : index
          %get3A_467 = tpu.vector_load %arg11[%get3A_465, %get3A_466] {strides = array<i32>} : memref<1536x32xf32, #tpu.memory_space<vmem>>, vector<1x16xf32>,
          %get3A_468 = vector.shape_cast %get3A_467 : vector<1x16xf32> to vector<16xf32>
          %mul3A_469 = vector.broadcast %squeeze3A_453 : f32 to vector<16xf32>
          %mul3A_470 = arith.mulf %mul3A_469, %get3A_468 : vector<16xf32>
          %add3A_471 = arith.addf %add3A_451, %mul3A_470 : vector<16xf32>
          %slice3A_472 = vector.extract_strided_slice %get3A_70 {offsets = [4], sizes = [1], strides = [1]} : vector<16xf32> to vector<1xf32>
          %squeeze3A_473 = vector.extract %slice3A_472[0] : f32 from vector<1xf32>
          %add3A_474 = arith.constant 20 : i32
          %add3A_475 = arith.addi %mul3A_63, %add3A_474 : i32
          %get3A_476 = arith.index_cast %add3A_475 : i32 to index
          %get3A_477 = arith.constant 0 : index
          %get3A_478 = tpu.vector_load %arg11[%get3A_476, %get3A_477] {strides = array<i32>} : memref<1536x32xf32, #tpu.memory_space<vmem>>, vector<1x16xf32>,
          %get3A_479 = vector.shape_cast %get3A_478 : vector<1x16xf32> to vector<16xf32>
          %mul3A_480 = vector.broadcast %squeeze3A_473 : f32 to vector<16xf32>
          %mul3A_481 = arith.mulf %mul3A_480, %get3A_479 : vector<16xf32>
          %add3A_482 = arith.addf %add3A_462, %mul3A_481 : vector<16xf32>
          %add3A_483 = arith.constant 20 : i32
          %add3A_484 = arith.addi %mul3A_63, %add3A_483 : i32
          %get3A_485 = arith.index_cast %add3A_484 : i32 to index
          %get3A_486 = arith.constant 16 : index
          %get3A_487 = tpu.vector_load %arg11[%get3A_485, %get3A_486] {strides = array<i32>} : memref<1536x32xf32, #tpu.memory_space<vmem>>, vector<1x16xf32>,
          %get3A_488 = vector.shape_cast %get3A_487 : vector<1x16xf32> to vector<16xf32>
          %mul3A_489 = vector.broadcast %squeeze3A_473 : f32 to vector<16xf32>
          %mul3A_490 = arith.mulf %mul3A_489, %get3A_488 : vector<16xf32>
          %add3A_491 = arith.addf %add3A_471, %mul3A_490 : vector<16xf32>
          %slice3A_492 = vector.extract_strided_slice %get3A_70 {offsets = [5], sizes = [1], strides = [1]} : vector<16xf32> to vector<1xf32>
          %squeeze3A_493 = vector.extract %slice3A_492[0] : f32 from vector<1xf32>
          %add3A_494 = arith.constant 21 : i32
          %add3A_495 = arith.addi %mul3A_63, %add3A_494 : i32
          %get3A_496 = arith.index_cast %add3A_495 : i32 to index
          %get3A_497 = arith.constant 0 : index
          %get3A_498 = tpu.vector_load %arg11[%get3A_496, %get3A_497] {strides = array<i32>} : memref<1536x32xf32, #tpu.memory_space<vmem>>, vector<1x16xf32>,
          %get3A_499 = vector.shape_cast %get3A_498 : vector<1x16xf32> to vector<16xf32>
          %mul3A_500 = vector.broadcast %squeeze3A_493 : f32 to vector<16xf32>
          %mul3A_501 = arith.mulf %mul3A_500, %get3A_499 : vector<16xf32>
          %add3A_502 = arith.addf %add3A_482, %mul3A_501 : vector<16xf32>
          %add3A_503 = arith.constant 21 : i32
          %add3A_504 = arith.addi %mul3A_63, %add3A_503 : i32
          %get3A_505 = arith.index_cast %add3A_504 : i32 to index
          %get3A_506 = arith.constant 16 : index
          %get3A_507 = tpu.vector_load %arg11[%get3A_505, %get3A_506] {strides = array<i32>} : memref<1536x32xf32, #tpu.memory_space<vmem>>, vector<1x16xf32>,
          %get3A_508 = vector.shape_cast %get3A_507 : vector<1x16xf32> to vector<16xf32>
          %mul3A_509 = vector.broadcast %squeeze3A_493 : f32 to vector<16xf32>
          %mul3A_510 = arith.mulf %mul3A_509, %get3A_508 : vector<16xf32>
          %add3A_511 = arith.addf %add3A_491, %mul3A_510 : vector<16xf32>
          %slice3A_512 = vector.extract_strided_slice %get3A_70 {offsets = [6], sizes = [1], strides = [1]} : vector<16xf32> to vector<1xf32>
          %squeeze3A_513 = vector.extract %slice3A_512[0] : f32 from vector<1xf32>
          %add3A_514 = arith.constant 22 : i32
          %add3A_515 = arith.addi %mul3A_63, %add3A_514 : i32
          %get3A_516 = arith.index_cast %add3A_515 : i32 to index
          %get3A_517 = arith.constant 0 : index
          %get3A_518 = tpu.vector_load %arg11[%get3A_516, %get3A_517] {strides = array<i32>} : memref<1536x32xf32, #tpu.memory_space<vmem>>, vector<1x16xf32>,
          %get3A_519 = vector.shape_cast %get3A_518 : vector<1x16xf32> to vector<16xf32>
          %mul3A_520 = vector.broadcast %squeeze3A_513 : f32 to vector<16xf32>
          %mul3A_521 = arith.mulf %mul3A_520, %get3A_519 : vector<16xf32>
          %add3A_522 = arith.addf %add3A_502, %mul3A_521 : vector<16xf32>
          %add3A_523 = arith.constant 22 : i32
          %add3A_524 = arith.addi %mul3A_63, %add3A_523 : i32
          %get3A_525 = arith.index_cast %add3A_524 : i32 to index
          %get3A_526 = arith.constant 16 : index
          %get3A_527 = tpu.vector_load %arg11[%get3A_525, %get3A_526] {strides = array<i32>} : memref<1536x32xf32, #tpu.memory_space<vmem>>, vector<1x16xf32>,
          %get3A_528 = vector.shape_cast %get3A_527 : vector<1x16xf32> to vector<16xf32>
          %mul3A_529 = vector.broadcast %squeeze3A_513 : f32 to vector<16xf32>
          %mul3A_530 = arith.mulf %mul3A_529, %get3A_528 : vector<16xf32>
          %add3A_531 = arith.addf %add3A_511, %mul3A_530 : vector<16xf32>
          %slice3A_532 = vector.extract_strided_slice %get3A_70 {offsets = [7], sizes = [1], strides = [1]} : vector<16xf32> to vector<1xf32>
          %squeeze3A_533 = vector.extract %slice3A_532[0] : f32 from vector<1xf32>
          %add3A_534 = arith.constant 23 : i32
          %add3A_535 = arith.addi %mul3A_63, %add3A_534 : i32
          %get3A_536 = arith.index_cast %add3A_535 : i32 to index
          %get3A_537 = arith.constant 0 : index
          %get3A_538 = tpu.vector_load %arg11[%get3A_536, %get3A_537] {strides = array<i32>} : memref<1536x32xf32, #tpu.memory_space<vmem>>, vector<1x16xf32>,
          %get3A_539 = vector.shape_cast %get3A_538 : vector<1x16xf32> to vector<16xf32>
          %mul3A_540 = vector.broadcast %squeeze3A_533 : f32 to vector<16xf32>
          %mul3A_541 = arith.mulf %mul3A_540, %get3A_539 : vector<16xf32>
          %add3A_542 = arith.addf %add3A_522, %mul3A_541 : vector<16xf32>
          %add3A_543 = arith.constant 23 : i32
          %add3A_544 = arith.addi %mul3A_63, %add3A_543 : i32
          %get3A_545 = arith.index_cast %add3A_544 : i32 to index
          %get3A_546 = arith.constant 16 : index
          %get3A_547 = tpu.vector_load %arg11[%get3A_545, %get3A_546] {strides = array<i32>} : memref<1536x32xf32, #tpu.memory_space<vmem>>, vector<1x16xf32>,
          %get3A_548 = vector.shape_cast %get3A_547 : vector<1x16xf32> to vector<16xf32>
          %mul3A_549 = vector.broadcast %squeeze3A_533 : f32 to vector<16xf32>
          %mul3A_550 = arith.mulf %mul3A_549, %get3A_548 : vector<16xf32>
          %add3A_551 = arith.addf %add3A_531, %mul3A_550 : vector<16xf32>
          %slice3A_552 = vector.extract_strided_slice %get3A_70 {offsets = [8], sizes = [1], strides = [1]} : vector<16xf32> to vector<1xf32>
          %squeeze3A_553 = vector.extract %slice3A_552[0] : f32 from vector<1xf32>
          %add3A_554 = arith.constant 24 : i32
          %add3A_555 = arith.addi %mul3A_63, %add3A_554 : i32
          %get3A_556 = arith.index_cast %add3A_555 : i32 to index
          %get3A_557 = arith.constant 0 : index
          %get3A_558 = tpu.vector_load %arg11[%get3A_556, %get3A_557] {strides = array<i32>} : memref<1536x32xf32, #tpu.memory_space<vmem>>, vector<1x16xf32>,
          %get3A_559 = vector.shape_cast %get3A_558 : vector<1x16xf32> to vector<16xf32>
          %mul3A_560 = vector.broadcast %squeeze3A_553 : f32 to vector<16xf32>
          %mul3A_561 = arith.mulf %mul3A_560, %get3A_559 : vector<16xf32>
          %add3A_562 = arith.addf %add3A_542, %mul3A_561 : vector<16xf32>
          %add3A_563 = arith.constant 24 : i32
          %add3A_564 = arith.addi %mul3A_63, %add3A_563 : i32
          %get3A_565 = arith.index_cast %add3A_564 : i32 to index
          %get3A_566 = arith.constant 16 : index
          %get3A_567 = tpu.vector_load %arg11[%get3A_565, %get3A_566] {strides = array<i32>} : memref<1536x32xf32, #tpu.memory_space<vmem>>, vector<1x16xf32>,
          %get3A_568 = vector.shape_cast %get3A_567 : vector<1x16xf32> to vector<16xf32>
          %mul3A_569 = vector.broadcast %squeeze3A_553 : f32 to vector<16xf32>
          %mul3A_570 = arith.mulf %mul3A_569, %get3A_568 : vector<16xf32>
          %add3A_571 = arith.addf %add3A_551, %mul3A_570 : vector<16xf32>
          %slice3A_572 = vector.extract_strided_slice %get3A_70 {offsets = [9], sizes = [1], strides = [1]} : vector<16xf32> to vector<1xf32>
          %squeeze3A_573 = vector.extract %slice3A_572[0] : f32 from vector<1xf32>
          %add3A_574 = arith.constant 25 : i32
          %add3A_575 = arith.addi %mul3A_63, %add3A_574 : i32
          %get3A_576 = arith.index_cast %add3A_575 : i32 to index
          %get3A_577 = arith.constant 0 : index
          %get3A_578 = tpu.vector_load %arg11[%get3A_576, %get3A_577] {strides = array<i32>} : memref<1536x32xf32, #tpu.memory_space<vmem>>, vector<1x16xf32>,
          %get3A_579 = vector.shape_cast %get3A_578 : vector<1x16xf32> to vector<16xf32>
          %mul3A_580 = vector.broadcast %squeeze3A_573 : f32 to vector<16xf32>
          %mul3A_581 = arith.mulf %mul3A_580, %get3A_579 : vector<16xf32>
          %add3A_582 = arith.addf %add3A_562, %mul3A_581 : vector<16xf32>
          %add3A_583 = arith.constant 25 : i32
          %add3A_584 = arith.addi %mul3A_63, %add3A_583 : i32
          %get3A_585 = arith.index_cast %add3A_584 : i32 to index
          %get3A_586 = arith.constant 16 : index
          %get3A_587 = tpu.vector_load %arg11[%get3A_585, %get3A_586] {strides = array<i32>} : memref<1536x32xf32, #tpu.memory_space<vmem>>, vector<1x16xf32>,
          %get3A_588 = vector.shape_cast %get3A_587 : vector<1x16xf32> to vector<16xf32>
          %mul3A_589 = vector.broadcast %squeeze3A_573 : f32 to vector<16xf32>
          %mul3A_590 = arith.mulf %mul3A_589, %get3A_588 : vector<16xf32>
          %add3A_591 = arith.addf %add3A_571, %mul3A_590 : vector<16xf32>
          %slice3A_592 = vector.extract_strided_slice %get3A_70 {offsets = [10], sizes = [1], strides = [1]} : vector<16xf32> to vector<1xf32>
          %squeeze3A_593 = vector.extract %slice3A_592[0] : f32 from vector<1xf32>
          %add3A_594 = arith.constant 26 : i32
          %add3A_595 = arith.addi %mul3A_63, %add3A_594 : i32
          %get3A_596 = arith.index_cast %add3A_595 : i32 to index
          %get3A_597 = arith.constant 0 : index
          %get3A_598 = tpu.vector_load %arg11[%get3A_596, %get3A_597] {strides = array<i32>} : memref<1536x32xf32, #tpu.memory_space<vmem>>, vector<1x16xf32>,
          %get3A_599 = vector.shape_cast %get3A_598 : vector<1x16xf32> to vector<16xf32>
          %mul3A_600 = vector.broadcast %squeeze3A_593 : f32 to vector<16xf32>
          %mul3A_601 = arith.mulf %mul3A_600, %get3A_599 : vector<16xf32>
          %add3A_602 = arith.addf %add3A_582, %mul3A_601 : vector<16xf32>
          %add3A_603 = arith.constant 26 : i32
          %add3A_604 = arith.addi %mul3A_63, %add3A_603 : i32
          %get3A_605 = arith.index_cast %add3A_604 : i32 to index
          %get3A_606 = arith.constant 16 : index
          %get3A_607 = tpu.vector_load %arg11[%get3A_605, %get3A_606] {strides = array<i32>} : memref<1536x32xf32, #tpu.memory_space<vmem>>, vector<1x16xf32>,
          %get3A_608 = vector.shape_cast %get3A_607 : vector<1x16xf32> to vector<16xf32>
          %mul3A_609 = vector.broadcast %squeeze3A_593 : f32 to vector<16xf32>
          %mul3A_610 = arith.mulf %mul3A_609, %get3A_608 : vector<16xf32>
          %add3A_611 = arith.addf %add3A_591, %mul3A_610 : vector<16xf32>
          %slice3A_612 = vector.extract_strided_slice %get3A_70 {offsets = [11], sizes = [1], strides = [1]} : vector<16xf32> to vector<1xf32>
          %squeeze3A_613 = vector.extract %slice3A_612[0] : f32 from vector<1xf32>
          %add3A_614 = arith.constant 27 : i32
          %add3A_615 = arith.addi %mul3A_63, %add3A_614 : i32
          %get3A_616 = arith.index_cast %add3A_615 : i32 to index
          %get3A_617 = arith.constant 0 : index
          %get3A_618 = tpu.vector_load %arg11[%get3A_616, %get3A_617] {strides = array<i32>} : memref<1536x32xf32, #tpu.memory_space<vmem>>, vector<1x16xf32>,
          %get3A_619 = vector.shape_cast %get3A_618 : vector<1x16xf32> to vector<16xf32>
          %mul3A_620 = vector.broadcast %squeeze3A_613 : f32 to vector<16xf32>
          %mul3A_621 = arith.mulf %mul3A_620, %get3A_619 : vector<16xf32>
          %add3A_622 = arith.addf %add3A_602, %mul3A_621 : vector<16xf32>
          %add3A_623 = arith.constant 27 : i32
          %add3A_624 = arith.addi %mul3A_63, %add3A_623 : i32
          %get3A_625 = arith.index_cast %add3A_624 : i32 to index
          %get3A_626 = arith.constant 16 : index
          %get3A_627 = tpu.vector_load %arg11[%get3A_625, %get3A_626] {strides = array<i32>} : memref<1536x32xf32, #tpu.memory_space<vmem>>, vector<1x16xf32>,
          %get3A_628 = vector.shape_cast %get3A_627 : vector<1x16xf32> to vector<16xf32>
          %mul3A_629 = vector.broadcast %squeeze3A_613 : f32 to vector<16xf32>
          %mul3A_630 = arith.mulf %mul3A_629, %get3A_628 : vector<16xf32>
          %add3A_631 = arith.addf %add3A_611, %mul3A_630 : vector<16xf32>
          %slice3A_632 = vector.extract_strided_slice %get3A_70 {offsets = [12], sizes = [1], strides = [1]} : vector<16xf32> to vector<1xf32>
          %squeeze3A_633 = vector.extract %slice3A_632[0] : f32 from vector<1xf32>
          %add3A_634 = arith.constant 28 : i32
          %add3A_635 = arith.addi %mul3A_63, %add3A_634 : i32
          %get3A_636 = arith.index_cast %add3A_635 : i32 to index
          %get3A_637 = arith.constant 0 : index
          %get3A_638 = tpu.vector_load %arg11[%get3A_636, %get3A_637] {strides = array<i32>} : memref<1536x32xf32, #tpu.memory_space<vmem>>, vector<1x16xf32>,
          %get3A_639 = vector.shape_cast %get3A_638 : vector<1x16xf32> to vector<16xf32>
          %mul3A_640 = vector.broadcast %squeeze3A_633 : f32 to vector<16xf32>
          %mul3A_641 = arith.mulf %mul3A_640, %get3A_639 : vector<16xf32>
          %add3A_642 = arith.addf %add3A_622, %mul3A_641 : vector<16xf32>
          %add3A_643 = arith.constant 28 : i32
          %add3A_644 = arith.addi %mul3A_63, %add3A_643 : i32
          %get3A_645 = arith.index_cast %add3A_644 : i32 to index
          %get3A_646 = arith.constant 16 : index
          %get3A_647 = tpu.vector_load %arg11[%get3A_645, %get3A_646] {strides = array<i32>} : memref<1536x32xf32, #tpu.memory_space<vmem>>, vector<1x16xf32>,
          %get3A_648 = vector.shape_cast %get3A_647 : vector<1x16xf32> to vector<16xf32>
          %mul3A_649 = vector.broadcast %squeeze3A_633 : f32 to vector<16xf32>
          %mul3A_650 = arith.mulf %mul3A_649, %get3A_648 : vector<16xf32>
          %add3A_651 = arith.addf %add3A_631, %mul3A_650 : vector<16xf32>
          %slice3A_652 = vector.extract_strided_slice %get3A_70 {offsets = [13], sizes = [1], strides = [1]} : vector<16xf32> to vector<1xf32>
          %squeeze3A_653 = vector.extract %slice3A_652[0] : f32 from vector<1xf32>
          %add3A_654 = arith.constant 29 : i32
          %add3A_655 = arith.addi %mul3A_63, %add3A_654 : i32
          %get3A_656 = arith.index_cast %add3A_655 : i32 to index
          %get3A_657 = arith.constant 0 : index
          %get3A_658 = tpu.vector_load %arg11[%get3A_656, %get3A_657] {strides = array<i32>} : memref<1536x32xf32, #tpu.memory_space<vmem>>, vector<1x16xf32>,
          %get3A_659 = vector.shape_cast %get3A_658 : vector<1x16xf32> to vector<16xf32>
          %mul3A_660 = vector.broadcast %squeeze3A_653 : f32 to vector<16xf32>
          %mul3A_661 = arith.mulf %mul3A_660, %get3A_659 : vector<16xf32>
          %add3A_662 = arith.addf %add3A_642, %mul3A_661 : vector<16xf32>
          %add3A_663 = arith.constant 29 : i32
          %add3A_664 = arith.addi %mul3A_63, %add3A_663 : i32
          %get3A_665 = arith.index_cast %add3A_664 : i32 to index
          %get3A_666 = arith.constant 16 : index
          %get3A_667 = tpu.vector_load %arg11[%get3A_665, %get3A_666] {strides = array<i32>} : memref<1536x32xf32, #tpu.memory_space<vmem>>, vector<1x16xf32>,
          %get3A_668 = vector.shape_cast %get3A_667 : vector<1x16xf32> to vector<16xf32>
          %mul3A_669 = vector.broadcast %squeeze3A_653 : f32 to vector<16xf32>
          %mul3A_670 = arith.mulf %mul3A_669, %get3A_668 : vector<16xf32>
          %add3A_671 = arith.addf %add3A_651, %mul3A_670 : vector<16xf32>
          %slice3A_672 = vector.extract_strided_slice %get3A_70 {offsets = [14], sizes = [1], strides = [1]} : vector<16xf32> to vector<1xf32>
          %squeeze3A_673 = vector.extract %slice3A_672[0] : f32 from vector<1xf32>
          %add3A_674 = arith.constant 30 : i32
          %add3A_675 = arith.addi %mul3A_63, %add3A_674 : i32
          %get3A_676 = arith.index_cast %add3A_675 : i32 to index
          %get3A_677 = arith.constant 0 : index
          %get3A_678 = tpu.vector_load %arg11[%get3A_676, %get3A_677] {strides = array<i32>} : memref<1536x32xf32, #tpu.memory_space<vmem>>, vector<1x16xf32>,
          %get3A_679 = vector.shape_cast %get3A_678 : vector<1x16xf32> to vector<16xf32>
          %mul3A_680 = vector.broadcast %squeeze3A_673 : f32 to vector<16xf32>
          %mul3A_681 = arith.mulf %mul3A_680, %get3A_679 : vector<16xf32>
          %add3A_682 = arith.addf %add3A_662, %mul3A_681 : vector<16xf32>
          %add3A_683 = arith.constant 30 : i32
          %add3A_684 = arith.addi %mul3A_63, %add3A_683 : i32
          %get3A_685 = arith.index_cast %add3A_684 : i32 to index
          %get3A_686 = arith.constant 16 : index
          %get3A_687 = tpu.vector_load %arg11[%get3A_685, %get3A_686] {strides = array<i32>} : memref<1536x32xf32, #tpu.memory_space<vmem>>, vector<1x16xf32>,
          %get3A_688 = vector.shape_cast %get3A_687 : vector<1x16xf32> to vector<16xf32>
          %mul3A_689 = vector.broadcast %squeeze3A_673 : f32 to vector<16xf32>
          %mul3A_690 = arith.mulf %mul3A_689, %get3A_688 : vector<16xf32>
          %add3A_691 = arith.addf %add3A_671, %mul3A_690 : vector<16xf32>
          %slice3A_692 = vector.extract_strided_slice %get3A_70 {offsets = [15], sizes = [1], strides = [1]} : vector<16xf32> to vector<1xf32>
          %squeeze3A_693 = vector.extract %slice3A_692[0] : f32 from vector<1xf32>
          %add3A_694 = arith.constant 31 : i32
          %add3A_695 = arith.addi %mul3A_63, %add3A_694 : i32
          %get3A_696 = arith.index_cast %add3A_695 : i32 to index
          %get3A_697 = arith.constant 0 : index
          %get3A_698 = tpu.vector_load %arg11[%get3A_696, %get3A_697] {strides = array<i32>} : memref<1536x32xf32, #tpu.memory_space<vmem>>, vector<1x16xf32>,
          %get3A_699 = vector.shape_cast %get3A_698 : vector<1x16xf32> to vector<16xf32>
          %mul3A_700 = vector.broadcast %squeeze3A_693 : f32 to vector<16xf32>
          %mul3A_701 = arith.mulf %mul3A_700, %get3A_699 : vector<16xf32>
          %add3A_702 = arith.addf %add3A_682, %mul3A_701 : vector<16xf32>
          %add3A_703 = arith.constant 31 : i32
          %add3A_704 = arith.addi %mul3A_63, %add3A_703 : i32
          %get3A_705 = arith.index_cast %add3A_704 : i32 to index
          %get3A_706 = arith.constant 16 : index
          %get3A_707 = tpu.vector_load %arg11[%get3A_705, %get3A_706] {strides = array<i32>} : memref<1536x32xf32, #tpu.memory_space<vmem>>, vector<1x16xf32>,
          %get3A_708 = vector.shape_cast %get3A_707 : vector<1x16xf32> to vector<16xf32>
          %mul3A_709 = vector.broadcast %squeeze3A_693 : f32 to vector<16xf32>
          %mul3A_710 = arith.mulf %mul3A_709, %get3A_708 : vector<16xf32>
          %add3A_711 = arith.addf %add3A_691, %mul3A_710 : vector<16xf32>
          %swap3A = arith.index_cast %scan3A_61 : i32 to index
          %swap3A_712 = arith.constant 0 : index
          %swap3A_713 = tpu.vector_load %arg12[%swap3A, %swap3A_712] {strides = array<i32>} : memref<48x32xf32, #tpu.memory_space<vmem>>, vector<1x16xf32>,
          %swap3A_714 = vector.shape_cast %swap3A_713 : vector<1x16xf32> to vector<16xf32>
          %swap3A_715 = vector.shape_cast %add3A_702 : vector<16xf32> to vector<1x16xf32>
          tpu.vector_store %arg12[%swap3A, %swap3A_712], %swap3A_715 {strides = array<i32>} : memref<48x32xf32, #tpu.memory_space<vmem>>, vector<1x16xf32>,
          %swap3A_716 = arith.index_cast %scan3A_61 : i32 to index
          %swap3A_717 = arith.constant 16 : index
          %swap3A_718 = tpu.vector_load %arg12[%swap3A_716, %swap3A_717] {strides = array<i32>} : memref<48x32xf32, #tpu.memory_space<vmem>>, vector<1x16xf32>,
          %swap3A_719 = vector.shape_cast %swap3A_718 : vector<1x16xf32> to vector<16xf32>
          %swap3A_720 = vector.shape_cast %add3A_711 : vector<16xf32> to vector<1x16xf32>
          tpu.vector_store %arg12[%swap3A_716, %swap3A_717], %swap3A_720 {strides = array<i32>} : memref<48x32xf32, #tpu.memory_space<vmem>>, vector<1x16xf32>,
        }
        %scan3A_58 = arith.constant 48 : i32
        %mul3A_59 = arith.constant 48 : i32
        %mul3A_60 = arith.muli %add3A_45, %mul3A_59 : i32
        "tpu.region"() ({
          %run_scoped3A = tpu.sem_alloc : memref<!tpu.dma_semaphore, #tpu.memory_space<semaphore_mem>>
          %dma_start3A = arith.constant 0 : i32
          %dma_start3A_61 = tpu.memref_slice %arg5[%mul3A_60, %dma_start3A] : memref<240000x32xf32, #tpu.memory_space<hbm>> -> memref<48x32xf32, #tpu.memory_space<hbm>>
          %dma_start3A_62 = arith.constant 0 : i32
          %dma_start3A_63 = tpu.memref_slice %arg5[%mul3A_60, %dma_start3A_62] : memref<240000x32xf32, #tpu.memory_space<hbm>> -> memref<48x32xf32, #tpu.memory_space<hbm>>
          tpu.enqueue_dma source(%arg12 : memref<48x32xf32, #tpu.memory_space<vmem>>) target(%dma_start3A_63 : memref<48x32xf32, #tpu.memory_space<hbm>>) target_semaphore(%run_scoped3A : memref<!tpu.dma_semaphore, #tpu.memory_space<semaphore_mem>>)
          %dma_wait3A_64 = arith.constant 0 : i32
          %dma_wait3A_65 = tpu.memref_slice %arg5[%mul3A_60, %dma_wait3A_64] : memref<240000x32xf32, #tpu.memory_space<hbm>> -> memref<48x32xf32, #tpu.memory_space<hbm>>
          %dma_wait3A_66 = arith.constant 0 : i32
          %dma_wait3A_67 = tpu.memref_slice %arg5[%mul3A_60, %dma_wait3A_66] : memref<240000x32xf32, #tpu.memory_space<hbm>> -> memref<48x32xf32, #tpu.memory_space<hbm>>
          tpu.wait_dma2 semaphore(%run_scoped3A : memref<!tpu.dma_semaphore, #tpu.memory_space<semaphore_mem>>) src(%arg12 : memref<48x32xf32, #tpu.memory_space<vmem>>) dst(%dma_wait3A_67 : memref<48x32xf32, #tpu.memory_space<hbm>>)
          tpu.yield
        }) : () -> ()
      } else {
      }
    }
    %scan3A_9 = arith.constant 79 : i32
    return
  }
}

module attributes {stable_mosaic.version = 14 : i64} {
  func.func @_a2_body(%arg0: i32, %arg1: memref<2000x128xf32, #tpu.memory_space<vmem>>, %arg2: memref<2000x128xf32, #tpu.memory_space<vmem>>, %arg3: memref<128x64xf32, #tpu.memory_space<vmem>>, %arg4: memref<1x64xf32, #tpu.memory_space<vmem>>, %arg5: memref<128x32xf32, #tpu.memory_space<vmem>>, %arg6: memref<1x32xf32, #tpu.memory_space<vmem>>, %arg7: memref<2000x64xf32, #tpu.memory_space<vmem>>, %arg8: memref<2000x32xf32, #tpu.memory_space<vmem>>) attributes {dimension_semantics = [#tpu.dimension_semantics<arbitrary>], iteration_bounds = array<i64: 5>, scalar_prefetch = 0 : i64, scratch_operands = 0 : i64, tpu.core_type = #tpu.core_type<tc>, window_params = [{transform_indices = @transform_0, window_bounds = array<i64: 2000, 128>}, {transform_indices = @transform_1, window_bounds = array<i64: 2000, 128>}, {pipeline_mode = #tpu.pipeline_mode<synchronous>, transform_indices = @transform_2, window_bounds = array<i64: 128, 64>}, {pipeline_mode = #tpu.pipeline_mode<synchronous>, transform_indices = @transform_3, window_bounds = array<i64: 1, 64>}, {pipeline_mode = #tpu.pipeline_mode<synchronous>, transform_indices = @transform_4, window_bounds = array<i64: 128, 32>}, {pipeline_mode = #tpu.pipeline_mode<synchronous>, transform_indices = @transform_5, window_bounds = array<i64: 1, 32>}, {transform_indices = @transform_6, window_bounds = array<i64: 2000, 64>}, {transform_indices = @transform_7, window_bounds = array<i64: 2000, 32>}]} {
    %get3A = arith.constant 0 : index
    %get3A_0 = arith.constant 0 : index
    %get3A_1 = vector.load %arg1[%get3A, %get3A_0] : memref<2000x128xf32, #tpu.memory_space<vmem>>, vector<2000x128xf32>
    %get3A_2 = arith.constant 0 : index
    %get3A_3 = arith.constant 0 : index
    %get3A_4 = vector.load %arg2[%get3A_2, %get3A_3] : memref<2000x128xf32, #tpu.memory_space<vmem>>, vector<2000x128xf32>
    %add3A = arith.addf %get3A_1, %get3A_4 : vector<2000x128xf32>
    %get3A_5 = arith.constant 0 : index
    %get3A_6 = arith.constant 0 : index
    %get3A_7 = vector.load %arg3[%get3A_5, %get3A_6] : memref<128x64xf32, #tpu.memory_space<vmem>>, vector<128x64xf32>
    %dot_general3A = arith.constant dense<0.000000e+00> : vector<2000x64xf32>
    %dot_general3A_8 = tpu.matmul %add3A, %get3A_7, %dot_general3A {dimension_numbers = #tpu.dot_dimension_numbers<[1], [0], [0], [1], [0, 0, 1, 1], [], []>, transpose_lhs_hint = false} : vector<2000x128xf32>, vector<128x64xf32>, vector<2000x64xf32> -> vector<2000x64xf32>
    %get3A_9 = arith.constant 0 : index
    %get3A_10 = arith.constant 0 : index
    %get3A_11 = vector.load %arg4[%get3A_9, %get3A_10] : memref<1x64xf32, #tpu.memory_space<vmem>>, vector<1x64xf32>
    %add3A_12 = vector.broadcast %get3A_11 : vector<1x64xf32> to vector<2000x64xf32>
    %add3A_13 = arith.addf %dot_general3A_8, %add3A_12 : vector<2000x64xf32>
    %swap3A = arith.constant 0 : index
    %swap3A_14 = arith.constant 0 : index
    %swap3A_15 = vector.load %arg7[%swap3A, %swap3A_14] : memref<2000x64xf32, #tpu.memory_space<vmem>>, vector<2000x64xf32>
    tpu.vector_store %arg7[%swap3A, %swap3A_14], %add3A_13 {strides = array<i32>} : memref<2000x64xf32, #tpu.memory_space<vmem>>, vector<2000x64xf32>,
    %get3A_16 = arith.constant 0 : index
    %get3A_17 = arith.constant 0 : index
    %get3A_18 = vector.load %arg5[%get3A_16, %get3A_17] : memref<128x32xf32, #tpu.memory_space<vmem>>, vector<128x32xf32>
    %dot_general3A_19 = arith.constant dense<0.000000e+00> : vector<2000x32xf32>
    %dot_general3A_20 = tpu.matmul %add3A, %get3A_18, %dot_general3A_19 {dimension_numbers = #tpu.dot_dimension_numbers<[1], [0], [0], [1], [0, 0, 1, 1], [], []>, transpose_lhs_hint = false} : vector<2000x128xf32>, vector<128x32xf32>, vector<2000x32xf32> -> vector<2000x32xf32>
    %get3A_21 = arith.constant 0 : index
    %get3A_22 = arith.constant 0 : index
    %get3A_23 = vector.load %arg6[%get3A_21, %get3A_22] : memref<1x32xf32, #tpu.memory_space<vmem>>, vector<1x32xf32>
    %add3A_24 = vector.broadcast %get3A_23 : vector<1x32xf32> to vector<2000x32xf32>
    %add3A_25 = arith.addf %dot_general3A_20, %add3A_24 : vector<2000x32xf32>
    %slice3A = vector.extract_strided_slice %add3A_25 {offsets = [0, 0], sizes = [2000, 8], strides = [1, 1]} : vector<2000x32xf32> to vector<2000x8xf32>
    %reduce_max3A = arith.constant dense<0xFF800000> : vector<2000xf32>
    %reduce_max3A_26 = vector.multi_reduction <maximumf>, %slice3A, %reduce_max3A [1] : vector<2000x8xf32> to vector<2000xf32>
    %broadcast_in_dim3A = vector.shape_cast %reduce_max3A_26 : vector<2000xf32> to vector<2000x1xf32>
    %sub3A = vector.broadcast %broadcast_in_dim3A : vector<2000x1xf32> to vector<2000x8xf32>
    %sub3A_27 = arith.subf %slice3A, %sub3A : vector<2000x8xf32>
    %exp3A = math.exp %sub3A_27 : vector<2000x8xf32>
    %reduce_sum3A = arith.constant dense<0.000000e+00> : vector<2000xf32>
    %reduce_sum3A_28 = vector.multi_reduction <add>, %exp3A, %reduce_sum3A [1] : vector<2000x8xf32> to vector<2000xf32>
    %broadcast_in_dim3A_29 = vector.shape_cast %reduce_sum3A_28 : vector<2000xf32> to vector<2000x1xf32>
    %div3A = vector.broadcast %broadcast_in_dim3A_29 : vector<2000x1xf32> to vector<2000x8xf32>
    %div3A_30 = arith.divf %exp3A, %div3A : vector<2000x8xf32>
    %swap3A_31 = arith.constant 0 : index
    %swap3A_32 = arith.constant 0 : index
    %swap3A_33 = vector.load %arg8[%swap3A_31, %swap3A_32] : memref<2000x32xf32, #tpu.memory_space<vmem>>, vector<2000x8xf32>
    tpu.vector_store %arg8[%swap3A_31, %swap3A_32], %div3A_30 {strides = array<i32>} : memref<2000x32xf32, #tpu.memory_space<vmem>>, vector<2000x8xf32>,
    %slice3A_34 = vector.extract_strided_slice %add3A_25 {offsets = [0, 8], sizes = [2000, 8], strides = [1, 1]} : vector<2000x32xf32> to vector<2000x8xf32>
    %reduce_max3A_35 = arith.constant dense<0xFF800000> : vector<2000xf32>
    %reduce_max3A_36 = vector.multi_reduction <maximumf>, %slice3A_34, %reduce_max3A_35 [1] : vector<2000x8xf32> to vector<2000xf32>
    %broadcast_in_dim3A_37 = vector.shape_cast %reduce_max3A_36 : vector<2000xf32> to vector<2000x1xf32>
    %sub3A_38 = vector.broadcast %broadcast_in_dim3A_37 : vector<2000x1xf32> to vector<2000x8xf32>
    %sub3A_39 = arith.subf %slice3A_34, %sub3A_38 : vector<2000x8xf32>
    %exp3A_40 = math.exp %sub3A_39 : vector<2000x8xf32>
    %reduce_sum3A_41 = arith.constant dense<0.000000e+00> : vector<2000xf32>
    %reduce_sum3A_42 = vector.multi_reduction <add>, %exp3A_40, %reduce_sum3A_41 [1] : vector<2000x8xf32> to vector<2000xf32>
    %broadcast_in_dim3A_43 = vector.shape_cast %reduce_sum3A_42 : vector<2000xf32> to vector<2000x1xf32>
    %div3A_44 = vector.broadcast %broadcast_in_dim3A_43 : vector<2000x1xf32> to vector<2000x8xf32>
    %div3A_45 = arith.divf %exp3A_40, %div3A_44 : vector<2000x8xf32>
    %swap3A_46 = arith.constant 0 : index
    %swap3A_47 = arith.constant 8 : index
    %swap3A_48 = vector.load %arg8[%swap3A_46, %swap3A_47] : memref<2000x32xf32, #tpu.memory_space<vmem>>, vector<2000x8xf32>
    tpu.vector_store %arg8[%swap3A_46, %swap3A_47], %div3A_45 {strides = array<i32>} : memref<2000x32xf32, #tpu.memory_space<vmem>>, vector<2000x8xf32>,
    %slice3A_49 = vector.extract_strided_slice %add3A_25 {offsets = [0, 16], sizes = [2000, 8], strides = [1, 1]} : vector<2000x32xf32> to vector<2000x8xf32>
    %reduce_max3A_50 = arith.constant dense<0xFF800000> : vector<2000xf32>
    %reduce_max3A_51 = vector.multi_reduction <maximumf>, %slice3A_49, %reduce_max3A_50 [1] : vector<2000x8xf32> to vector<2000xf32>
    %broadcast_in_dim3A_52 = vector.shape_cast %reduce_max3A_51 : vector<2000xf32> to vector<2000x1xf32>
    %sub3A_53 = vector.broadcast %broadcast_in_dim3A_52 : vector<2000x1xf32> to vector<2000x8xf32>
    %sub3A_54 = arith.subf %slice3A_49, %sub3A_53 : vector<2000x8xf32>
    %exp3A_55 = math.exp %sub3A_54 : vector<2000x8xf32>
    %reduce_sum3A_56 = arith.constant dense<0.000000e+00> : vector<2000xf32>
    %reduce_sum3A_57 = vector.multi_reduction <add>, %exp3A_55, %reduce_sum3A_56 [1] : vector<2000x8xf32> to vector<2000xf32>
    %broadcast_in_dim3A_58 = vector.shape_cast %reduce_sum3A_57 : vector<2000xf32> to vector<2000x1xf32>
    %div3A_59 = vector.broadcast %broadcast_in_dim3A_58 : vector<2000x1xf32> to vector<2000x8xf32>
    %div3A_60 = arith.divf %exp3A_55, %div3A_59 : vector<2000x8xf32>
    %swap3A_61 = arith.constant 0 : index
    %swap3A_62 = arith.constant 16 : index
    %swap3A_63 = vector.load %arg8[%swap3A_61, %swap3A_62] : memref<2000x32xf32, #tpu.memory_space<vmem>>, vector<2000x8xf32>
    tpu.vector_store %arg8[%swap3A_61, %swap3A_62], %div3A_60 {strides = array<i32>} : memref<2000x32xf32, #tpu.memory_space<vmem>>, vector<2000x8xf32>,
    %slice3A_64 = vector.extract_strided_slice %add3A_25 {offsets = [0, 24], sizes = [2000, 8], strides = [1, 1]} : vector<2000x32xf32> to vector<2000x8xf32>
    %reduce_max3A_65 = arith.constant dense<0xFF800000> : vector<2000xf32>
    %reduce_max3A_66 = vector.multi_reduction <maximumf>, %slice3A_64, %reduce_max3A_65 [1] : vector<2000x8xf32> to vector<2000xf32>
    %broadcast_in_dim3A_67 = vector.shape_cast %reduce_max3A_66 : vector<2000xf32> to vector<2000x1xf32>
    %sub3A_68 = vector.broadcast %broadcast_in_dim3A_67 : vector<2000x1xf32> to vector<2000x8xf32>
    %sub3A_69 = arith.subf %slice3A_64, %sub3A_68 : vector<2000x8xf32>
    %exp3A_70 = math.exp %sub3A_69 : vector<2000x8xf32>
    %reduce_sum3A_71 = arith.constant dense<0.000000e+00> : vector<2000xf32>
    %reduce_sum3A_72 = vector.multi_reduction <add>, %exp3A_70, %reduce_sum3A_71 [1] : vector<2000x8xf32> to vector<2000xf32>
    %broadcast_in_dim3A_73 = vector.shape_cast %reduce_sum3A_72 : vector<2000xf32> to vector<2000x1xf32>
    %div3A_74 = vector.broadcast %broadcast_in_dim3A_73 : vector<2000x1xf32> to vector<2000x8xf32>
    %div3A_75 = arith.divf %exp3A_70, %div3A_74 : vector<2000x8xf32>
    %swap3A_76 = arith.constant 0 : index
    %swap3A_77 = arith.constant 24 : index
    %swap3A_78 = vector.load %arg8[%swap3A_76, %swap3A_77] : memref<2000x32xf32, #tpu.memory_space<vmem>>, vector<2000x8xf32>
    tpu.vector_store %arg8[%swap3A_76, %swap3A_77], %div3A_75 {strides = array<i32>} : memref<2000x32xf32, #tpu.memory_space<vmem>>, vector<2000x8xf32>,
    return
  }
  func.func @transform_0(%arg0: i32) -> (i32, i32) {
    %c0_i32 = arith.constant 0 : i32
    %c0_i32_0 = arith.constant 0 : i32
    return %arg0, %c0_i32 : i32, i32
  }
  func.func @transform_1(%arg0: i32) -> (i32, i32) {
    %c0_i32 = arith.constant 0 : i32
    %c0_i32_0 = arith.constant 0 : i32
    return %arg0, %c0_i32 : i32, i32
  }
  func.func @transform_2(%arg0: i32) -> (i32, i32) {
    %c0_i32 = arith.constant 0 : i32
    %c0_i32_0 = arith.constant 0 : i32
    %c0_i32_1 = arith.constant 0 : i32
    return %c0_i32, %c0_i32_0 : i32, i32
  }
  func.func @transform_3(%arg0: i32) -> (i32, i32) {
    %c0_i32 = arith.constant 0 : i32
    %c0_i32_0 = arith.constant 0 : i32
    %c0_i32_1 = arith.constant 0 : i32
    return %c0_i32, %c0_i32_0 : i32, i32
  }
  func.func @transform_4(%arg0: i32) -> (i32, i32) {
    %c0_i32 = arith.constant 0 : i32
    %c0_i32_0 = arith.constant 0 : i32
    %c0_i32_1 = arith.constant 0 : i32
    return %c0_i32, %c0_i32_0 : i32, i32
  }
  func.func @transform_5(%arg0: i32) -> (i32, i32) {
    %c0_i32 = arith.constant 0 : i32
    %c0_i32_0 = arith.constant 0 : i32
    %c0_i32_1 = arith.constant 0 : i32
    return %c0_i32, %c0_i32_0 : i32, i32
  }
  func.func @transform_6(%arg0: i32) -> (i32, i32) {
    %c0_i32 = arith.constant 0 : i32
    %c0_i32_0 = arith.constant 0 : i32
    return %arg0, %c0_i32 : i32, i32
  }
  func.func @transform_7(%arg0: i32) -> (i32, i32) {
    %c0_i32 = arith.constant 0 : i32
    %c0_i32_0 = arith.constant 0 : i32
    return %arg0, %c0_i32 : i32, i32
  }
}

module attributes {stable_mosaic.version = 14 : i64} {
  func.func @_a1_body(%arg0: i32, %arg1: i32, %arg2: memref<1x1000x128xf32, #tpu.memory_space<vmem>>, %arg3: memref<128x128xf32, #tpu.memory_space<vmem>>, %arg4: memref<1x128xf32, #tpu.memory_space<vmem>>, %arg5: memref<1x4x1000x32xf32, #tpu.memory_space<vmem>>) attributes {dimension_semantics = [#tpu.dimension_semantics<arbitrary>, #tpu.dimension_semantics<arbitrary>], iteration_bounds = array<i64: 6, 5>, scalar_prefetch = 0 : i64, scratch_operands = 0 : i64, tpu.core_type = #tpu.core_type<tc>, window_params = [{transform_indices = @transform_0, window_bounds = array<i64: 1, 1000, 128>}, {pipeline_mode = #tpu.pipeline_mode<synchronous>, transform_indices = @transform_1, window_bounds = array<i64: 128, 128>}, {pipeline_mode = #tpu.pipeline_mode<synchronous>, transform_indices = @transform_2, window_bounds = array<i64: 1, 128>}, {transform_indices = @transform_3, window_bounds = array<i64: 1, 4, 1000, 32>}]} {
    %get3A = arith.constant 0 : index
    %get3A_0 = arith.constant 0 : index
    %get3A_1 = arith.constant 0 : index
    %get3A_2 = vector.load %arg2[%get3A, %get3A_0, %get3A_1] : memref<1x1000x128xf32, #tpu.memory_space<vmem>>, vector<1x1000x128xf32>
    %get3A_3 = vector.shape_cast %get3A_2 : vector<1x1000x128xf32> to vector<1000x128xf32>
    %get3A_4 = arith.constant 0 : index
    %get3A_5 = arith.constant 0 : index
    %get3A_6 = vector.load %arg3[%get3A_4, %get3A_5] : memref<128x128xf32, #tpu.memory_space<vmem>>, vector<128x128xf32>
    %dot_general3A = arith.constant dense<0.000000e+00> : vector<1000x128xf32>
    %dot_general3A_7 = tpu.matmul %get3A_3, %get3A_6, %dot_general3A {dimension_numbers = #tpu.dot_dimension_numbers<[1], [0], [0], [1], [0, 0, 1, 1], [], []>, transpose_lhs_hint = false} : vector<1000x128xf32>, vector<128x128xf32>, vector<1000x128xf32> -> vector<1000x128xf32>
    %get3A_8 = arith.constant 0 : index
    %get3A_9 = arith.constant 0 : index
    %get3A_10 = vector.load %arg4[%get3A_8, %get3A_9] : memref<1x128xf32, #tpu.memory_space<vmem>>, vector<1x128xf32>
    %add3A = vector.broadcast %get3A_10 : vector<1x128xf32> to vector<1000x128xf32>
    %add3A_11 = arith.addf %dot_general3A_7, %add3A : vector<1000x128xf32>
    %slice3A = vector.extract_strided_slice %add3A_11 {offsets = [0, 0], sizes = [1000, 32], strides = [1, 1]} : vector<1000x128xf32> to vector<1000x32xf32>
    %swap3A = arith.constant 0 : index
    %swap3A_12 = arith.constant 0 : index
    %swap3A_13 = arith.constant 0 : index
    %swap3A_14 = arith.constant 0 : index
    %swap3A_15 = vector.load %arg5[%swap3A, %swap3A_12, %swap3A_13, %swap3A_14] : memref<1x4x1000x32xf32, #tpu.memory_space<vmem>>, vector<1x1x1000x32xf32>
    %swap3A_16 = vector.shape_cast %swap3A_15 : vector<1x1x1000x32xf32> to vector<1000x32xf32>
    %swap3A_17 = vector.shape_cast %slice3A : vector<1000x32xf32> to vector<1x1x1000x32xf32>
    tpu.vector_store %arg5[%swap3A, %swap3A_12, %swap3A_13, %swap3A_14], %swap3A_17 {strides = array<i32>} : memref<1x4x1000x32xf32, #tpu.memory_space<vmem>>, vector<1x1x1000x32xf32>,
    %slice3A_18 = vector.extract_strided_slice %add3A_11 {offsets = [0, 32], sizes = [1000, 32], strides = [1, 1]} : vector<1000x128xf32> to vector<1000x32xf32>
    %swap3A_19 = arith.constant 0 : index
    %swap3A_20 = arith.constant 1 : index
    %swap3A_21 = arith.constant 0 : index
    %swap3A_22 = arith.constant 0 : index
    %swap3A_23 = vector.load %arg5[%swap3A_19, %swap3A_20, %swap3A_21, %swap3A_22] : memref<1x4x1000x32xf32, #tpu.memory_space<vmem>>, vector<1x1x1000x32xf32>
    %swap3A_24 = vector.shape_cast %swap3A_23 : vector<1x1x1000x32xf32> to vector<1000x32xf32>
    %swap3A_25 = vector.shape_cast %slice3A_18 : vector<1000x32xf32> to vector<1x1x1000x32xf32>
    tpu.vector_store %arg5[%swap3A_19, %swap3A_20, %swap3A_21, %swap3A_22], %swap3A_25 {strides = array<i32>} : memref<1x4x1000x32xf32, #tpu.memory_space<vmem>>, vector<1x1x1000x32xf32>,
    %slice3A_26 = vector.extract_strided_slice %add3A_11 {offsets = [0, 64], sizes = [1000, 32], strides = [1, 1]} : vector<1000x128xf32> to vector<1000x32xf32>
    %swap3A_27 = arith.constant 0 : index
    %swap3A_28 = arith.constant 2 : index
    %swap3A_29 = arith.constant 0 : index
    %swap3A_30 = arith.constant 0 : index
    %swap3A_31 = vector.load %arg5[%swap3A_27, %swap3A_28, %swap3A_29, %swap3A_30] : memref<1x4x1000x32xf32, #tpu.memory_space<vmem>>, vector<1x1x1000x32xf32>
    %swap3A_32 = vector.shape_cast %swap3A_31 : vector<1x1x1000x32xf32> to vector<1000x32xf32>
    %swap3A_33 = vector.shape_cast %slice3A_26 : vector<1000x32xf32> to vector<1x1x1000x32xf32>
    tpu.vector_store %arg5[%swap3A_27, %swap3A_28, %swap3A_29, %swap3A_30], %swap3A_33 {strides = array<i32>} : memref<1x4x1000x32xf32, #tpu.memory_space<vmem>>, vector<1x1x1000x32xf32>,
    %slice3A_34 = vector.extract_strided_slice %add3A_11 {offsets = [0, 96], sizes = [1000, 32], strides = [1, 1]} : vector<1000x128xf32> to vector<1000x32xf32>
    %swap3A_35 = arith.constant 0 : index
    %swap3A_36 = arith.constant 3 : index
    %swap3A_37 = arith.constant 0 : index
    %swap3A_38 = arith.constant 0 : index
    %swap3A_39 = vector.load %arg5[%swap3A_35, %swap3A_36, %swap3A_37, %swap3A_38] : memref<1x4x1000x32xf32, #tpu.memory_space<vmem>>, vector<1x1x1000x32xf32>
    %swap3A_40 = vector.shape_cast %swap3A_39 : vector<1x1x1000x32xf32> to vector<1000x32xf32>
    %swap3A_41 = vector.shape_cast %slice3A_34 : vector<1000x32xf32> to vector<1x1x1000x32xf32>
    tpu.vector_store %arg5[%swap3A_35, %swap3A_36, %swap3A_37, %swap3A_38], %swap3A_41 {strides = array<i32>} : memref<1x4x1000x32xf32, #tpu.memory_space<vmem>>, vector<1x1x1000x32xf32>,
    return
  }
  func.func @transform_0(%arg0: i32, %arg1: i32) -> (i32, i32, i32) {
    %c0_i32 = arith.constant 0 : i32
    %c0_i32_0 = arith.constant 0 : i32
    return %arg0, %arg1, %c0_i32 : i32, i32, i32
  }
  func.func @transform_1(%arg0: i32, %arg1: i32) -> (i32, i32) {
    %c0_i32 = arith.constant 0 : i32
    %c0_i32_0 = arith.constant 0 : i32
    %c0_i32_1 = arith.constant 0 : i32
    return %c0_i32, %c0_i32_0 : i32, i32
  }
  func.func @transform_2(%arg0: i32, %arg1: i32) -> (i32, i32) {
    %c0_i32 = arith.constant 0 : i32
    %c0_i32_0 = arith.constant 0 : i32
    %c0_i32_1 = arith.constant 0 : i32
    return %c0_i32, %c0_i32_0 : i32, i32
  }
  func.func @transform_3(%arg0: i32, %arg1: i32) -> (i32, i32, i32, i32) {
    %c0_i32 = arith.constant 0 : i32
    %c0_i32_0 = arith.constant 0 : i32
    %c0_i32_1 = arith.constant 0 : i32
    return %arg0, %c0_i32, %arg1, %c0_i32_0 : i32, i32, i32, i32
  }
}

module attributes {stable_mosaic.version = 14 : i64} {
  func.func @_c_body(%arg0: i32, %arg1: memref<6x2000x128xf32, #tpu.memory_space<vmem>>, %arg2: memref<6x2000x4xf32, #tpu.memory_space<vmem>>, %arg3: memref<2000x128xf32, #tpu.memory_space<vmem>>, %arg4: memref<128x128xf32, #tpu.memory_space<vmem>>, %arg5: memref<1x128xf32, #tpu.memory_space<vmem>>, %arg6: memref<2000x128xf32, #tpu.memory_space<vmem>>) attributes {dimension_semantics = [#tpu.dimension_semantics<arbitrary>], iteration_bounds = array<i64: 5>, scalar_prefetch = 0 : i64, scratch_operands = 0 : i64, tpu.core_type = #tpu.core_type<tc>, window_params = [{transform_indices = @transform_0, window_bounds = array<i64: 6, 2000, 128>}, {transform_indices = @transform_1, window_bounds = array<i64: 6, 2000, 4>}, {transform_indices = @transform_2, window_bounds = array<i64: 2000, 128>}, {pipeline_mode = #tpu.pipeline_mode<synchronous>, transform_indices = @transform_3, window_bounds = array<i64: 128, 128>}, {pipeline_mode = #tpu.pipeline_mode<synchronous>, transform_indices = @transform_4, window_bounds = array<i64: 1, 128>}, {transform_indices = @transform_5, window_bounds = array<i64: 2000, 128>}]} {
    %get3A = arith.constant 0 : index
    %get3A_0 = arith.constant 0 : index
    %get3A_1 = arith.constant 0 : index
    %get3A_2 = vector.load %arg2[%get3A, %get3A_0, %get3A_1] : memref<6x2000x4xf32, #tpu.memory_space<vmem>>, vector<6x2000x4xf32>
    %reduce_sum3A = arith.constant dense<0.000000e+00> : vector<6x2000xf32>
    %reduce_sum3A_3 = vector.multi_reduction <add>, %get3A_2, %reduce_sum3A [2] : vector<6x2000x4xf32> to vector<6x2000xf32>
    %gt3A = arith.constant 0.000000e+00 : f32
    %gt3A_4 = vector.broadcast %gt3A : f32 to vector<6x2000xf32>
    %gt3A_5 = arith.cmpf ogt, %reduce_sum3A_3, %gt3A_4 : vector<6x2000xf32>
    %convert_element_type3A = arith.extui %gt3A_5 : vector<6x2000xi1> to vector<6x2000xi32>
    %convert_element_type3A_6 = arith.sitofp %convert_element_type3A : vector<6x2000xi32> to vector<6x2000xf32>
    %get3A_7 = arith.constant 0 : index
    %get3A_8 = arith.constant 0 : index
    %get3A_9 = arith.constant 0 : index
    %get3A_10 = vector.load %arg1[%get3A_7, %get3A_8, %get3A_9] : memref<6x2000x128xf32, #tpu.memory_space<vmem>>, vector<6x2000x128xf32>
    %broadcast_in_dim3A = vector.shape_cast %convert_element_type3A_6 : vector<6x2000xf32> to vector<6x2000x1xf32>
    %mul3A = vector.broadcast %broadcast_in_dim3A : vector<6x2000x1xf32> to vector<6x2000x128xf32>
    %mul3A_11 = arith.mulf %get3A_10, %mul3A : vector<6x2000x128xf32>
    %reduce_sum3A_12 = arith.constant dense<0.000000e+00> : vector<2000x128xf32>
    %reduce_sum3A_13 = vector.multi_reduction <add>, %mul3A_11, %reduce_sum3A_12 [0] : vector<6x2000x128xf32> to vector<2000x128xf32>
    %reduce_sum3A_14 = arith.constant dense<0.000000e+00> : vector<2000xf32>
    %reduce_sum3A_15 = vector.multi_reduction <add>, %convert_element_type3A_6, %reduce_sum3A_14 [0] : vector<6x2000xf32> to vector<2000xf32>
    %max3A = arith.constant 1.000000e+00 : f32
    %max3A_16 = vector.broadcast %max3A : f32 to vector<2000xf32>
    %max3A_17 = arith.maximumf %reduce_sum3A_15, %max3A_16 : vector<2000xf32>
    %broadcast_in_dim3A_18 = vector.shape_cast %max3A_17 : vector<2000xf32> to vector<2000x1xf32>
    %div3A = vector.broadcast %broadcast_in_dim3A_18 : vector<2000x1xf32> to vector<2000x128xf32>
    %div3A_19 = arith.divf %reduce_sum3A_13, %div3A : vector<2000x128xf32>
    %get3A_20 = arith.constant 0 : index
    %get3A_21 = arith.constant 0 : index
    %get3A_22 = vector.load %arg4[%get3A_20, %get3A_21] : memref<128x128xf32, #tpu.memory_space<vmem>>, vector<128x128xf32>
    %dot_general3A = arith.constant dense<0.000000e+00> : vector<2000x128xf32>
    %dot_general3A_23 = tpu.matmul %div3A_19, %get3A_22, %dot_general3A {dimension_numbers = #tpu.dot_dimension_numbers<[1], [0], [0], [1], [0, 0, 1, 1], [], []>, transpose_lhs_hint = false} : vector<2000x128xf32>, vector<128x128xf32>, vector<2000x128xf32> -> vector<2000x128xf32>
    %get3A_24 = arith.constant 0 : index
    %get3A_25 = arith.constant 0 : index
    %get3A_26 = vector.load %arg5[%get3A_24, %get3A_25] : memref<1x128xf32, #tpu.memory_space<vmem>>, vector<1x128xf32>
    %add3A = vector.broadcast %get3A_26 : vector<1x128xf32> to vector<2000x128xf32>
    %add3A_27 = arith.addf %dot_general3A_23, %add3A : vector<2000x128xf32>
    %get3A_28 = arith.constant 0 : index
    %get3A_29 = arith.constant 0 : index
    %get3A_30 = vector.load %arg3[%get3A_28, %get3A_29] : memref<2000x128xf32, #tpu.memory_space<vmem>>, vector<2000x128xf32>
    %add3A_31 = arith.addf %add3A_27, %get3A_30 : vector<2000x128xf32>
    %swap3A = arith.constant 0 : index
    %swap3A_32 = arith.constant 0 : index
    %swap3A_33 = vector.load %arg6[%swap3A, %swap3A_32] : memref<2000x128xf32, #tpu.memory_space<vmem>>, vector<2000x128xf32>
    tpu.vector_store %arg6[%swap3A, %swap3A_32], %add3A_31 {strides = array<i32>} : memref<2000x128xf32, #tpu.memory_space<vmem>>, vector<2000x128xf32>,
    return
  }
  func.func @transform_0(%arg0: i32) -> (i32, i32, i32) {
    %c0_i32 = arith.constant 0 : i32
    %c0_i32_0 = arith.constant 0 : i32
    %c0_i32_1 = arith.constant 0 : i32
    return %c0_i32, %arg0, %c0_i32_0 : i32, i32, i32
  }
  func.func @transform_1(%arg0: i32) -> (i32, i32, i32) {
    %c0_i32 = arith.constant 0 : i32
    %c0_i32_0 = arith.constant 0 : i32
    %c0_i32_1 = arith.constant 0 : i32
    return %c0_i32, %arg0, %c0_i32_0 : i32, i32, i32
  }
  func.func @transform_2(%arg0: i32) -> (i32, i32) {
    %c0_i32 = arith.constant 0 : i32
    %c0_i32_0 = arith.constant 0 : i32
    return %arg0, %c0_i32 : i32, i32
  }
  func.func @transform_3(%arg0: i32) -> (i32, i32) {
    %c0_i32 = arith.constant 0 : i32
    %c0_i32_0 = arith.constant 0 : i32
    %c0_i32_1 = arith.constant 0 : i32
    return %c0_i32, %c0_i32_0 : i32, i32
  }
  func.func @transform_4(%arg0: i32) -> (i32, i32) {
    %c0_i32 = arith.constant 0 : i32
    %c0_i32_0 = arith.constant 0 : i32
    %c0_i32_1 = arith.constant 0 : i32
    return %c0_i32, %c0_i32_0 : i32, i32
  }
  func.func @transform_5(%arg0: i32) -> (i32, i32) {
    %c0_i32 = arith.constant 0 : i32
    %c0_i32_0 = arith.constant 0 : i32
    return %arg0, %c0_i32 : i32, i32
  }
}

</mosaic_0001>

<sc_bundles>
// kernel: kernel.6.cloned.1.call-start
scs
__scs_entry_jumppad:
0x0: {  	(pc) =	sbr.rel $0x88, $3  }
0x1: {  	(tag) =	ssettag $0x0;
	lr =	simm.s32 $0x1  }
0x2: {  	[smem:$0x3F94] =	sst lr;
	_ =	strace $0xD0000000  }
0x3: {  	_ = 	snop  }
0x4: {  	_ = 	snop  }
0x5: {  	_ = 	snop  }
0x6: {  	_ = 	snop  }
0x7: {  	_ = 	snop  }
__scs_overlays_trampoline_lowered:
0x8: {  	[smem:$0x3FA3] =	sst s0  }
0x9: {  	[smem:$0x3FA4] =	sst s1  }
0xa: {  	[smem:$0x3FA5] =	sst s2  }
0xb: {  	[smem:$0x3FA6] =	sst s3  }
0xc: {  	[smem:$0x3FA7] =	sst s4  }
0xd: {  	[smem:$0x3FA8] =	sst s5  }
0xe: {  	[smem:$0x3FA9] =	sst s6  }
0xf: {  	[smem:$0x3FAA] =	sst s7  }
0x10: {  	[smem:$0x3FAB] =	sst s8  }
0x11: {  	[smem:$0x3FAC] =	sst s9;
	s0 =	simm.s32 @!p0 $0x0  }
0x12: {  	s1 =	sld [smem:$0x3F92];
	s0 =	simm.s32 @p0 $0x1  }
0x13: {  	[smem:$0x3FAD] =	sst s0;
	s0 =	simm.s32 @!p1 $0x0  }
0x14: {  	s2 =	sld [smem:$0x3F91];
	s0 =	simm.s32 @p1 $0x1  }
0x15: {  	[smem:$0x3FAE] =	sst s0;
	s0 =	simm.s32 @!p2 $0x0  }
0x16: {  	s3 =	sld [smem:$0x3FDB];
	s0 =	simm.s32 @p2 $0x1  }
0x17: {  	s4 =	simm.s32 $0x1BF5;
	[smem:$0x3FB0] =	sst s0  }
0x18: {  	s0 =	sld [smem:$0x3F93];
	_ =	swait.ge [sflag:s4], $0x0  }
0x19: {  	s7 =	sld [smem:$0x3F94]  }
0x1a: {  	s8 =	sadd.s32 $0xFFFFE003, lr  }
0x1b: {  	s9 =	sadd.s32 $0xFFFFFEF7, lr;
	s5 =	simm.s32 $0xFFFFFFFF;
	p2 =	slt.u32 s8, $0xFFFFF086  }
0x1c: {  	p1 =	slt.u32 s9, $0xF7A;
	s5 =	simm.s32 @!p2 $0x0  }
0x1d: {  	s5 =	simm.s32 @p1 $0x1;
	p0 =	seq.s32 s7, s2  }
0x1e: {  	s7 =	smul.u32 @!p0 $0xF7A, s2;
	p2 =	seq.s32 @!p0 s5, $0x0  }
0x1f: {  	s9 =	smul.u32 $0xF7A, s1;
	s8 =	simm.s32 @!p0 $0x1BF5;
	p2 =	por !p2, p0  }
0x20: {  	[sflag:s8] =	ssyncset.s32 @!p0 $0xFFFFF086;
	s6 =	sadd.s32 @!p0 s3, s7;
	s7 =	simm.s32 @!p0 $0x108  }
0x21: {  	s3 =	sadd.s32 s3, s9;
	s6 =	sadd.s32 @!p0 $0x88, s6;
	s7 =	simm.s32 @p2 $0x1082  }
0x22: {  	[simem:s7], [sflag:s8] =	dma.local @!p0 [hbm:s6], $0xF7A  }
0x23: {  	s9 =	sor.u32 $0xD0000000, s2;
	s6 =	simm.s32 $0x108;
	_ =	swait.ge @!p0 [sflag:s8], $0x0  }
0x24: {  	s3 =	sadd.s32 $0x88, s3;
	s6 =	simm.s32 @!p1 $0x1082;
	[sflag:s4] =	ssyncset.s32 $0xFFFFF086  }
0x25: {  	[simem:s6], [sflag:s4] =	dma.local [hbm:s3], $0xF7A  }
0x26: {  	[smem:$0x3F94] =	sst s1;
	(tag) =	ssettag s2;
	_ =	strace s9  }
0x27: {  	s1 =	sld [smem:$0x3FA4]  }
0x28: {  	s2 =	sld [smem:$0x3FA5]  }
0x29: {  	s4 =	sld [smem:$0x3FA7]  }
0x2a: {  	p0 =	seq.s32 s5, $0x0;
	s5 =	sld [smem:$0x3FA8]  }
0x2b: {  	s6 =	sld [smem:$0x3FA9]  }
0x2c: {  	s7 =	sld [smem:$0x3FAA]  }
0x2d: {  	s3 =	simm.s32 $0x108;
	s8 =	sld [smem:$0x3FAB]  }
0x2e: {  	s3 =	simm.s32 @!p0 $0x1082;
	s9 =	sld [smem:$0x3FAC]  }
0x2f: {  	lr =	sadd.s32 s0, s3;
	s0 =	sld [smem:$0x3FA3]  }
0x30: {  	s3 =	sld [smem:$0x3FA6]  }
0x31: {  	[smem:$0x3FAF] =	sst s10  }
0x32: {  	s10 =	sld [smem:$0x3FAD];
	_ =	sdelay $0x3  }
0x33: {  	p0 =	seq.s32 s10, $0x1;
	s10 =	sld [smem:$0x3FAF];
	_ =	sdelay $0x3  }
0x34: {  	[smem:$0x3FAF] =	sst s10  }
0x35: {  	s10 =	sld [smem:$0x3FAE];
	_ =	sdelay $0x3  }
0x36: {  	p1 =	seq.s32 s10, $0x1;
	s10 =	sld [smem:$0x3FAF];
	_ =	sdelay $0x3  }
0x37: {  	[smem:$0x3FAF] =	sst s10  }
0x38: {  	s10 =	sld [smem:$0x3FB0]  }
0x39: {  	_ = 	snop;
	(pc) =	sbr.ind lr, $3  }
0x3a: {  	_ = 	snop  }
0x3b: {  	_ = 	snop  }
0x3c: {  	p2 =	seq.s32 s10, $0x1;
	s10 =	sld [smem:$0x3FAF]  }
0x3d: {  	_ =	shalt  }
0x3e: {  	_ =	shalt  }
0x3f: {  	_ =	shalt  }
0x40: {  	_ =	shalt  }
0x41: {  	_ =	shalt  }
0x42: {  	_ =	shalt  }
0x43: {  	_ =	shalt  }
0x44: {  	_ =	shalt  }
0x45: {  	_ =	shalt  }
0x46: {  	_ =	shalt  }
0x47: {  	_ =	shalt  }
0x48: {  	_ =	shalt  }
0x49: {  	_ =	shalt  }
0x4a: {  	_ =	shalt  }
0x4b: {  	_ =	shalt  }
0x4c: {  	_ =	shalt  }
0x4d: {  	_ =	shalt  }
0x4e: {  	_ =	shalt  }
0x4f: {  	_ =	shalt  }
0x50: {  	_ =	shalt  }
0x51: {  	_ =	shalt  }
0x52: {  	_ =	shalt  }
0x53: {  	_ =	shalt  }
0x54: {  	_ =	shalt  }
0x55: {  	_ =	shalt  }
0x56: {  	_ =	shalt  }
0x57: {  	_ =	shalt  }
0x58: {  	_ =	shalt  }
0x59: {  	_ =	shalt  }
0x5a: {  	_ =	shalt  }
0x5b: {  	_ =	shalt  }
0x5c: {  	_ =	shalt  }
0x5d: {  	_ =	shalt  }
0x5e: {  	_ =	shalt  }
0x5f: {  	_ =	shalt  }
0x60: {  	_ =	shalt  }
0x61: {  	_ =	shalt  }
0x62: {  	_ =	shalt  }
0x63: {  	_ =	shalt  }
0x64: {  	_ =	shalt  }
0x65: {  	_ =	shalt  }
0x66: {  	_ =	shalt  }
0x67: {  	_ =	shalt  }
0x68: {  	_ =	shalt  }
0x69: {  	_ =	shalt  }
0x6a: {  	_ =	shalt  }
0x6b: {  	_ =	shalt  }
0x6c: {  	_ =	shalt  }
0x6d: {  	_ =	shalt  }
0x6e: {  	_ =	shalt  }
0x6f: {  	_ =	shalt  }
0x70: {  	_ =	shalt  }
0x71: {  	_ =	shalt  }
0x72: {  	_ =	shalt  }
0x73: {  	_ =	shalt  }
0x74: {  	_ =	shalt  }
0x75: {  	_ =	shalt  }
0x76: {  	_ =	shalt  }
0x77: {  	_ =	shalt  }
0x78: {  	_ =	shalt  }
0x79: {  	_ =	shalt  }
0x7a: {  	_ =	shalt  }
0x7b: {  	_ =	shalt  }
0x7c: {  	_ =	shalt  }
0x7d: {  	_ =	shalt  }
0x7e: {  	_ =	shalt  }
0x7f: {  	_ =	shalt  }
0x80: {  	_ =	shalt  }
0x81: {  	_ =	shalt  }
0x82: {  	_ =	shalt  }
0x83: {  	_ =	shalt  }
0x84: {  	_ =	shalt  }
0x85: {  	_ =	shalt  }
0x86: {  	_ =	shalt  }
0x87: {  	_ =	shalt  }
.Lfunc_end0:
.L_simem_size_0:
called_computation_lowered:
.L_overlay_start_0:
0x88: {  	s2 =	sld [smem:$0x3FD9]  }
0x89: {  	s3 =	sld [smem:$0x3FFE];
	_ =	sdelay $0x1  }
0x8a: {  	s1 =	srdreg.scid  }
0x8b: {  	s0 =	sand.u32 $0x1, s1  }
0x8c: {  	s16 =	sshll.u32 s0, $0xA;
	s2 =	sadd.s32 s3, s2  }
0x8d: {  	s2 =	sadd.s32 s2, s16  }
0x8e: {  	[smem:$0x3FBB] =	sst s2  }
0x8f: {  	_ = 	snop  }
0x90: {  	(tm) =	ssettm $0x1  }
0x91: {  	s17 =	sld [smem:$0x3FFB];
	_ =	sdelay $0x3  }
0x92: {  	_ =	strace s17  }
0x93: {  	s2 =	sld [smem:$0x3FFC];
	_ =	sdelay $0x3  }
0x94: {  	_ =	strace s2  }
0x95: {  	s2 =	sld [smem:$0x3FFD];
	_ =	sdelay $0x3  }
0x96: {  	_ =	strace s2  }
0x97: {  	_ =	strace $0x8FFFFFFF  }
0x98: {  	s18 =	sld [smem:$0x3FDB];
	_ =	sdelay $0x1  }
0x99: {  	s19 =	simm.s32 $_scs_section_size  }
0x9a: {  	s4 =	simm.s32 $_size__tile_overlayer_lowered;
	s5 =	simm.s32 $_tile_overlayer_lowered  }
0x9b: {  	s22 =	simm.s32 $0x1BFF;
	s21 =	sshll.u32 s5, $0x1;
	s2 =	sadd.s32 s19, s18  }
0x9c: {  	s6 =	simm.s32 $0x0;
	s20 =	sshll.u32 s4, $0x1;
	s4 =	sadd.s32 s21, s2  }
0x9d: {  	[timem:s6], [sflag:s22] =	dma.local [hbm:s4], s20  }
0x9e: {  	_ =	swait.ge [sflag:s22], s20  }
0x9f: {  	s3 =	ssub.s32 $0x0, s20;
	[sflag:s22] =	ssyncset.done $0x0  }
0xa0: {  	[sflag:s22] =	ssyncadd.s32 s3;
	_ =	sdelay $0x1  }
0xa1: {  	s23 =	simm.s32 $0x1B8B  }
0xa2: {  	_ =	swait.ge [sflag:s23], $0x1  }
0xa3: {  	[sflag:s23] =	ssyncset.done $0x0  }
0xa4: {  	s25 =	simm.s32 $0x1B8E;
	s24 =	sld [smem:$0x3FFE];
	[sflag:s23] =	ssyncadd.s32 $0xFFFFFFFF  }
0xa5: {  	s26 =	simm.s32 $execute0_lowered;
	[smem:$0x3FD2] =	sst s25  }
0xa6: {  	s4 =	sshll.u32 s26, $0x1;
	_ =	strace $0x80000046;
	[dreg:$0x1] =	wrdreg $0xFFFFFFFF  }
0xa7: {  	s28 =	simm.s32 $_size_execute0_lowered;
	s2 =	sadd.s32 s2, s4;
	[dreg:$0x0] =	wrdreg $0x0  }
0xa8: {  	s4 =	sshll.u32 s28, $0x1;
	[dreg:$0x2] =	wrdreg s2  }
0xa9: {  	[dreg:$0x3] =	wrdreg s4  }
0xaa: {  	[dreg:$0x4] =	wrdreg $0xC0  }
0xab: {  	_ =	task [dreg:s6], $0x5FFFF  }
0xac: {  	[dreg:$0x1] =	wrdreg $0xFFFFFFFF  }
0xad: {  	[dreg:$0x0] =	wrdreg $0x60  }
0xae: {  	[dreg:$0x2] =	wrdreg s24  }
0xaf: {  	[dreg:$0x3] =	wrdreg $0x9  }
0xb0: {  	_ =	task.clear_ibuf [dreg:s6], $0x4FFFF;
	_ =	strace $0x90000046  }
0xb1: {  	s29 =	simm.s32 $0x9;
	_ =	strace $0x80000048  }
0xb2: {  	_ =	swait.ge [sflag:s29], $0x1  }
0xb3: {  	[sflag:s29] =	ssyncadd.s32 $0xFFFFFFFF  }
0xb4: {  	_ =	strace $0x90000048  }
0xb5: {  	_ =	sfence  }
0xb6: {  	s30 =	sld [smem:$0x0];
	_ =	sdelay $0x2  }
0xb7: {  	s31 =	sshll.u32 s1, $0xD;
	s1 =	sshrl.u32 s1, $0x2  }
0xb8: {  	s3 =	sand.u32 $0x4000, s31;
	s1 =	sadd.s32 s1, s30  }
0xb9: {  	s0 =	sor.u32 s3, s0;
	s1 =	sshll.u32 s1, $0x11  }
0xba: {  	s0 =	sor.u32 s1, s0  }
0xbb: {  	s0 =	sadd.s32 $0x8F2B, s0  }
0xbc: {  	[sflag:s0] =	ssyncadd.remote.s32 $0x1  }
0xbd: {  	_ =	sfence.sel $0xFFFF  }
0xbe: {  	[dreg:$0x0] =	wrdreg $0xFFFFFFFF;
	(pc) =	sbr.abs _section_cstart, $3  }
0xbf: {  	[dreg:$0x1] =	wrdreg $0xFFFFFFFF  }
0xc0: {  	_ =	task.clear_ibuf [dreg:s6], $0x2FFFF;
	_ =	strace $0x9FFFFFFF  }
0xc1: {  	(tm) =	ssettm $0x7FFFFFFF  }
tec
execute0_lowered:
.L_overlay_start_1:
0x0: {  	(tag) =	ssettag $0x1  }
0x1: {  	s7 =	rddreg [dreg:$0x0];
	s2 =	simm.s32 $0x0;
	s3 =	srdreg.scid  }
0x2: {  	s1 =	stileid.u32;
	s12 =	simm.s32 $0x3;
	s13 =	simm.s32 $0x600  }
0x3: {  	s14 =	simm.s32 $0xC00;
	s15 =	simm.s32 $0x1;
	s16 =	simm.s32 $0x19800  }
0x4: {  	s17 =	simm.s32 $0x4;
	s18 =	simm.s32 $0x2;
	s19 =	simm.s32 $0x0  }
0x5: {  	s4 =	sand.u32 $0x1, s3;
	s5 =	sshll.u32 s1, $0x1;
	s3 =	sadd.s32 $0x1E3A400, s7  }
.Ltmp0:
0x6: {  	s8 =	ssub.s32 $0x2, s4;
	s4 =	sor.u32 s4, s5;
	(pc) =	sbr.rel .LBB2_1-.Ltmp0, $4  }
0x7: {  	[smem:$0x7FF] =	sst s2;
	s6 =	sadd.s32 $0x1EB3600, s7;
	s10 =	smul.u32 $0xC0, s4  }
0x8: {  	_ =	strace $0x80000047;
	s5 =	sadd.s32 $0x1D4FE00, s7;
	s9 =	sshrl.u32 s8, $0x1  }
0x9: {  	s7 =	sadd.s32 $0x3E00, s7;
	s11 =	ssub.s32 s8, s9;
	s8 =	sadd.s32 s5, s10  }
0xa: {  	s9 =	sadd.s32 s6, s10;
	s10 =	sor.u32 $0x40, s4;
	s11 =	smax.u32 s11, $0x1  }
.LBB2_11:
0xb: {  	s19 =	sadd.s32 $0x1, s19  }
0xc: {  	p0 =	sne.s32 s19, s11  }
.Ltmp1:
0xd: {  	_ = 	snop;
	(pc) =	sbr.rel @!p0 .LBB2_12-.Ltmp1, $1  }
0xe: {  	_ =	sdelay $0x3  }
.LBB2_1:
0xf: {  	[tilespmem:s2], [sflag:$0x3] =	stream.linear.gather [hbm4b:s8+s2], $0x600, $0x38;
	[tilespmem:$0x19E00] =	vst v63  }
0x10: {  	_ =	swait.ge [sflag:s12], $0x600  }
0x11: {  	[sflag:s12] =	ssyncset.done $0x0  }
0x12: {  	[sflag:s12] =	ssyncadd.s32 $0xFFFFFA00  }
0x13: {  	[tilespmem:s13], [sflag:$0x3] =	stream.linear.gather [hbm4b:s9+s2], $0x600, $0x38;
	[tilespmem:$0x19E00] =	vst v63  }
.Ltmp2:
0x14: {  	_ = 	snop;
	(pc) =	sbr.rel .LBB2_2-.Ltmp2, $4  }
0x15: {  	_ =	swait.ge [sflag:s12], $0x600  }
0x16: {  	[sflag:s12] =	ssyncset.done $0x0  }
0x17: {  	s20 =	simm.s32 $0x0;
	[sflag:s12] =	ssyncadd.s32 $0xFFFFFA00  }
0x18: {  	[tilespmem:s14], [sflag:$0x1] =	stream.indirect.gather [hbm4b:s3+s13], $0x20, s2, s13, $0xb8;
	[tilespmem:$0x19E00] =	vst v63  }
.LBB2_10:
0x19: {  	s20 =	sadd.s32 $0x1, s20  }
0x1a: {  	p0 =	sne.s32 s20, $0x4F  }
.Ltmp3:
0x1b: {  	_ = 	snop;
	(pc) =	sbr.rel @!p0 .LBB2_11-.Ltmp3, $1  }
0x1c: {  	_ =	sdelay $0x3  }
.LBB2_2:
0x1d: {  	s22 =	sshll.u32 s20, $0x6  }
0x1e: {  	s23 =	sor.u32 s22, s4  }
0x1f: {  	s21 =	sor.u32 $0x20, s23  }
0x20: {  	p0 =	sgt.u32 s21, $0x1387  }
0x21: {  	s24 =	smul.u32 @!p0 $0xC0, s21;
	_ =	sdelay $0x1  }
0x22: {  	s26 =	simm.s32 @!p0 $0x0;
	s28 =	simm.s32 @!p0 $0xCC00;
	s25 =	sadd.s32 @!p0 s5, s24  }
0x23: {  	[tilespmem:s28], [sflag:$0x4] =	stream.linear.gather @!p0 [hbm4b:s25+s26], $0x600, $0x38;
	[tilespmem:$0x19E00] =	vst v63  }
0x24: {  	s25 =	simm.s32 @!p0 $0x4  }
0x25: {  	_ =	swait.ge @!p0 [sflag:s25], $0x600  }
0x26: {  	p1 =	sgt.u32 s23, $0x1387;
	[sflag:s25] =	ssyncset.done @!p0 $0x0  }
0x27: {  	s29 =	simm.s32 @!p0 $0xD200;
	s24 =	sadd.s32 @!p0 s6, s24;
	[sflag:s25] =	ssyncadd.s32 @!p0 $0xFFFFFA00  }
0x28: {  	[tilespmem:s29], [sflag:$0x4] =	stream.linear.gather @!p0 [hbm4b:s24+s26], $0x600, $0x38;
	[tilespmem:$0x19E00] =	vst v63  }
.Ltmp4:
0x29: {  	_ = 	snop;
	(pc) =	sbr.rel @p1 .LBB2_6-.Ltmp4, $4  }
0x2a: {  	_ =	swait.ge @!p0 [sflag:s25], $0x600  }
0x2b: {  	[sflag:s25] =	ssyncset.done @!p0 $0x0  }
0x2c: {  	s24 =	simm.s32 @!p0 $0x600;
	[sflag:s25] =	ssyncadd.s32 @!p0 $0xFFFFFA00;
	s25 =	simm.s32 @!p0 $0xD800  }
0x2d: {  	[tilespmem:s25], [sflag:$0x2] =	stream.indirect.gather @!p0 [hbm4b:s3+s24], $0x20, s28, s24, $0xb8;
	[tilespmem:$0x19E00] =	vst v63  }
0x2e: {  	_ =	swait.ge [sflag:s15], $0xC000  }
0x2f: {  	[sflag:s15] =	ssyncset.done $0x0  }
0x30: {  	s26 =	simm.s32 $0x10;
	[sflag:s15] =	ssyncadd.s32 $0xFFFF4000  }
0x31: {  	v1 =	vld [tilespmem:s26+$0x5F0]  }
0x32: {  	s24 =	simm.s32 $0xE00;
	v0 =	vld [tilespmem:s26+$0x600]  }
0x33: {  	v2 =	vld [tilespmem:s24+$0xFFFFFE30]  }
0x34: {  	v3 =	vld [tilespmem:s24+$0xFFFFFE00]  }
0x35: {  	v4 =	vld [tilespmem:s24+$0xFFFFFE10]  }
0x36: {  	v5 =	vld [tilespmem:s24+$0xFFFFFE20]  }
0x37: {  	v7 =	vld [tilespmem:s24+$0xFFFFFE50];
	v6 =	vbroadcast v1, $0x0  }
0x38: {  	v8 =	vld [tilespmem:s24+$0xFFFFFE40]  }
0x39: {  	v10 =	vld [tilespmem:s24+$0xFFFFFE70];
	v9 =	vbroadcast v1, $0x1;
	v3 =	vmul.f32 v3, v6  }
0x3a: {  	v4 =	vmul.f32 v4, v6;
	v6 =	vld [tilespmem:s24+$0xFFFFFE60]  }
0x3b: {  	v12 =	vld [tilespmem:s24+$0xFFFFFE90];
	v11 =	vbroadcast v1, $0x2;
	v5 =	vmul.f32 v5, v9;
	v3 =	vadd.f32 $0.0e+00, v3  }
0x3c: {  	v17 =	vld [tilespmem:s24+$0xFFFFFE80];
	v2 =	vmul.f32 v2, v9;
	v4 =	vadd.f32 $0.0e+00, v4  }
0x3d: {  	v20 =	vld [tilespmem:s24+$0xFFFFFEF0];
	v13 =	vbroadcast v1, $0x3;
	v3 =	vadd.f32 v5, v3;
	v5 =	vmul.f32 v8, v11  }
0x3e: {  	v7 =	vmul.f32 v7, v11;
	v2 =	vadd.f32 v2, v4;
	v4 =	vld [tilespmem:s24+$0xFFFFFEA0]  }
0x3f: {  	v18 =	vbroadcast v1, $0x4;
	v8 =	vld [tilespmem:s24+$0xFFFFFEB0];
	v3 =	vadd.f32 v5, v3;
	v5 =	vmul.f32 v6, v13  }
0x40: {  	v10 =	vmul.f32 v10, v13;
	v2 =	vadd.f32 v7, v2;
	v7 =	vld [tilespmem:s24+$0xFFFFFEC0]  }
0x41: {  	v19 =	vbroadcast v1, $0x5;
	v6 =	vld [tilespmem:s24+$0xFFFFFED0];
	v3 =	vadd.f32 v5, v3;
	v5 =	vmul.f32 v17, v18  }
0x42: {  	v21 =	vld [tilespmem:s24+$0xFFFFFEE0];
	v11 =	vmul.f32 v12, v18;
	v2 =	vadd.f32 v10, v2  }
0x43: {  	v23 =	vld [tilespmem:s24+$0xFFFFFF00];
	v22 =	vbroadcast v1, $0x6;
	v4 =	vmul.f32 v4, v19;
	v3 =	vadd.f32 v5, v3  }
0x44: {  	v26 =	vld [tilespmem:s24+$0xFFFFFF50];
	v8 =	vmul.f32 v8, v19;
	v2 =	vadd.f32 v11, v2  }
0x45: {  	v24 =	vbroadcast v1, $0x7;
	v5 =	vld [tilespmem:s24+$0xFFFFFF10];
	v3 =	vadd.f32 v4, v3;
	v4 =	vmul.f32 v7, v22  }
0x46: {  	v6 =	vmul.f32 v6, v22;
	v2 =	vadd.f32 v8, v2;
	v8 =	vld [tilespmem:s24+$0xFFFFFF20]  }
0x47: {  	v25 =	vbroadcast v1, $0x8;
	v7 =	vld [tilespmem:s24+$0xFFFFFF30];
	v3 =	vadd.f32 v4, v3;
	v4 =	vmul.f32 v21, v24  }
0x48: {  	v9 =	vmul.f32 v20, v24;
	v2 =	vadd.f32 v6, v2;
	v6 =	vld [tilespmem:s24+$0xFFFFFF40]  }
0x49: {  	v28 =	vld [tilespmem:s24+$0xFFFFFF70];
	v27 =	vbroadcast v1, $0x9;
	v3 =	vadd.f32 v4, v3;
	v4 =	vmul.f32 v23, v25  }
0x4a: {  	v29 =	vld [tilespmem:s24+$0xFFFFFF60];
	v5 =	vmul.f32 v5, v25;
	v2 =	vadd.f32 v9, v2  }
0x4b: {  	v33 =	vld [tilespmem:s24+$0xFFFFFFD0];
	v30 =	vbroadcast v1, $0xA;
	v3 =	vadd.f32 v4, v3;
	v4 =	vmul.f32 v8, v27  }
0x4c: {  	v7 =	vmul.f32 v7, v27;
	v2 =	vadd.f32 v5, v2;
	v5 =	vld [tilespmem:s24+$0xFFFFFF80]  }
0x4d: {  	v31 =	vbroadcast v1, $0xB;
	v8 =	vld [tilespmem:s24+$0xFFFFFF90];
	v3 =	vadd.f32 v4, v3;
	v4 =	vmul.f32 v6, v30  }
0x4e: {  	v10 =	vmul.f32 v26, v30;
	v2 =	vadd.f32 v7, v2;
	v7 =	vld [tilespmem:s24+$0xFFFFFFA0]  }
0x4f: {  	v32 =	vbroadcast v1, $0xC;
	v6 =	vld [tilespmem:s24+$0xFFFFFFB0];
	v3 =	vadd.f32 v4, v3;
	v4 =	vmul.f32 v29, v31  }
0x50: {  	v34 =	vld [tilespmem:s24+$0xFFFFFFC0];
	v11 =	vmul.f32 v28, v31;
	v2 =	vadd.f32 v10, v2  }
0x51: {  	v36 =	vld [tilespmem:s24+$0xFFFFFFE0];
	v35 =	vbroadcast v1, $0xD;
	v3 =	vadd.f32 v4, v3;
	v4 =	vmul.f32 v5, v32  }
0x52: {  	v38 =	vld [tilespmem:s24+$0x30];
	v8 =	vmul.f32 v8, v32;
	v2 =	vadd.f32 v11, v2  }
0x53: {  	v37 =	vbroadcast v1, $0xE;
	v5 =	vld [tilespmem:s24+$0xFFFFFFF0];
	v3 =	vadd.f32 v4, v3;
	v4 =	vmul.f32 v7, v35  }
0x54: {  	v6 =	vmul.f32 v6, v35;
	v2 =	vadd.f32 v8, v2;
	v8 =	vld [tilespmem:s24+$0x0]  }
0x55: {  	v1 =	vbroadcast v1, $0xF;
	v7 =	vld [tilespmem:s24+$0x10];
	v3 =	vadd.f32 v4, v3;
	v4 =	vmul.f32 v34, v37  }
0x56: {  	v9 =	vmul.f32 v33, v37;
	v2 =	vadd.f32 v6, v2;
	v6 =	vld [tilespmem:s24+$0x20]  }
0x57: {  	v40 =	vld [tilespmem:s24+$0x50];
	v39 =	vbroadcast v0, $0x0;
	v3 =	vadd.f32 v4, v3;
	v4 =	vmul.f32 v36, v1  }
0x58: {  	v1 =	vmul.f32 v5, v1;
	v2 =	vadd.f32 v9, v2;
	v5 =	vld [tilespmem:s24+$0x40]  }
0x59: {  	v44 =	vld [tilespmem:s24+$0xA0];
	v41 =	vbroadcast v0, $0x1;
	v3 =	vadd.f32 v4, v3;
	v4 =	vmul.f32 v8, v39  }
0x5a: {  	v7 =	vmul.f32 v7, v39;
	v1 =	vadd.f32 v1, v2;
	v2 =	vld [tilespmem:s24+$0x60]  }
0x5b: {  	v42 =	vbroadcast v0, $0x2;
	v8 =	vld [tilespmem:s24+$0x70];
	v3 =	vadd.f32 v4, v3;
	v4 =	vmul.f32 v6, v41  }
0x5c: {  	v9 =	vmul.f32 v38, v41;
	v1 =	vadd.f32 v7, v1;
	v7 =	vld [tilespmem:s24+$0x80]  }
0x5d: {  	v43 =	vbroadcast v0, $0x3;
	v6 =	vld [tilespmem:s24+$0x90];
	v3 =	vadd.f32 v4, v3;
	v4 =	vmul.f32 v5, v42  }
0x5e: {  	v46 =	vld [tilespmem:s24+$0xC0];
	v11 =	vmul.f32 v40, v42;
	v1 =	vadd.f32 v9, v1  }
0x5f: {  	v45 =	vbroadcast v0, $0x4;
	v5 =	vld [tilespmem:s24+$0xB0];
	v2 =	vmul.f32 v2, v43;
	v3 =	vadd.f32 v4, v3  }
0x60: {  	v49 =	vld [tilespmem:s24+$0x110];
	v8 =	vmul.f32 v8, v43;
	v1 =	vadd.f32 v11, v1  }
0x61: {  	v47 =	vbroadcast v0, $0x5;
	v4 =	vld [tilespmem:s24+$0xD0];
	v2 =	vadd.f32 v2, v3;
	v3 =	vmul.f32 v7, v45  }
0x62: {  	v6 =	vmul.f32 v6, v45;
	v1 =	vadd.f32 v8, v1;
	v8 =	vld [tilespmem:s24+$0xE0]  }
0x63: {  	v48 =	vbroadcast v0, $0x6;
	v7 =	vld [tilespmem:s24+$0xF0];
	v2 =	vadd.f32 v3, v2;
	v3 =	vmul.f32 v44, v47  }
0x64: {  	v5 =	vmul.f32 v5, v47;
	v1 =	vadd.f32 v6, v1;
	v6 =	vld [tilespmem:s24+$0x100]  }
0x65: {  	v51 =	vld [tilespmem:s24+$0x130];
	v50 =	vbroadcast v0, $0x7;
	v2 =	vadd.f32 v3, v2;
	v3 =	vmul.f32 v46, v48  }
0x66: {  	v4 =	vmul.f32 v4, v48;
	v1 =	vadd.f32 v5, v1;
	v5 =	vld [tilespmem:s24+$0x120]  }
0x67: {  	v55 =	vld [tilespmem:s24+$0x180];
	v52 =	vbroadcast v0, $0x8;
	v2 =	vadd.f32 v3, v2;
	v3 =	vmul.f32 v8, v50  }
0x68: {  	v7 =	vmul.f32 v7, v50;
	v1 =	vadd.f32 v4, v1;
	v4 =	vld [tilespmem:s24+$0x140]  }
0x69: {  	v53 =	vbroadcast v0, $0x9;
	v8 =	vld [tilespmem:s24+$0x150];
	v2 =	vadd.f32 v3, v2;
	v3 =	vmul.f32 v6, v52  }
0x6a: {  	v9 =	vmul.f32 v49, v52;
	v1 =	vadd.f32 v7, v1;
	v7 =	vld [tilespmem:s24+$0x160]  }
0x6b: {  	v54 =	vbroadcast v0, $0xA;
	v6 =	vld [tilespmem:s24+$0x170];
	v2 =	vadd.f32 v3, v2;
	v3 =	vmul.f32 v5, v53  }
0x6c: {  	v57 =	vld [tilespmem:s24+$0x1A0];
	v10 =	vmul.f32 v51, v53;
	v1 =	vadd.f32 v9, v1  }
0x6d: {  	v56 =	vbroadcast v0, $0xB;
	v5 =	vld [tilespmem:s24+$0x190];
	v2 =	vadd.f32 v3, v2;
	v3 =	vmul.f32 v4, v54  }
0x6e: {  	v60 =	vld [tilespmem:s24+$0x1F0];
	v8 =	vmul.f32 v8, v54;
	v1 =	vadd.f32 v10, v1  }
0x6f: {  	v58 =	vbroadcast v0, $0xC;
	v4 =	vld [tilespmem:s24+$0x1B0];
	v2 =	vadd.f32 v3, v2;
	v3 =	vmul.f32 v7, v56  }
0x70: {  	v6 =	vmul.f32 v6, v56;
	v1 =	vadd.f32 v8, v1;
	v8 =	vld [tilespmem:s24+$0x1C0]  }
0x71: {  	v59 =	vbroadcast v0, $0xD;
	v7 =	vld [tilespmem:s24+$0x1D0];
	v2 =	vadd.f32 v3, v2;
	v3 =	vmul.f32 v55, v58  }
0x72: {  	v5 =	vmul.f32 v5, v58;
	v1 =	vadd.f32 v6, v1;
	v6 =	vld [tilespmem:s24+$0x1E0]  }
0x73: {  	v61 =	vbroadcast v0, $0xE;
	v2 =	vadd.f32 v3, v2;
	v3 =	vmul.f32 v57, v59  }
0x74: {  	v4 =	vmul.f32 v4, v59;
	v5 =	vadd.f32 v5, v1  }
0x75: {  	v62 =	vbroadcast v0, $0xF;
	s24 =	simm.s32 $0x30;
	v8 =	vmul.f32 v8, v61;
	v63 =	vadd.f32 v3, v2  }
0x76: {  	s29 =	simm.s32 $0x140;
	v0 =	vld [tilespmem:s24+$0x600];
	v1 =	vmul.f32 v7, v61;
	v3 =	vadd.f32 v4, v5  }
0x77: {  	s31 =	simm.s32 $0x1C0;
	s25 =	simm.s32 $0x1200;
	s28 =	simm.s32 $0x1200;
	v2 =	vld [tilespmem:s24+$0x5F0];
	v4 =	vmul.f32 v60, v62;
	v6 =	vmul.f32 v6, v62;
	v5 =	vadd.f32 v8, v63  }
.LBB2_4:
0x78: {  	s0 =	sshra.s32 s29, $0x2  }
0x79: {  	s25 =	sadd.s32 $0x400, s25;
	v7 =	vadd.f32 v1, v3;
	s29 =	smov.u32 s31;
	s30 =	sadd.s32 $0x80, s31  }
0x7a: {  	p1 =	sne.s32 s31, $0x17C0;
	v3 =	vld [tilespmem:s0+$0x5F0];
	v5 =	vadd.f32 v6, v5  }
0x7b: {  	v1 =	vld [tilespmem:s0+$0x600];
	v4 =	vadd.f32 v4, v7  }
0x7c: {  	[tilespmem:s26+$0x197F0] =	vst v5  }
0x7d: {  	[tilespmem:s26+$0x19800] =	vst v4;
	s26 =	smov.u32 s24;
	s24 =	smov.u32 s0  }
0x7e: {  	v4 =	vld [tilespmem:s28+$0xFFFFFE30]  }
0x7f: {  	v5 =	vld [tilespmem:s28+$0xFFFFFE00]  }
0x80: {  	v6 =	vld [tilespmem:s28+$0xFFFFFE10]  }
0x81: {  	v7 =	vld [tilespmem:s28+$0xFFFFFE20]  }
0x82: {  	v8 =	vbroadcast v2, $0x0;
	v9 =	vld [tilespmem:s28+$0xFFFFFE50]  }
0x83: {  	v10 =	vld [tilespmem:s28+$0xFFFFFE40]  }
0x84: {  	v11 =	vbroadcast v2, $0x1;
	v5 =	vmul.f32 v5, v8;
	v12 =	vld [tilespmem:s28+$0xFFFFFE70]  }
0x85: {  	v6 =	vmul.f32 v6, v8;
	v8 =	vbroadcast v2, $0x2;
	v13 =	vld [tilespmem:s28+$0xFFFFFE60]  }
0x86: {  	v4 =	vmul.f32 v4, v11;
	v5 =	vadd.f32 $0.0e+00, v5;
	v7 =	vmul.f32 v7, v11;
	v11 =	vld [tilespmem:s28+$0xFFFFFE90]  }
0x87: {  	v14 =	vbroadcast v2, $0x3;
	v6 =	vadd.f32 $0.0e+00, v6;
	v15 =	vld [tilespmem:s28+$0xFFFFFE80]  }
0x88: {  	v5 =	vadd.f32 v7, v5;
	v7 =	vmul.f32 v10, v8;
	v8 =	vmul.f32 v9, v8;
	v9 =	vld [tilespmem:s28+$0xFFFFFEB0]  }
0x89: {  	v4 =	vadd.f32 v4, v6;
	v6 =	vbroadcast v2, $0x4;
	v10 =	vld [tilespmem:s28+$0xFFFFFEA0]  }
0x8a: {  	v12 =	vmul.f32 v12, v14;
	v5 =	vadd.f32 v7, v5;
	v7 =	vmul.f32 v13, v14;
	v13 =	vld [tilespmem:s28+$0xFFFFFED0]  }
0x8b: {  	v4 =	vadd.f32 v8, v4;
	v8 =	vbroadcast v2, $0x5;
	v14 =	vld [tilespmem:s28+$0xFFFFFEC0]  }
0x8c: {  	v5 =	vadd.f32 v7, v5;
	v7 =	vmul.f32 v15, v6;
	v6 =	vmul.f32 v11, v6;
	v11 =	vld [tilespmem:s28+$0xFFFFFEF0]  }
0x8d: {  	v4 =	vadd.f32 v12, v4;
	v12 =	vbroadcast v2, $0x6;
	v15 =	vld [tilespmem:s28+$0xFFFFFEE0]  }
0x8e: {  	v5 =	vadd.f32 v7, v5;
	v7 =	vmul.f32 v10, v8;
	v8 =	vmul.f32 v9, v8;
	v9 =	vld [tilespmem:s28+$0xFFFFFF10]  }
0x8f: {  	v4 =	vadd.f32 v6, v4;
	v6 =	vbroadcast v2, $0x7;
	v10 =	vld [tilespmem:s28+$0xFFFFFF00]  }
0x90: {  	v5 =	vadd.f32 v7, v5;
	v7 =	vmul.f32 v14, v12;
	v12 =	vmul.f32 v13, v12;
	v13 =	vld [tilespmem:s28+$0xFFFFFF30]  }
0x91: {  	v4 =	vadd.f32 v8, v4;
	v8 =	vbroadcast v2, $0x8;
	v14 =	vld [tilespmem:s28+$0xFFFFFF20]  }
0x92: {  	v5 =	vadd.f32 v7, v5;
	v7 =	vmul.f32 v15, v6;
	v6 =	vmul.f32 v11, v6;
	v11 =	vld [tilespmem:s28+$0xFFFFFF50]  }
0x93: {  	v4 =	vadd.f32 v12, v4;
	v12 =	vbroadcast v2, $0x9;
	v15 =	vld [tilespmem:s28+$0xFFFFFF40]  }
0x94: {  	v5 =	vadd.f32 v7, v5;
	v7 =	vmul.f32 v10, v8;
	v8 =	vmul.f32 v9, v8;
	v9 =	vld [tilespmem:s28+$0xFFFFFF70]  }
0x95: {  	v4 =	vadd.f32 v6, v4;
	v6 =	vbroadcast v2, $0xA;
	v10 =	vld [tilespmem:s28+$0xFFFFFF60]  }
0x96: {  	v5 =	vadd.f32 v7, v5;
	v7 =	vmul.f32 v14, v12;
	v12 =	vmul.f32 v13, v12;
	v13 =	vld [tilespmem:s28+$0xFFFFFF90]  }
0x97: {  	v4 =	vadd.f32 v8, v4;
	v8 =	vbroadcast v2, $0xB;
	v14 =	vld [tilespmem:s28+$0xFFFFFF80]  }
0x98: {  	v5 =	vadd.f32 v7, v5;
	v7 =	vmul.f32 v15, v6;
	v6 =	vmul.f32 v11, v6;
	v11 =	vld [tilespmem:s28+$0xFFFFFFB0]  }
0x99: {  	v4 =	vadd.f32 v12, v4;
	v12 =	vbroadcast v2, $0xC;
	v15 =	vld [tilespmem:s28+$0xFFFFFFA0]  }
0x9a: {  	v5 =	vadd.f32 v7, v5;
	v7 =	vmul.f32 v10, v8;
	v8 =	vmul.f32 v9, v8;
	v9 =	vld [tilespmem:s28+$0xFFFFFFD0]  }
0x9b: {  	v4 =	vadd.f32 v6, v4;
	v6 =	vbroadcast v2, $0xD;
	v10 =	vld [tilespmem:s28+$0xFFFFFFC0]  }
0x9c: {  	v5 =	vadd.f32 v7, v5;
	v7 =	vmul.f32 v14, v12;
	v12 =	vmul.f32 v13, v12;
	v13 =	vld [tilespmem:s28+$0xFFFFFFF0]  }
0x9d: {  	v4 =	vadd.f32 v8, v4;
	v8 =	vbroadcast v2, $0xE;
	v14 =	vld [tilespmem:s28+$0xFFFFFFE0]  }
0x9e: {  	v5 =	vadd.f32 v7, v5;
	v7 =	vmul.f32 v15, v6;
	v6 =	vmul.f32 v11, v6;
	v11 =	vld [tilespmem:s28+$0x10]  }
0x9f: {  	v4 =	vadd.f32 v12, v4;
	v12 =	vbroadcast v2, $0xF;
	v15 =	vld [tilespmem:s28+$0x0];
	v2 =	vmov v3  }
0xa0: {  	v3 =	vadd.f32 v7, v5;
	v5 =	vmul.f32 v10, v8;
	v7 =	vmul.f32 v9, v8;
	v8 =	vld [tilespmem:s28+$0x30]  }
0xa1: {  	v4 =	vadd.f32 v6, v4;
	v6 =	vbroadcast v0, $0x0;
	v9 =	vld [tilespmem:s28+$0x20]  }
0xa2: {  	v10 =	vmul.f32 v13, v12;
	v3 =	vadd.f32 v5, v3;
	v5 =	vmul.f32 v14, v12;
	v12 =	vld [tilespmem:s28+$0x50]  }
0xa3: {  	v4 =	vadd.f32 v7, v4;
	v7 =	vbroadcast v0, $0x1;
	v13 =	vld [tilespmem:s28+$0x40]  }
0xa4: {  	v3 =	vadd.f32 v5, v3;
	v5 =	vmul.f32 v15, v6;
	v6 =	vmul.f32 v11, v6;
	v11 =	vld [tilespmem:s28+$0x70]  }
0xa5: {  	v4 =	vadd.f32 v10, v4;
	v10 =	vbroadcast v0, $0x2;
	v14 =	vld [tilespmem:s28+$0x60]  }
0xa6: {  	v3 =	vadd.f32 v5, v3;
	v5 =	vmul.f32 v9, v7;
	v7 =	vmul.f32 v8, v7;
	v8 =	vld [tilespmem:s28+$0x90]  }
0xa7: {  	v4 =	vadd.f32 v6, v4;
	v6 =	vbroadcast v0, $0x3;
	v9 =	vld [tilespmem:s28+$0x80]  }
0xa8: {  	v3 =	vadd.f32 v5, v3;
	v5 =	vmul.f32 v13, v10;
	v10 =	vmul.f32 v12, v10;
	v12 =	vld [tilespmem:s28+$0xB0]  }
0xa9: {  	v4 =	vadd.f32 v7, v4;
	v7 =	vbroadcast v0, $0x4;
	v13 =	vld [tilespmem:s28+$0xA0]  }
0xaa: {  	v3 =	vadd.f32 v5, v3;
	v5 =	vmul.f32 v14, v6;
	v6 =	vmul.f32 v11, v6;
	v11 =	vld [tilespmem:s28+$0xD0]  }
0xab: {  	v4 =	vadd.f32 v10, v4;
	v10 =	vbroadcast v0, $0x5;
	v14 =	vld [tilespmem:s28+$0xC0]  }
0xac: {  	v3 =	vadd.f32 v5, v3;
	v5 =	vmul.f32 v9, v7;
	v7 =	vmul.f32 v8, v7;
	v8 =	vld [tilespmem:s28+$0xF0]  }
0xad: {  	v4 =	vadd.f32 v6, v4;
	v6 =	vbroadcast v0, $0x6;
	v9 =	vld [tilespmem:s28+$0xE0]  }
0xae: {  	v3 =	vadd.f32 v5, v3;
	v5 =	vmul.f32 v13, v10;
	v10 =	vmul.f32 v12, v10;
	v12 =	vld [tilespmem:s28+$0x110]  }
0xaf: {  	v4 =	vadd.f32 v7, v4;
	v7 =	vbroadcast v0, $0x7;
	v13 =	vld [tilespmem:s28+$0x100]  }
0xb0: {  	v3 =	vadd.f32 v5, v3;
	v5 =	vmul.f32 v14, v6;
	v6 =	vmul.f32 v11, v6;
	v11 =	vld [tilespmem:s28+$0x130]  }
0xb1: {  	v4 =	vadd.f32 v10, v4;
	v10 =	vbroadcast v0, $0x8;
	v14 =	vld [tilespmem:s28+$0x120]  }
0xb2: {  	v3 =	vadd.f32 v5, v3;
	v5 =	vmul.f32 v9, v7;
	v7 =	vmul.f32 v8, v7;
	v8 =	vld [tilespmem:s28+$0x150]  }
0xb3: {  	v4 =	vadd.f32 v6, v4;
	v6 =	vbroadcast v0, $0x9;
	v9 =	vld [tilespmem:s28+$0x140]  }
0xb4: {  	v3 =	vadd.f32 v5, v3;
	v5 =	vmul.f32 v13, v10;
	v10 =	vmul.f32 v12, v10;
	v12 =	vld [tilespmem:s28+$0x170]  }
0xb5: {  	v4 =	vadd.f32 v7, v4;
	v7 =	vbroadcast v0, $0xA;
	v13 =	vld [tilespmem:s28+$0x160]  }
0xb6: {  	v3 =	vadd.f32 v5, v3;
	v5 =	vmul.f32 v14, v6;
	v6 =	vmul.f32 v11, v6;
	v11 =	vld [tilespmem:s28+$0x190]  }
0xb7: {  	v4 =	vadd.f32 v10, v4;
	v10 =	vbroadcast v0, $0xB;
	v14 =	vld [tilespmem:s28+$0x180]  }
0xb8: {  	v3 =	vadd.f32 v5, v3;
	v5 =	vmul.f32 v9, v7;
	v7 =	vmul.f32 v8, v7;
	v8 =	vld [tilespmem:s28+$0x1B0]  }
0xb9: {  	v4 =	vadd.f32 v6, v4;
	v6 =	vbroadcast v0, $0xC;
	v9 =	vld [tilespmem:s28+$0x1A0]  }
0xba: {  	v3 =	vadd.f32 v5, v3;
	v5 =	vmul.f32 v13, v10;
	v10 =	vmul.f32 v12, v10;
	v12 =	vld [tilespmem:s28+$0x1D0]  }
0xbb: {  	v4 =	vadd.f32 v7, v4;
	v7 =	vbroadcast v0, $0xD;
	v13 =	vld [tilespmem:s28+$0x1C0]  }
0xbc: {  	v3 =	vadd.f32 v5, v3;
	v5 =	vmul.f32 v14, v6;
	v6 =	vmul.f32 v11, v6;
	v11 =	vld [tilespmem:s28+$0x1F0]  }
0xbd: {  	v4 =	vadd.f32 v10, v4;
	v10 =	vbroadcast v0, $0xE;
	v14 =	vld [tilespmem:s28+$0x1E0];
	s28 =	smov.u32 s25  }
.Ltmp5:
0xbe: {  	v3 =	vadd.f32 v5, v3;
	v5 =	vmul.f32 v9, v7;
	v7 =	vmul.f32 v8, v7;
	(pc) =	sbr.rel @p1 .LBB2_4-.Ltmp5, $4  }
0xbf: {  	v8 =	vbroadcast v0, $0xF;
	v0 =	vmov v1;
	v4 =	vadd.f32 v6, v4  }
0xc0: {  	v1 =	vmul.f32 v12, v10;
	v5 =	vadd.f32 v5, v3;
	v6 =	vmul.f32 v13, v10  }
0xc1: {  	v3 =	vadd.f32 v7, v4  }
0xc2: {  	s31 =	smov.u32 s30;
	v4 =	vmul.f32 v11, v8;
	v5 =	vadd.f32 v6, v5;
	v6 =	vmul.f32 v14, v8  }
0xc3: {  	v7 =	vadd.f32 v1, v3  }
0xc4: {  	s29 =	sshra.s32 s29, $0x2;
	v5 =	vadd.f32 v6, v5  }
0xc5: {  	v3 =	vld [tilespmem:s29+$0x5F0];
	v4 =	vadd.f32 v4, v7  }
0xc6: {  	v1 =	vld [tilespmem:s29+$0x600];
	[tilespmem:s26+$0x197F0] =	vst v5  }
0xc7: {  	[tilespmem:s26+$0x19800] =	vst v4  }
0xc8: {  	v4 =	vld [tilespmem:s28+$0xFFFFFE00]  }
0xc9: {  	v5 =	vld [tilespmem:s28+$0xFFFFFE10]  }
0xca: {  	v56 =	vld [tilespmem:s28+$0xFFFFFE20]  }
0xcb: {  	v8 =	vbroadcast v2, $0x0;
	v57 =	vld [tilespmem:s28+$0xFFFFFE30]  }
0xcc: {  	v9 =	vld [tilespmem:s28+$0xFFFFFE40]  }
0xcd: {  	v11 =	vbroadcast v2, $0x1;
	v10 =	vld [tilespmem:s28+$0xFFFFFE50];
	v4 =	vmul.f32 v4, v8  }
0xce: {  	v58 =	vld [tilespmem:s28+$0xFFFFFE60];
	v5 =	vmul.f32 v5, v8  }
0xcf: {  	v13 =	vbroadcast v2, $0x2;
	v12 =	vld [tilespmem:s28+$0xFFFFFE70];
	v6 =	vmul.f32 v56, v11;
	v4 =	vadd.f32 $0.0e+00, v4  }
0xd0: {  	v59 =	vld [tilespmem:s28+$0xFFFFFE80];
	v7 =	vmul.f32 v57, v11;
	v5 =	vadd.f32 $0.0e+00, v5  }
0xd1: {  	v15 =	vbroadcast v2, $0x3;
	v14 =	vld [tilespmem:s28+$0xFFFFFE90];
	v60 =	vmul.f32 v9, v13;
	v4 =	vadd.f32 v6, v4  }
0xd2: {  	v62 =	vld [tilespmem:s28+$0xFFFFFEA0];
	v61 =	vmul.f32 v10, v13;
	v5 =	vadd.f32 v7, v5  }
0xd3: {  	v18 =	vbroadcast v2, $0x4;
	v63 =	vld [tilespmem:s28+$0xFFFFFEB0];
	v19 =	vmul.f32 v58, v15;
	v4 =	vadd.f32 v60, v4  }
0xd4: {  	v21 =	vld [tilespmem:s28+$0xFFFFFEC0];
	v20 =	vmul.f32 v12, v15;
	v5 =	vadd.f32 v61, v5  }
0xd5: {  	v23 =	vbroadcast v2, $0x5;
	v22 =	vld [tilespmem:s28+$0xFFFFFED0];
	v24 =	vmul.f32 v59, v18;
	v4 =	vadd.f32 v19, v4  }
0xd6: {  	v26 =	vld [tilespmem:s28+$0xFFFFFEE0];
	v25 =	vmul.f32 v14, v18;
	v5 =	vadd.f32 v20, v5  }
0xd7: {  	v28 =	vbroadcast v2, $0x6;
	v27 =	vld [tilespmem:s28+$0xFFFFFEF0];
	v29 =	vmul.f32 v62, v23;
	v4 =	vadd.f32 v24, v4  }
0xd8: {  	v31 =	vld [tilespmem:s28+$0xFFFFFF00];
	v30 =	vmul.f32 v63, v23;
	v5 =	vadd.f32 v25, v5  }
0xd9: {  	v33 =	vbroadcast v2, $0x7;
	v32 =	vld [tilespmem:s28+$0xFFFFFF10];
	v34 =	vmul.f32 v21, v28;
	v4 =	vadd.f32 v29, v4  }
0xda: {  	v36 =	vld [tilespmem:s28+$0xFFFFFF20];
	v35 =	vmul.f32 v22, v28;
	v5 =	vadd.f32 v30, v5  }
0xdb: {  	v38 =	vbroadcast v2, $0x8;
	v37 =	vld [tilespmem:s28+$0xFFFFFF30];
	v39 =	vmul.f32 v26, v33;
	v4 =	vadd.f32 v34, v4  }
0xdc: {  	v41 =	vld [tilespmem:s28+$0xFFFFFF40];
	v40 =	vmul.f32 v27, v33;
	v5 =	vadd.f32 v35, v5  }
0xdd: {  	v43 =	vbroadcast v2, $0x9;
	v42 =	vld [tilespmem:s28+$0xFFFFFF50];
	v44 =	vmul.f32 v31, v38;
	v4 =	vadd.f32 v39, v4  }
0xde: {  	v46 =	vld [tilespmem:s28+$0xFFFFFF60];
	v45 =	vmul.f32 v32, v38;
	v5 =	vadd.f32 v40, v5  }
0xdf: {  	v48 =	vbroadcast v2, $0xA;
	v47 =	vld [tilespmem:s28+$0xFFFFFF70];
	v49 =	vmul.f32 v36, v43;
	v4 =	vadd.f32 v44, v4  }
0xe0: {  	v51 =	vld [tilespmem:s28+$0xFFFFFF80];
	v50 =	vmul.f32 v37, v43;
	v5 =	vadd.f32 v45, v5  }
0xe1: {  	v53 =	vbroadcast v2, $0xB;
	v52 =	vld [tilespmem:s28+$0xFFFFFF90];
	v54 =	vmul.f32 v41, v48;
	v4 =	vadd.f32 v49, v4  }
0xe2: {  	v55 =	vmul.f32 v42, v48;
	v56 =	vld [tilespmem:s28+$0xFFFFFFA0];
	v5 =	vadd.f32 v50, v5  }
0xe3: {  	v57 =	vld [tilespmem:s28+$0xFFFFFFB0];
	v58 =	vbroadcast v2, $0xC;
	v59 =	vmul.f32 v46, v53;
	v4 =	vadd.f32 v54, v4  }
0xe4: {  	v60 =	vmul.f32 v47, v53;
	v61 =	vld [tilespmem:s28+$0xFFFFFFC0];
	v5 =	vadd.f32 v55, v5  }
0xe5: {  	v62 =	vld [tilespmem:s28+$0xFFFFFFD0];
	v63 =	vbroadcast v2, $0xD;
	v18 =	vmul.f32 v51, v58;
	v4 =	vadd.f32 v59, v4  }
0xe6: {  	v19 =	vmul.f32 v52, v58;
	v20 =	vld [tilespmem:s28+$0xFFFFFFE0];
	v5 =	vadd.f32 v60, v5  }
0xe7: {  	v21 =	vld [tilespmem:s28+$0xFFFFFFF0];
	v22 =	vbroadcast v2, $0xE;
	v23 =	vmul.f32 v56, v63;
	v4 =	vadd.f32 v18, v4  }
0xe8: {  	v24 =	vmul.f32 v57, v63;
	v25 =	vld [tilespmem:s28+$0x0];
	v5 =	vadd.f32 v19, v5  }
0xe9: {  	v26 =	vld [tilespmem:s28+$0x10];
	v27 =	vbroadcast v2, $0xF;
	v28 =	vmul.f32 v61, v22;
	v4 =	vadd.f32 v23, v4  }
0xea: {  	v29 =	vmul.f32 v62, v22;
	v30 =	vld [tilespmem:s28+$0x20];
	v5 =	vadd.f32 v24, v5  }
0xeb: {  	v31 =	vld [tilespmem:s28+$0x30];
	v32 =	vbroadcast v0, $0x0;
	v33 =	vmul.f32 v20, v27;
	v4 =	vadd.f32 v28, v4  }
0xec: {  	v2 =	vmul.f32 v21, v27;
	v34 =	vld [tilespmem:s28+$0x40];
	v5 =	vadd.f32 v29, v5  }
0xed: {  	v36 =	vbroadcast v0, $0x1;
	v35 =	vld [tilespmem:s28+$0x50];
	v37 =	vmul.f32 v25, v32;
	v4 =	vadd.f32 v33, v4  }
0xee: {  	v38 =	vmul.f32 v26, v32;
	v39 =	vld [tilespmem:s28+$0x60];
	v2 =	vadd.f32 v2, v5  }
0xef: {  	v41 =	vbroadcast v0, $0x2;
	v40 =	vld [tilespmem:s28+$0x70];
	v42 =	vmul.f32 v30, v36;
	v4 =	vadd.f32 v37, v4  }
0xf0: {  	v43 =	vmul.f32 v31, v36;
	v44 =	vld [tilespmem:s28+$0x80];
	v2 =	vadd.f32 v38, v2  }
0xf1: {  	v46 =	vbroadcast v0, $0x3;
	v45 =	vld [tilespmem:s28+$0x90];
	v47 =	vmul.f32 v34, v41;
	v4 =	vadd.f32 v42, v4  }
0xf2: {  	v48 =	vmul.f32 v35, v41;
	v49 =	vld [tilespmem:s28+$0xA0];
	v2 =	vadd.f32 v43, v2  }
0xf3: {  	v51 =	vbroadcast v0, $0x4;
	v50 =	vld [tilespmem:s28+$0xB0];
	v5 =	vmul.f32 v39, v46;
	v4 =	vadd.f32 v47, v4  }
0xf4: {  	v53 =	vld [tilespmem:s28+$0xC0];
	v52 =	vmul.f32 v40, v46;
	v2 =	vadd.f32 v48, v2  }
0xf5: {  	v54 =	vld [tilespmem:s28+$0xD0];
	v55 =	vbroadcast v0, $0x5;
	v56 =	vmul.f32 v44, v51;
	v4 =	vadd.f32 v5, v4  }
0xf6: {  	v58 =	vld [tilespmem:s28+$0xE0];
	v57 =	vmul.f32 v45, v51;
	v2 =	vadd.f32 v52, v2  }
0xf7: {  	v59 =	vld [tilespmem:s28+$0xF0];
	v60 =	vbroadcast v0, $0x6;
	v61 =	vmul.f32 v49, v55;
	v4 =	vadd.f32 v56, v4  }
0xf8: {  	v63 =	vld [tilespmem:s28+$0x100];
	v62 =	vmul.f32 v50, v55;
	v2 =	vadd.f32 v57, v2  }
0xf9: {  	v17 =	vbroadcast v0, $0x7;
	v16 =	vld [tilespmem:s28+$0x110];
	v18 =	vmul.f32 v53, v60;
	v4 =	vadd.f32 v61, v4  }
0xfa: {  	v20 =	vld [tilespmem:s28+$0x120];
	v19 =	vmul.f32 v54, v60;
	v2 =	vadd.f32 v62, v2  }
0xfb: {  	v21 =	vld [tilespmem:s28+$0x130];
	v22 =	vbroadcast v0, $0x8;
	v23 =	vmul.f32 v58, v17;
	v4 =	vadd.f32 v18, v4  }
0xfc: {  	v25 =	vld [tilespmem:s28+$0x140];
	v24 =	vmul.f32 v59, v17;
	v2 =	vadd.f32 v19, v2  }
0xfd: {  	v26 =	vld [tilespmem:s28+$0x150];
	v27 =	vbroadcast v0, $0x9;
	v28 =	vmul.f32 v63, v22;
	v4 =	vadd.f32 v23, v4  }
0xfe: {  	v30 =	vld [tilespmem:s28+$0x160];
	v29 =	vmul.f32 v16, v22;
	v2 =	vadd.f32 v24, v2  }
0xff: {  	v31 =	vld [tilespmem:s28+$0x170];
	v32 =	vbroadcast v0, $0xA;
	v33 =	vmul.f32 v20, v27;
	v4 =	vadd.f32 v28, v4  }
0x100: {  	v34 =	vmul.f32 v21, v27;
	v35 =	vld [tilespmem:s28+$0x180];
	v2 =	vadd.f32 v29, v2  }
0x101: {  	v36 =	vld [tilespmem:s28+$0x190];
	v37 =	vbroadcast v0, $0xB;
	v38 =	vmul.f32 v25, v32;
	v4 =	vadd.f32 v33, v4  }
0x102: {  	v40 =	vld [tilespmem:s28+$0x1A0];
	v39 =	vmul.f32 v26, v32;
	v2 =	vadd.f32 v34, v2  }
0x103: {  	v41 =	vld [tilespmem:s28+$0x1B0];
	v42 =	vbroadcast v0, $0xC;
	v43 =	vmul.f32 v30, v37;
	v4 =	vadd.f32 v38, v4  }
0x104: {  	v45 =	vld [tilespmem:s28+$0x1C0];
	v44 =	vmul.f32 v31, v37;
	v2 =	vadd.f32 v39, v2  }
0x105: {  	v46 =	vld [tilespmem:s28+$0x1D0];
	v47 =	vbroadcast v0, $0xD;
	v48 =	vmul.f32 v35, v42;
	v4 =	vadd.f32 v43, v4  }
0x106: {  	v50 =	vld [tilespmem:s28+$0x1E0];
	v49 =	vmul.f32 v36, v42;
	v2 =	vadd.f32 v44, v2  }
0x107: {  	v51 =	vld [tilespmem:s28+$0x1F0];
	v52 =	vbroadcast v0, $0xE;
	v53 =	vmul.f32 v40, v47;
	v4 =	vadd.f32 v48, v4  }
0x108: {  	v54 =	vmul.f32 v41, v47;
	v2 =	vadd.f32 v49, v2  }
0x109: {  	v55 =	vbroadcast v0, $0xF;
	v56 =	vmul.f32 v45, v52;
	v4 =	vadd.f32 v53, v4  }
0x10a: {  	v57 =	vmul.f32 v46, v52;
	v2 =	vadd.f32 v54, v2  }
0x10b: {  	v58 =	vmul.f32 v50, v55;
	v4 =	vadd.f32 v56, v4  }
0x10c: {  	v0 =	vmul.f32 v51, v55;
	v2 =	vadd.f32 v57, v2  }
0x10d: {  	v4 =	vadd.f32 v58, v4  }
0x10e: {  	v0 =	vadd.f32 v0, v2  }
0x10f: {  	[tilespmem:s24+$0x197F0] =	vst v4  }
0x110: {  	s25 =	sadd.s32 $0x400, s25;
	[tilespmem:s24+$0x19800] =	vst v0  }
0x111: {  	v0 =	vld [tilespmem:s25+$0xFFFFFE00]  }
0x112: {  	v59 =	vld [tilespmem:s25+$0xFFFFFE10]  }
0x113: {  	v4 =	vld [tilespmem:s25+$0xFFFFFE20]  }
0x114: {  	v61 =	vbroadcast v3, $0x0;
	v60 =	vld [tilespmem:s25+$0xFFFFFE30]  }
0x115: {  	v62 =	vld [tilespmem:s25+$0xFFFFFE40]  }
0x116: {  	v16 =	vbroadcast v3, $0x1;
	v63 =	vld [tilespmem:s25+$0xFFFFFE50];
	v0 =	vmul.f32 v0, v61  }
0x117: {  	v17 =	vld [tilespmem:s25+$0xFFFFFE60];
	v2 =	vmul.f32 v59, v61  }
0x118: {  	v19 =	vbroadcast v3, $0x2;
	v18 =	vld [tilespmem:s25+$0xFFFFFE70];
	v4 =	vmul.f32 v4, v16;
	v0 =	vadd.f32 $0.0e+00, v0  }
0x119: {  	v20 =	vld [tilespmem:s25+$0xFFFFFE80];
	v5 =	vmul.f32 v60, v16;
	v2 =	vadd.f32 $0.0e+00, v2  }
0x11a: {  	v22 =	vbroadcast v3, $0x3;
	v21 =	vld [tilespmem:s25+$0xFFFFFE90];
	v23 =	vmul.f32 v62, v19;
	v0 =	vadd.f32 v4, v0  }
0x11b: {  	v25 =	vld [tilespmem:s25+$0xFFFFFEA0];
	v24 =	vmul.f32 v63, v19;
	v2 =	vadd.f32 v5, v2  }
0x11c: {  	v27 =	vbroadcast v3, $0x4;
	v26 =	vld [tilespmem:s25+$0xFFFFFEB0];
	v28 =	vmul.f32 v17, v22;
	v0 =	vadd.f32 v23, v0  }
0x11d: {  	v30 =	vld [tilespmem:s25+$0xFFFFFEC0];
	v29 =	vmul.f32 v18, v22;
	v2 =	vadd.f32 v24, v2  }
0x11e: {  	v32 =	vbroadcast v3, $0x5;
	v31 =	vld [tilespmem:s25+$0xFFFFFED0];
	v33 =	vmul.f32 v20, v27;
	v0 =	vadd.f32 v28, v0  }
0x11f: {  	v35 =	vld [tilespmem:s25+$0xFFFFFEE0];
	v34 =	vmul.f32 v21, v27;
	v2 =	vadd.f32 v29, v2  }
0x120: {  	v37 =	vbroadcast v3, $0x6;
	v36 =	vld [tilespmem:s25+$0xFFFFFEF0];
	v38 =	vmul.f32 v25, v32;
	v0 =	vadd.f32 v33, v0  }
0x121: {  	v40 =	vld [tilespmem:s25+$0xFFFFFF00];
	v39 =	vmul.f32 v26, v32;
	v2 =	vadd.f32 v34, v2  }
0x122: {  	v42 =	vbroadcast v3, $0x7;
	v41 =	vld [tilespmem:s25+$0xFFFFFF10];
	v43 =	vmul.f32 v30, v37;
	v0 =	vadd.f32 v38, v0  }
0x123: {  	v45 =	vld [tilespmem:s25+$0xFFFFFF20];
	v44 =	vmul.f32 v31, v37;
	v2 =	vadd.f32 v39, v2  }
0x124: {  	v47 =	vbroadcast v3, $0x8;
	v46 =	vld [tilespmem:s25+$0xFFFFFF30];
	v48 =	vmul.f32 v35, v42;
	v0 =	vadd.f32 v43, v0  }
0x125: {  	v50 =	vld [tilespmem:s25+$0xFFFFFF40];
	v49 =	vmul.f32 v36, v42;
	v2 =	vadd.f32 v44, v2  }
0x126: {  	v52 =	vbroadcast v3, $0x9;
	v51 =	vld [tilespmem:s25+$0xFFFFFF50];
	v53 =	vmul.f32 v40, v47;
	v0 =	vadd.f32 v48, v0  }
0x127: {  	v55 =	vld [tilespmem:s25+$0xFFFFFF60];
	v54 =	vmul.f32 v41, v47;
	v2 =	vadd.f32 v49, v2  }
0x128: {  	v57 =	vbroadcast v3, $0xA;
	v56 =	vld [tilespmem:s25+$0xFFFFFF70];
	v58 =	vmul.f32 v45, v52;
	v0 =	vadd.f32 v53, v0  }
0x129: {  	v59 =	vmul.f32 v46, v52;
	v60 =	vld [tilespmem:s25+$0xFFFFFF80];
	v2 =	vadd.f32 v54, v2  }
0x12a: {  	v61 =	vld [tilespmem:s25+$0xFFFFFF90];
	v62 =	vbroadcast v3, $0xB;
	v63 =	vmul.f32 v50, v57;
	v0 =	vadd.f32 v58, v0  }
0x12b: {  	v16 =	vmul.f32 v51, v57;
	v17 =	vld [tilespmem:s25+$0xFFFFFFA0];
	v2 =	vadd.f32 v59, v2  }
0x12c: {  	v18 =	vld [tilespmem:s25+$0xFFFFFFB0];
	v19 =	vbroadcast v3, $0xC;
	v20 =	vmul.f32 v55, v62;
	v0 =	vadd.f32 v63, v0  }
0x12d: {  	v22 =	vld [tilespmem:s25+$0xFFFFFFC0];
	v21 =	vmul.f32 v56, v62;
	v2 =	vadd.f32 v16, v2  }
0x12e: {  	v25 =	vmul.f32 v60, v19;
	v23 =	vld [tilespmem:s25+$0xFFFFFFD0];
	v24 =	vbroadcast v3, $0xD;
	v0 =	vadd.f32 v20, v0  }
0x12f: {  	v27 =	vld [tilespmem:s25+$0xFFFFFFE0];
	v26 =	vmul.f32 v61, v19;
	v2 =	vadd.f32 v21, v2  }
0x130: {  	v28 =	vld [tilespmem:s25+$0xFFFFFFF0];
	v29 =	vbroadcast v3, $0xE;
	v30 =	vmul.f32 v17, v24;
	v0 =	vadd.f32 v25, v0  }
0x131: {  	v32 =	vld [tilespmem:s25+$0x0];
	v31 =	vmul.f32 v18, v24;
	v2 =	vadd.f32 v26, v2  }
0x132: {  	v3 =	vbroadcast v3, $0xF;
	v33 =	vld [tilespmem:s25+$0x10];
	v34 =	vmul.f32 v22, v29;
	v0 =	vadd.f32 v30, v0  }
0x133: {  	v36 =	vld [tilespmem:s25+$0x20];
	v35 =	vmul.f32 v23, v29;
	v2 =	vadd.f32 v31, v2  }
0x134: {  	v37 =	vld [tilespmem:s25+$0x30];
	v38 =	vbroadcast v1, $0x0;
	v39 =	vmul.f32 v27, v3;
	v0 =	vadd.f32 v34, v0  }
0x135: {  	v40 =	vld [tilespmem:s25+$0x40];
	v3 =	vmul.f32 v28, v3;
	v2 =	vadd.f32 v35, v2  }
0x136: {  	v41 =	vld [tilespmem:s25+$0x50];
	v42 =	vbroadcast v1, $0x1;
	v43 =	vmul.f32 v32, v38;
	v0 =	vadd.f32 v39, v0  }
0x137: {  	v45 =	vld [tilespmem:s25+$0x60];
	v44 =	vmul.f32 v33, v38;
	v2 =	vadd.f32 v3, v2  }
0x138: {  	v46 =	vld [tilespmem:s25+$0x70];
	v47 =	vbroadcast v1, $0x2;
	v48 =	vmul.f32 v36, v42;
	v0 =	vadd.f32 v43, v0  }
0x139: {  	v50 =	vld [tilespmem:s25+$0x80];
	v49 =	vmul.f32 v37, v42;
	v2 =	vadd.f32 v44, v2  }
0x13a: {  	v51 =	vld [tilespmem:s25+$0x90];
	v52 =	vbroadcast v1, $0x3;
	v53 =	vmul.f32 v40, v47;
	v0 =	vadd.f32 v48, v0  }
0x13b: {  	v55 =	vld [tilespmem:s25+$0xA0];
	v54 =	vmul.f32 v41, v47;
	v2 =	vadd.f32 v49, v2  }
0x13c: {  	v57 =	vbroadcast v1, $0x4;
	v56 =	vld [tilespmem:s25+$0xB0];
	v3 =	vmul.f32 v45, v52;
	v0 =	vadd.f32 v53, v0  }
0x13d: {  	v58 =	vmul.f32 v46, v52;
	v59 =	vld [tilespmem:s25+$0xC0];
	v2 =	vadd.f32 v54, v2  }
0x13e: {  	v60 =	vld [tilespmem:s25+$0xD0];
	v61 =	vbroadcast v1, $0x5;
	v62 =	vmul.f32 v50, v57;
	v0 =	vadd.f32 v3, v0  }
0x13f: {  	v63 =	vmul.f32 v51, v57;
	v16 =	vld [tilespmem:s25+$0xE0];
	v2 =	vadd.f32 v58, v2  }
0x140: {  	v19 =	vmul.f32 v55, v61;
	v17 =	vld [tilespmem:s25+$0xF0];
	v18 =	vbroadcast v1, $0x6;
	v0 =	vadd.f32 v62, v0  }
0x141: {  	v20 =	vmul.f32 v56, v61;
	v21 =	vld [tilespmem:s25+$0x100];
	v2 =	vadd.f32 v63, v2  }
0x142: {  	v22 =	vld [tilespmem:s25+$0x110];
	v23 =	vbroadcast v1, $0x7;
	v24 =	vmul.f32 v59, v18;
	v0 =	vadd.f32 v19, v0  }
0x143: {  	v25 =	vmul.f32 v60, v18;
	v26 =	vld [tilespmem:s25+$0x120];
	v2 =	vadd.f32 v20, v2  }
0x144: {  	v27 =	vld [tilespmem:s25+$0x130];
	v28 =	vbroadcast v1, $0x8;
	v29 =	vmul.f32 v16, v23;
	v0 =	vadd.f32 v24, v0  }
0x145: {  	v30 =	vmul.f32 v17, v23;
	v31 =	vld [tilespmem:s25+$0x140];
	v2 =	vadd.f32 v25, v2  }
0x146: {  	v32 =	vld [tilespmem:s25+$0x150];
	v33 =	vbroadcast v1, $0x9;
	v34 =	vmul.f32 v21, v28;
	v0 =	vadd.f32 v29, v0  }
0x147: {  	v36 =	vld [tilespmem:s25+$0x160];
	v35 =	vmul.f32 v22, v28;
	v2 =	vadd.f32 v30, v2  }
0x148: {  	v38 =	vbroadcast v1, $0xA;
	v37 =	vld [tilespmem:s25+$0x170];
	v39 =	vmul.f32 v26, v33;
	v0 =	vadd.f32 v34, v0  }
0x149: {  	v40 =	vmul.f32 v27, v33;
	v41 =	vld [tilespmem:s25+$0x180];
	v2 =	vadd.f32 v35, v2  }
0x14a: {  	v42 =	vld [tilespmem:s25+$0x190];
	v43 =	vbroadcast v1, $0xB;
	v44 =	vmul.f32 v31, v38;
	v0 =	vadd.f32 v39, v0  }
0x14b: {  	v46 =	vld [tilespmem:s25+$0x1A0];
	v45 =	vmul.f32 v32, v38;
	v2 =	vadd.f32 v40, v2  }
0x14c: {  	v47 =	vld [tilespmem:s25+$0x1B0];
	v48 =	vbroadcast v1, $0xC;
	v49 =	vmul.f32 v36, v43;
	v0 =	vadd.f32 v44, v0  }
0x14d: {  	v51 =	vld [tilespmem:s25+$0x1C0];
	v50 =	vmul.f32 v37, v43;
	v2 =	vadd.f32 v45, v2  }
0x14e: {  	v52 =	vld [tilespmem:s25+$0x1D0];
	v53 =	vbroadcast v1, $0xD;
	v54 =	vmul.f32 v41, v48;
	v0 =	vadd.f32 v49, v0  }
0x14f: {  	v56 =	vld [tilespmem:s25+$0x1E0];
	v55 =	vmul.f32 v42, v48;
	v2 =	vadd.f32 v50, v2  }
0x150: {  	v57 =	vld [tilespmem:s25+$0x1F0];
	v58 =	vbroadcast v1, $0xE;
	v59 =	vmul.f32 v46, v53;
	v0 =	vadd.f32 v54, v0  }
0x151: {  	v60 =	vmul.f32 v47, v53;
	v2 =	vadd.f32 v55, v2  }
0x152: {  	v1 =	vbroadcast v1, $0xF;
	v61 =	vmul.f32 v51, v58;
	v0 =	vadd.f32 v59, v0  }
0x153: {  	v62 =	vmul.f32 v52, v58;
	v2 =	vadd.f32 v60, v2  }
0x154: {  	v63 =	vmul.f32 v56, v1;
	v0 =	vadd.f32 v61, v0  }
0x155: {  	v1 =	vmul.f32 v57, v1;
	v2 =	vadd.f32 v62, v2  }
0x156: {  	v0 =	vadd.f32 v63, v0  }
0x157: {  	s0 =	smul.u32 $0xC0, s23;
	v1 =	vadd.f32 v1, v2  }
0x158: {  	[tilespmem:s29+$0x197F0] =	vst v0  }
0x159: {  	s0 =	sadd.s32 s7, s0;
	[tilespmem:s29+$0x19800] =	vst v1  }
0x15a: {  	[hbm4b:s0+s2] =	stream.linear.scatter [tilespmem:s16], [sflag:$0x4], $0x600, $0x38;
	[tilespmem:$0x19E00] =	vst v63  }
0x15b: {  	_ =	swait.ge [sflag:s17], $0x600  }
0x15c: {  	[sflag:s17] =	ssyncset.done $0x0  }
0x15d: {  	[sflag:s17] =	ssyncadd.s32 $0xFFFFFA00  }
.LBB2_6:
0x15e: {  	s0 =	sadd.s32 s10, s22  }
0x15f: {  	p1 =	sgt.u32 s0, $0x1387  }
0x160: {  	s0 =	smul.u32 @!p1 $0xC0, s0;
	_ =	sdelay $0x1  }
0x161: {  	s23 =	simm.s32 @!p1 $0x0;
	s22 =	sadd.s32 @!p1 s5, s0  }
0x162: {  	[tilespmem:s23], [sflag:$0x4] =	stream.linear.gather @!p1 [hbm4b:s22+s23], $0x600, $0x38;
	[tilespmem:$0x19E00] =	vst v63  }
0x163: {  	s22 =	simm.s32 @!p1 $0x4  }
0x164: {  	_ =	swait.ge @!p1 [sflag:s22], $0x600  }
0x165: {  	[sflag:s22] =	ssyncset.done @!p1 $0x0  }
0x166: {  	s24 =	simm.s32 @!p1 $0x600;
	s0 =	sadd.s32 @!p1 s6, s0;
	[sflag:s22] =	ssyncadd.s32 @!p1 $0xFFFFFA00  }
0x167: {  	[tilespmem:s24], [sflag:$0x4] =	stream.linear.gather @!p1 [hbm4b:s0+s23], $0x600, $0x38;
	[tilespmem:$0x19E00] =	vst v63  }
.Ltmp6:
0x168: {  	_ = 	snop;
	(pc) =	sbr.rel @p0 .LBB2_10-.Ltmp6, $4  }
0x169: {  	_ =	swait.ge @!p1 [sflag:s22], $0x600  }
0x16a: {  	[sflag:s22] =	ssyncset.done @!p1 $0x0  }
0x16b: {  	s0 =	simm.s32 @!p1 $0xC00;
	[sflag:s22] =	ssyncadd.s32 @!p1 $0xFFFFFA00  }
0x16c: {  	[tilespmem:s0], [sflag:$0x1] =	stream.indirect.gather @!p1 [hbm4b:s3+s24], $0x20, s23, s24, $0xb8;
	[tilespmem:$0x19E00] =	vst v63  }
0x16d: {  	_ =	swait.ge [sflag:s18], $0xC000  }
0x16e: {  	[sflag:s18] =	ssyncset.done $0x0  }
0x16f: {  	s24 =	simm.s32 $0x10;
	[sflag:s18] =	ssyncadd.s32 $0xFFFF4000  }
0x170: {  	v1 =	vld [tilespmem:s24+$0xD1F0]  }
0x171: {  	s22 =	simm.s32 $0xDA00;
	v0 =	vld [tilespmem:s24+$0xD200]  }
0x172: {  	v2 =	vld [tilespmem:s22+$0xFFFFFE30]  }
0x173: {  	v3 =	vld [tilespmem:s22+$0xFFFFFE00]  }
0x174: {  	v4 =	vld [tilespmem:s22+$0xFFFFFE10]  }
0x175: {  	v5 =	vld [tilespmem:s22+$0xFFFFFE20]  }
0x176: {  	v7 =	vld [tilespmem:s22+$0xFFFFFE50];
	v6 =	vbroadcast v1, $0x0  }
0x177: {  	v8 =	vld [tilespmem:s22+$0xFFFFFE40]  }
0x178: {  	v10 =	vld [tilespmem:s22+$0xFFFFFE70];
	v9 =	vbroadcast v1, $0x1;
	v3 =	vmul.f32 v3, v6  }
0x179: {  	v4 =	vmul.f32 v4, v6;
	v6 =	vld [tilespmem:s22+$0xFFFFFE60]  }
0x17a: {  	v12 =	vld [tilespmem:s22+$0xFFFFFE90];
	v11 =	vbroadcast v1, $0x2;
	v5 =	vmul.f32 v5, v9;
	v3 =	vadd.f32 $0.0e+00, v3  }
0x17b: {  	v17 =	vld [tilespmem:s22+$0xFFFFFE80];
	v2 =	vmul.f32 v2, v9;
	v4 =	vadd.f32 $0.0e+00, v4  }
0x17c: {  	v20 =	vld [tilespmem:s22+$0xFFFFFEF0];
	v13 =	vbroadcast v1, $0x3;
	v3 =	vadd.f32 v5, v3;
	v5 =	vmul.f32 v8, v11  }
0x17d: {  	v7 =	vmul.f32 v7, v11;
	v2 =	vadd.f32 v2, v4;
	v4 =	vld [tilespmem:s22+$0xFFFFFEA0]  }
0x17e: {  	v18 =	vbroadcast v1, $0x4;
	v8 =	vld [tilespmem:s22+$0xFFFFFEB0];
	v3 =	vadd.f32 v5, v3;
	v5 =	vmul.f32 v6, v13  }
0x17f: {  	v10 =	vmul.f32 v10, v13;
	v2 =	vadd.f32 v7, v2;
	v7 =	vld [tilespmem:s22+$0xFFFFFEC0]  }
0x180: {  	v19 =	vbroadcast v1, $0x5;
	v6 =	vld [tilespmem:s22+$0xFFFFFED0];
	v3 =	vadd.f32 v5, v3;
	v5 =	vmul.f32 v17, v18  }
0x181: {  	v21 =	vld [tilespmem:s22+$0xFFFFFEE0];
	v11 =	vmul.f32 v12, v18;
	v2 =	vadd.f32 v10, v2  }
0x182: {  	v23 =	vld [tilespmem:s22+$0xFFFFFF00];
	v22 =	vbroadcast v1, $0x6;
	v4 =	vmul.f32 v4, v19;
	v3 =	vadd.f32 v5, v3  }
0x183: {  	v26 =	vld [tilespmem:s22+$0xFFFFFF50];
	v8 =	vmul.f32 v8, v19;
	v2 =	vadd.f32 v11, v2  }
0x184: {  	v24 =	vbroadcast v1, $0x7;
	v5 =	vld [tilespmem:s22+$0xFFFFFF10];
	v3 =	vadd.f32 v4, v3;
	v4 =	vmul.f32 v7, v22  }
0x185: {  	v6 =	vmul.f32 v6, v22;
	v2 =	vadd.f32 v8, v2;
	v8 =	vld [tilespmem:s22+$0xFFFFFF20]  }
0x186: {  	v25 =	vbroadcast v1, $0x8;
	v7 =	vld [tilespmem:s22+$0xFFFFFF30];
	v3 =	vadd.f32 v4, v3;
	v4 =	vmul.f32 v21, v24  }
0x187: {  	v9 =	vmul.f32 v20, v24;
	v2 =	vadd.f32 v6, v2;
	v6 =	vld [tilespmem:s22+$0xFFFFFF40]  }
0x188: {  	v28 =	vld [tilespmem:s22+$0xFFFFFF70];
	v27 =	vbroadcast v1, $0x9;
	v3 =	vadd.f32 v4, v3;
	v4 =	vmul.f32 v23, v25  }
0x189: {  	v29 =	vld [tilespmem:s22+$0xFFFFFF60];
	v5 =	vmul.f32 v5, v25;
	v2 =	vadd.f32 v9, v2  }
0x18a: {  	v33 =	vld [tilespmem:s22+$0xFFFFFFD0];
	v30 =	vbroadcast v1, $0xA;
	v3 =	vadd.f32 v4, v3;
	v4 =	vmul.f32 v8, v27  }
0x18b: {  	v7 =	vmul.f32 v7, v27;
	v2 =	vadd.f32 v5, v2;
	v5 =	vld [tilespmem:s22+$0xFFFFFF80]  }
0x18c: {  	v31 =	vbroadcast v1, $0xB;
	v8 =	vld [tilespmem:s22+$0xFFFFFF90];
	v3 =	vadd.f32 v4, v3;
	v4 =	vmul.f32 v6, v30  }
0x18d: {  	v10 =	vmul.f32 v26, v30;
	v2 =	vadd.f32 v7, v2;
	v7 =	vld [tilespmem:s22+$0xFFFFFFA0]  }
0x18e: {  	v32 =	vbroadcast v1, $0xC;
	v6 =	vld [tilespmem:s22+$0xFFFFFFB0];
	v3 =	vadd.f32 v4, v3;
	v4 =	vmul.f32 v29, v31  }
0x18f: {  	v34 =	vld [tilespmem:s22+$0xFFFFFFC0];
	v11 =	vmul.f32 v28, v31;
	v2 =	vadd.f32 v10, v2  }
0x190: {  	v36 =	vld [tilespmem:s22+$0xFFFFFFE0];
	v35 =	vbroadcast v1, $0xD;
	v3 =	vadd.f32 v4, v3;
	v4 =	vmul.f32 v5, v32  }
0x191: {  	v38 =	vld [tilespmem:s22+$0x30];
	v8 =	vmul.f32 v8, v32;
	v2 =	vadd.f32 v11, v2  }
0x192: {  	v37 =	vbroadcast v1, $0xE;
	v5 =	vld [tilespmem:s22+$0xFFFFFFF0];
	v3 =	vadd.f32 v4, v3;
	v4 =	vmul.f32 v7, v35  }
0x193: {  	v6 =	vmul.f32 v6, v35;
	v2 =	vadd.f32 v8, v2;
	v8 =	vld [tilespmem:s22+$0x0]  }
0x194: {  	v1 =	vbroadcast v1, $0xF;
	v7 =	vld [tilespmem:s22+$0x10];
	v3 =	vadd.f32 v4, v3;
	v4 =	vmul.f32 v34, v37  }
0x195: {  	v9 =	vmul.f32 v33, v37;
	v2 =	vadd.f32 v6, v2;
	v6 =	vld [tilespmem:s22+$0x20]  }
0x196: {  	v40 =	vld [tilespmem:s22+$0x50];
	v39 =	vbroadcast v0, $0x0;
	v3 =	vadd.f32 v4, v3;
	v4 =	vmul.f32 v36, v1  }
0x197: {  	v1 =	vmul.f32 v5, v1;
	v2 =	vadd.f32 v9, v2;
	v5 =	vld [tilespmem:s22+$0x40]  }
0x198: {  	v44 =	vld [tilespmem:s22+$0xA0];
	v41 =	vbroadcast v0, $0x1;
	v3 =	vadd.f32 v4, v3;
	v4 =	vmul.f32 v8, v39  }
0x199: {  	v7 =	vmul.f32 v7, v39;
	v1 =	vadd.f32 v1, v2;
	v2 =	vld [tilespmem:s22+$0x60]  }
0x19a: {  	v42 =	vbroadcast v0, $0x2;
	v8 =	vld [tilespmem:s22+$0x70];
	v3 =	vadd.f32 v4, v3;
	v4 =	vmul.f32 v6, v41  }
0x19b: {  	v9 =	vmul.f32 v38, v41;
	v1 =	vadd.f32 v7, v1;
	v7 =	vld [tilespmem:s22+$0x80]  }
0x19c: {  	v43 =	vbroadcast v0, $0x3;
	v6 =	vld [tilespmem:s22+$0x90];
	v3 =	vadd.f32 v4, v3;
	v4 =	vmul.f32 v5, v42  }
0x19d: {  	v46 =	vld [tilespmem:s22+$0xC0];
	v11 =	vmul.f32 v40, v42;
	v1 =	vadd.f32 v9, v1  }
0x19e: {  	v45 =	vbroadcast v0, $0x4;
	v5 =	vld [tilespmem:s22+$0xB0];
	v2 =	vmul.f32 v2, v43;
	v3 =	vadd.f32 v4, v3  }
0x19f: {  	v49 =	vld [tilespmem:s22+$0x110];
	v8 =	vmul.f32 v8, v43;
	v1 =	vadd.f32 v11, v1  }
0x1a0: {  	v47 =	vbroadcast v0, $0x5;
	v4 =	vld [tilespmem:s22+$0xD0];
	v2 =	vadd.f32 v2, v3;
	v3 =	vmul.f32 v7, v45  }
0x1a1: {  	v6 =	vmul.f32 v6, v45;
	v1 =	vadd.f32 v8, v1;
	v8 =	vld [tilespmem:s22+$0xE0]  }
0x1a2: {  	v48 =	vbroadcast v0, $0x6;
	v7 =	vld [tilespmem:s22+$0xF0];
	v2 =	vadd.f32 v3, v2;
	v3 =	vmul.f32 v44, v47  }
0x1a3: {  	v5 =	vmul.f32 v5, v47;
	v1 =	vadd.f32 v6, v1;
	v6 =	vld [tilespmem:s22+$0x100]  }
0x1a4: {  	v51 =	vld [tilespmem:s22+$0x130];
	v50 =	vbroadcast v0, $0x7;
	v2 =	vadd.f32 v3, v2;
	v3 =	vmul.f32 v46, v48  }
0x1a5: {  	v4 =	vmul.f32 v4, v48;
	v1 =	vadd.f32 v5, v1;
	v5 =	vld [tilespmem:s22+$0x120]  }
0x1a6: {  	v55 =	vld [tilespmem:s22+$0x180];
	v52 =	vbroadcast v0, $0x8;
	v2 =	vadd.f32 v3, v2;
	v3 =	vmul.f32 v8, v50  }
0x1a7: {  	v7 =	vmul.f32 v7, v50;
	v1 =	vadd.f32 v4, v1;
	v4 =	vld [tilespmem:s22+$0x140]  }
0x1a8: {  	v53 =	vbroadcast v0, $0x9;
	v8 =	vld [tilespmem:s22+$0x150];
	v2 =	vadd.f32 v3, v2;
	v3 =	vmul.f32 v6, v52  }
0x1a9: {  	v9 =	vmul.f32 v49, v52;
	v1 =	vadd.f32 v7, v1;
	v7 =	vld [tilespmem:s22+$0x160]  }
0x1aa: {  	v54 =	vbroadcast v0, $0xA;
	v6 =	vld [tilespmem:s22+$0x170];
	v2 =	vadd.f32 v3, v2;
	v3 =	vmul.f32 v5, v53  }
0x1ab: {  	v57 =	vld [tilespmem:s22+$0x1A0];
	v10 =	vmul.f32 v51, v53;
	v1 =	vadd.f32 v9, v1  }
0x1ac: {  	v56 =	vbroadcast v0, $0xB;
	v5 =	vld [tilespmem:s22+$0x190];
	v2 =	vadd.f32 v3, v2;
	v3 =	vmul.f32 v4, v54  }
0x1ad: {  	v60 =	vld [tilespmem:s22+$0x1F0];
	v8 =	vmul.f32 v8, v54;
	v1 =	vadd.f32 v10, v1  }
0x1ae: {  	v58 =	vbroadcast v0, $0xC;
	v4 =	vld [tilespmem:s22+$0x1B0];
	v2 =	vadd.f32 v3, v2;
	v3 =	vmul.f32 v7, v56  }
0x1af: {  	v6 =	vmul.f32 v6, v56;
	v1 =	vadd.f32 v8, v1;
	v8 =	vld [tilespmem:s22+$0x1C0]  }
0x1b0: {  	v59 =	vbroadcast v0, $0xD;
	v7 =	vld [tilespmem:s22+$0x1D0];
	v2 =	vadd.f32 v3, v2;
	v3 =	vmul.f32 v55, v58  }
0x1b1: {  	v5 =	vmul.f32 v5, v58;
	v1 =	vadd.f32 v6, v1;
	v6 =	vld [tilespmem:s22+$0x1E0]  }
0x1b2: {  	v61 =	vbroadcast v0, $0xE;
	v2 =	vadd.f32 v3, v2;
	v3 =	vmul.f32 v57, v59  }
0x1b3: {  	v4 =	vmul.f32 v4, v59;
	v5 =	vadd.f32 v5, v1  }
0x1b4: {  	v62 =	vbroadcast v0, $0xF;
	s22 =	simm.s32 $0x30;
	v8 =	vmul.f32 v8, v61;
	v63 =	vadd.f32 v3, v2  }
0x1b5: {  	s26 =	simm.s32 $0x140;
	v0 =	vld [tilespmem:s22+$0xD200];
	v1 =	vmul.f32 v7, v61;
	v3 =	vadd.f32 v4, v5  }
0x1b6: {  	s29 =	simm.s32 $0x1C0;
	s23 =	simm.s32 $0xDE00;
	s25 =	simm.s32 $0xDE00;
	v2 =	vld [tilespmem:s22+$0xD1F0];
	v4 =	vmul.f32 v60, v62;
	v6 =	vmul.f32 v6, v62;
	v5 =	vadd.f32 v8, v63  }
.LBB2_8:
0x1b7: {  	s0 =	sshra.s32 s26, $0x2  }
0x1b8: {  	s23 =	sadd.s32 $0x400, s23;
	v7 =	vadd.f32 v1, v3;
	s26 =	smov.u32 s29;
	s28 =	sadd.s32 $0x80, s29  }
0x1b9: {  	p0 =	sne.s32 s29, $0x17C0;
	v3 =	vld [tilespmem:s0+$0xD1F0];
	v5 =	vadd.f32 v6, v5  }
0x1ba: {  	v1 =	vld [tilespmem:s0+$0xD200];
	v4 =	vadd.f32 v4, v7  }
0x1bb: {  	[tilespmem:s24+$0x197F0] =	vst v5  }
0x1bc: {  	[tilespmem:s24+$0x19800] =	vst v4;
	s24 =	smov.u32 s22;
	s22 =	smov.u32 s0  }
0x1bd: {  	v4 =	vld [tilespmem:s25+$0xFFFFFE30]  }
0x1be: {  	v5 =	vld [tilespmem:s25+$0xFFFFFE00]  }
0x1bf: {  	v6 =	vld [tilespmem:s25+$0xFFFFFE10]  }
0x1c0: {  	v7 =	vld [tilespmem:s25+$0xFFFFFE20]  }
0x1c1: {  	v8 =	vbroadcast v2, $0x0;
	v9 =	vld [tilespmem:s25+$0xFFFFFE50]  }
0x1c2: {  	v10 =	vld [tilespmem:s25+$0xFFFFFE40]  }
0x1c3: {  	v11 =	vbroadcast v2, $0x1;
	v5 =	vmul.f32 v5, v8;
	v12 =	vld [tilespmem:s25+$0xFFFFFE70]  }
0x1c4: {  	v6 =	vmul.f32 v6, v8;
	v8 =	vbroadcast v2, $0x2;
	v13 =	vld [tilespmem:s25+$0xFFFFFE60]  }
0x1c5: {  	v4 =	vmul.f32 v4, v11;
	v5 =	vadd.f32 $0.0e+00, v5;
	v7 =	vmul.f32 v7, v11;
	v11 =	vld [tilespmem:s25+$0xFFFFFE90]  }
0x1c6: {  	v14 =	vbroadcast v2, $0x3;
	v6 =	vadd.f32 $0.0e+00, v6;
	v15 =	vld [tilespmem:s25+$0xFFFFFE80]  }
0x1c7: {  	v5 =	vadd.f32 v7, v5;
	v7 =	vmul.f32 v10, v8;
	v8 =	vmul.f32 v9, v8;
	v9 =	vld [tilespmem:s25+$0xFFFFFEB0]  }
0x1c8: {  	v4 =	vadd.f32 v4, v6;
	v6 =	vbroadcast v2, $0x4;
	v10 =	vld [tilespmem:s25+$0xFFFFFEA0]  }
0x1c9: {  	v12 =	vmul.f32 v12, v14;
	v5 =	vadd.f32 v7, v5;
	v7 =	vmul.f32 v13, v14;
	v13 =	vld [tilespmem:s25+$0xFFFFFED0]  }
0x1ca: {  	v4 =	vadd.f32 v8, v4;
	v8 =	vbroadcast v2, $0x5;
	v14 =	vld [tilespmem:s25+$0xFFFFFEC0]  }
0x1cb: {  	v5 =	vadd.f32 v7, v5;
	v7 =	vmul.f32 v15, v6;
	v6 =	vmul.f32 v11, v6;
	v11 =	vld [tilespmem:s25+$0xFFFFFEF0]  }
0x1cc: {  	v4 =	vadd.f32 v12, v4;
	v12 =	vbroadcast v2, $0x6;
	v15 =	vld [tilespmem:s25+$0xFFFFFEE0]  }
0x1cd: {  	v5 =	vadd.f32 v7, v5;
	v7 =	vmul.f32 v10, v8;
	v8 =	vmul.f32 v9, v8;
	v9 =	vld [tilespmem:s25+$0xFFFFFF10]  }
0x1ce: {  	v4 =	vadd.f32 v6, v4;
	v6 =	vbroadcast v2, $0x7;
	v10 =	vld [tilespmem:s25+$0xFFFFFF00]  }
0x1cf: {  	v5 =	vadd.f32 v7, v5;
	v7 =	vmul.f32 v14, v12;
	v12 =	vmul.f32 v13, v12;
	v13 =	vld [tilespmem:s25+$0xFFFFFF30]  }
0x1d0: {  	v4 =	vadd.f32 v8, v4;
	v8 =	vbroadcast v2, $0x8;
	v14 =	vld [tilespmem:s25+$0xFFFFFF20]  }
0x1d1: {  	v5 =	vadd.f32 v7, v5;
	v7 =	vmul.f32 v15, v6;
	v6 =	vmul.f32 v11, v6;
	v11 =	vld [tilespmem:s25+$0xFFFFFF50]  }
0x1d2: {  	v4 =	vadd.f32 v12, v4;
	v12 =	vbroadcast v2, $0x9;
	v15 =	vld [tilespmem:s25+$0xFFFFFF40]  }
0x1d3: {  	v5 =	vadd.f32 v7, v5;
	v7 =	vmul.f32 v10, v8;
	v8 =	vmul.f32 v9, v8;
	v9 =	vld [tilespmem:s25+$0xFFFFFF70]  }
0x1d4: {  	v4 =	vadd.f32 v6, v4;
	v6 =	vbroadcast v2, $0xA;
	v10 =	vld [tilespmem:s25+$0xFFFFFF60]  }
0x1d5: {  	v5 =	vadd.f32 v7, v5;
	v7 =	vmul.f32 v14, v12;
	v12 =	vmul.f32 v13, v12;
	v13 =	vld [tilespmem:s25+$0xFFFFFF90]  }
0x1d6: {  	v4 =	vadd.f32 v8, v4;
	v8 =	vbroadcast v2, $0xB;
	v14 =	vld [tilespmem:s25+$0xFFFFFF80]  }
0x1d7: {  	v5 =	vadd.f32 v7, v5;
	v7 =	vmul.f32 v15, v6;
	v6 =	vmul.f32 v11, v6;
	v11 =	vld [tilespmem:s25+$0xFFFFFFB0]  }
0x1d8: {  	v4 =	vadd.f32 v12, v4;
	v12 =	vbroadcast v2, $0xC;
	v15 =	vld [tilespmem:s25+$0xFFFFFFA0]  }
0x1d9: {  	v5 =	vadd.f32 v7, v5;
	v7 =	vmul.f32 v10, v8;
	v8 =	vmul.f32 v9, v8;
	v9 =	vld [tilespmem:s25+$0xFFFFFFD0]  }
0x1da: {  	v4 =	vadd.f32 v6, v4;
	v6 =	vbroadcast v2, $0xD;
	v10 =	vld [tilespmem:s25+$0xFFFFFFC0]  }
0x1db: {  	v5 =	vadd.f32 v7, v5;
	v7 =	vmul.f32 v14, v12;
	v12 =	vmul.f32 v13, v12;
	v13 =	vld [tilespmem:s25+$0xFFFFFFF0]  }
0x1dc: {  	v4 =	vadd.f32 v8, v4;
	v8 =	vbroadcast v2, $0xE;
	v14 =	vld [tilespmem:s25+$0xFFFFFFE0]  }
0x1dd: {  	v5 =	vadd.f32 v7, v5;
	v7 =	vmul.f32 v15, v6;
	v6 =	vmul.f32 v11, v6;
	v11 =	vld [tilespmem:s25+$0x10]  }
0x1de: {  	v4 =	vadd.f32 v12, v4;
	v12 =	vbroadcast v2, $0xF;
	v15 =	vld [tilespmem:s25+$0x0];
	v2 =	vmov v3  }
0x1df: {  	v3 =	vadd.f32 v7, v5;
	v5 =	vmul.f32 v10, v8;
	v7 =	vmul.f32 v9, v8;
	v8 =	vld [tilespmem:s25+$0x30]  }
0x1e0: {  	v4 =	vadd.f32 v6, v4;
	v6 =	vbroadcast v0, $0x0;
	v9 =	vld [tilespmem:s25+$0x20]  }
0x1e1: {  	v10 =	vmul.f32 v13, v12;
	v3 =	vadd.f32 v5, v3;
	v5 =	vmul.f32 v14, v12;
	v12 =	vld [tilespmem:s25+$0x50]  }
0x1e2: {  	v4 =	vadd.f32 v7, v4;
	v7 =	vbroadcast v0, $0x1;
	v13 =	vld [tilespmem:s25+$0x40]  }
0x1e3: {  	v3 =	vadd.f32 v5, v3;
	v5 =	vmul.f32 v15, v6;
	v6 =	vmul.f32 v11, v6;
	v11 =	vld [tilespmem:s25+$0x70]  }
0x1e4: {  	v4 =	vadd.f32 v10, v4;
	v10 =	vbroadcast v0, $0x2;
	v14 =	vld [tilespmem:s25+$0x60]  }
0x1e5: {  	v3 =	vadd.f32 v5, v3;
	v5 =	vmul.f32 v9, v7;
	v7 =	vmul.f32 v8, v7;
	v8 =	vld [tilespmem:s25+$0x90]  }
0x1e6: {  	v4 =	vadd.f32 v6, v4;
	v6 =	vbroadcast v0, $0x3;
	v9 =	vld [tilespmem:s25+$0x80]  }
0x1e7: {  	v3 =	vadd.f32 v5, v3;
	v5 =	vmul.f32 v13, v10;
	v10 =	vmul.f32 v12, v10;
	v12 =	vld [tilespmem:s25+$0xB0]  }
0x1e8: {  	v4 =	vadd.f32 v7, v4;
	v7 =	vbroadcast v0, $0x4;
	v13 =	vld [tilespmem:s25+$0xA0]  }
0x1e9: {  	v3 =	vadd.f32 v5, v3;
	v5 =	vmul.f32 v14, v6;
	v6 =	vmul.f32 v11, v6;
	v11 =	vld [tilespmem:s25+$0xD0]  }
0x1ea: {  	v4 =	vadd.f32 v10, v4;
	v10 =	vbroadcast v0, $0x5;
	v14 =	vld [tilespmem:s25+$0xC0]  }
0x1eb: {  	v3 =	vadd.f32 v5, v3;
	v5 =	vmul.f32 v9, v7;
	v7 =	vmul.f32 v8, v7;
	v8 =	vld [tilespmem:s25+$0xF0]  }
0x1ec: {  	v4 =	vadd.f32 v6, v4;
	v6 =	vbroadcast v0, $0x6;
	v9 =	vld [tilespmem:s25+$0xE0]  }
0x1ed: {  	v3 =	vadd.f32 v5, v3;
	v5 =	vmul.f32 v13, v10;
	v10 =	vmul.f32 v12, v10;
	v12 =	vld [tilespmem:s25+$0x110]  }
0x1ee: {  	v4 =	vadd.f32 v7, v4;
	v7 =	vbroadcast v0, $0x7;
	v13 =	vld [tilespmem:s25+$0x100]  }
0x1ef: {  	v3 =	vadd.f32 v5, v3;
	v5 =	vmul.f32 v14, v6;
	v6 =	vmul.f32 v11, v6;
	v11 =	vld [tilespmem:s25+$0x130]  }
0x1f0: {  	v4 =	vadd.f32 v10, v4;
	v10 =	vbroadcast v0, $0x8;
	v14 =	vld [tilespmem:s25+$0x120]  }
0x1f1: {  	v3 =	vadd.f32 v5, v3;
	v5 =	vmul.f32 v9, v7;
	v7 =	vmul.f32 v8, v7;
	v8 =	vld [tilespmem:s25+$0x150]  }
0x1f2: {  	v4 =	vadd.f32 v6, v4;
	v6 =	vbroadcast v0, $0x9;
	v9 =	vld [tilespmem:s25+$0x140]  }
0x1f3: {  	v3 =	vadd.f32 v5, v3;
	v5 =	vmul.f32 v13, v10;
	v10 =	vmul.f32 v12, v10;
	v12 =	vld [tilespmem:s25+$0x170]  }
0x1f4: {  	v4 =	vadd.f32 v7, v4;
	v7 =	vbroadcast v0, $0xA;
	v13 =	vld [tilespmem:s25+$0x160]  }
0x1f5: {  	v3 =	vadd.f32 v5, v3;
	v5 =	vmul.f32 v14, v6;
	v6 =	vmul.f32 v11, v6;
	v11 =	vld [tilespmem:s25+$0x190]  }
0x1f6: {  	v4 =	vadd.f32 v10, v4;
	v10 =	vbroadcast v0, $0xB;
	v14 =	vld [tilespmem:s25+$0x180]  }
0x1f7: {  	v3 =	vadd.f32 v5, v3;
	v5 =	vmul.f32 v9, v7;
	v7 =	vmul.f32 v8, v7;
	v8 =	vld [tilespmem:s25+$0x1B0]  }
0x1f8: {  	v4 =	vadd.f32 v6, v4;
	v6 =	vbroadcast v0, $0xC;
	v9 =	vld [tilespmem:s25+$0x1A0]  }
0x1f9: {  	v3 =	vadd.f32 v5, v3;
	v5 =	vmul.f32 v13, v10;
	v10 =	vmul.f32 v12, v10;
	v12 =	vld [tilespmem:s25+$0x1D0]  }
0x1fa: {  	v4 =	vadd.f32 v7, v4;
	v7 =	vbroadcast v0, $0xD;
	v13 =	vld [tilespmem:s25+$0x1C0]  }
0x1fb: {  	v3 =	vadd.f32 v5, v3;
	v5 =	vmul.f32 v14, v6;
	v6 =	vmul.f32 v11, v6;
	v11 =	vld [tilespmem:s25+$0x1F0]  }
0x1fc: {  	v4 =	vadd.f32 v10, v4;
	v10 =	vbroadcast v0, $0xE;
	v14 =	vld [tilespmem:s25+$0x1E0];
	s25 =	smov.u32 s23  }
.Ltmp7:
0x1fd: {  	v3 =	vadd.f32 v5, v3;
	v5 =	vmul.f32 v9, v7;
	v7 =	vmul.f32 v8, v7;
	(pc) =	sbr.rel @p0 .LBB2_8-.Ltmp7, $4  }
0x1fe: {  	v8 =	vbroadcast v0, $0xF;
	v0 =	vmov v1;
	v4 =	vadd.f32 v6, v4  }
0x1ff: {  	v1 =	vmul.f32 v12, v10;
	v5 =	vadd.f32 v5, v3;
	v6 =	vmul.f32 v13, v10  }
0x200: {  	v3 =	vadd.f32 v7, v4  }
0x201: {  	s29 =	smov.u32 s28;
	v4 =	vmul.f32 v11, v8;
	v5 =	vadd.f32 v6, v5;
	v6 =	vmul.f32 v14, v8  }
0x202: {  	v7 =	vadd.f32 v1, v3  }
0x203: {  	s26 =	sshra.s32 s26, $0x2;
	v5 =	vadd.f32 v6, v5  }
0x204: {  	v3 =	vld [tilespmem:s26+$0xD1F0];
	v4 =	vadd.f32 v4, v7  }
0x205: {  	v1 =	vld [tilespmem:s26+$0xD200];
	[tilespmem:s24+$0x197F0] =	vst v5  }
0x206: {  	[tilespmem:s24+$0x19800] =	vst v4  }
0x207: {  	v4 =	vld [tilespmem:s25+$0xFFFFFE00]  }
0x208: {  	v5 =	vld [tilespmem:s25+$0xFFFFFE10]  }
0x209: {  	v56 =	vld [tilespmem:s25+$0xFFFFFE20]  }
0x20a: {  	v8 =	vbroadcast v2, $0x0;
	v57 =	vld [tilespmem:s25+$0xFFFFFE30]  }
0x20b: {  	v9 =	vld [tilespmem:s25+$0xFFFFFE40]  }
0x20c: {  	v11 =	vbroadcast v2, $0x1;
	v10 =	vld [tilespmem:s25+$0xFFFFFE50];
	v4 =	vmul.f32 v4, v8  }
0x20d: {  	v58 =	vld [tilespmem:s25+$0xFFFFFE60];
	v5 =	vmul.f32 v5, v8  }
0x20e: {  	v13 =	vbroadcast v2, $0x2;
	v12 =	vld [tilespmem:s25+$0xFFFFFE70];
	v6 =	vmul.f32 v56, v11;
	v4 =	vadd.f32 $0.0e+00, v4  }
0x20f: {  	v59 =	vld [tilespmem:s25+$0xFFFFFE80];
	v7 =	vmul.f32 v57, v11;
	v5 =	vadd.f32 $0.0e+00, v5  }
0x210: {  	v15 =	vbroadcast v2, $0x3;
	v14 =	vld [tilespmem:s25+$0xFFFFFE90];
	v60 =	vmul.f32 v9, v13;
	v4 =	vadd.f32 v6, v4  }
0x211: {  	v62 =	vld [tilespmem:s25+$0xFFFFFEA0];
	v61 =	vmul.f32 v10, v13;
	v5 =	vadd.f32 v7, v5  }
0x212: {  	v18 =	vbroadcast v2, $0x4;
	v63 =	vld [tilespmem:s25+$0xFFFFFEB0];
	v19 =	vmul.f32 v58, v15;
	v4 =	vadd.f32 v60, v4  }
0x213: {  	v21 =	vld [tilespmem:s25+$0xFFFFFEC0];
	v20 =	vmul.f32 v12, v15;
	v5 =	vadd.f32 v61, v5  }
0x214: {  	v23 =	vbroadcast v2, $0x5;
	v22 =	vld [tilespmem:s25+$0xFFFFFED0];
	v24 =	vmul.f32 v59, v18;
	v4 =	vadd.f32 v19, v4  }
0x215: {  	v26 =	vld [tilespmem:s25+$0xFFFFFEE0];
	v25 =	vmul.f32 v14, v18;
	v5 =	vadd.f32 v20, v5  }
0x216: {  	v28 =	vbroadcast v2, $0x6;
	v27 =	vld [tilespmem:s25+$0xFFFFFEF0];
	v29 =	vmul.f32 v62, v23;
	v4 =	vadd.f32 v24, v4  }
0x217: {  	v31 =	vld [tilespmem:s25+$0xFFFFFF00];
	v30 =	vmul.f32 v63, v23;
	v5 =	vadd.f32 v25, v5  }
0x218: {  	v33 =	vbroadcast v2, $0x7;
	v32 =	vld [tilespmem:s25+$0xFFFFFF10];
	v34 =	vmul.f32 v21, v28;
	v4 =	vadd.f32 v29, v4  }
0x219: {  	v36 =	vld [tilespmem:s25+$0xFFFFFF20];
	v35 =	vmul.f32 v22, v28;
	v5 =	vadd.f32 v30, v5  }
0x21a: {  	v38 =	vbroadcast v2, $0x8;
	v37 =	vld [tilespmem:s25+$0xFFFFFF30];
	v39 =	vmul.f32 v26, v33;
	v4 =	vadd.f32 v34, v4  }
0x21b: {  	v41 =	vld [tilespmem:s25+$0xFFFFFF40];
	v40 =	vmul.f32 v27, v33;
	v5 =	vadd.f32 v35, v5  }
0x21c: {  	v43 =	vbroadcast v2, $0x9;
	v42 =	vld [tilespmem:s25+$0xFFFFFF50];
	v44 =	vmul.f32 v31, v38;
	v4 =	vadd.f32 v39, v4  }
0x21d: {  	v46 =	vld [tilespmem:s25+$0xFFFFFF60];
	v45 =	vmul.f32 v32, v38;
	v5 =	vadd.f32 v40, v5  }
0x21e: {  	v48 =	vbroadcast v2, $0xA;
	v47 =	vld [tilespmem:s25+$0xFFFFFF70];
	v49 =	vmul.f32 v36, v43;
	v4 =	vadd.f32 v44, v4  }
0x21f: {  	v51 =	vld [tilespmem:s25+$0xFFFFFF80];
	v50 =	vmul.f32 v37, v43;
	v5 =	vadd.f32 v45, v5  }
0x220: {  	v53 =	vbroadcast v2, $0xB;
	v52 =	vld [tilespmem:s25+$0xFFFFFF90];
	v54 =	vmul.f32 v41, v48;
	v4 =	vadd.f32 v49, v4  }
0x221: {  	v55 =	vmul.f32 v42, v48;
	v56 =	vld [tilespmem:s25+$0xFFFFFFA0];
	v5 =	vadd.f32 v50, v5  }
0x222: {  	v57 =	vld [tilespmem:s25+$0xFFFFFFB0];
	v58 =	vbroadcast v2, $0xC;
	v59 =	vmul.f32 v46, v53;
	v4 =	vadd.f32 v54, v4  }
0x223: {  	v60 =	vmul.f32 v47, v53;
	v61 =	vld [tilespmem:s25+$0xFFFFFFC0];
	v5 =	vadd.f32 v55, v5  }
0x224: {  	v62 =	vld [tilespmem:s25+$0xFFFFFFD0];
	v63 =	vbroadcast v2, $0xD;
	v18 =	vmul.f32 v51, v58;
	v4 =	vadd.f32 v59, v4  }
0x225: {  	v19 =	vmul.f32 v52, v58;
	v20 =	vld [tilespmem:s25+$0xFFFFFFE0];
	v5 =	vadd.f32 v60, v5  }
0x226: {  	v21 =	vld [tilespmem:s25+$0xFFFFFFF0];
	v22 =	vbroadcast v2, $0xE;
	v23 =	vmul.f32 v56, v63;
	v4 =	vadd.f32 v18, v4  }
0x227: {  	v24 =	vmul.f32 v57, v63;
	v25 =	vld [tilespmem:s25+$0x0];
	v5 =	vadd.f32 v19, v5  }
0x228: {  	v26 =	vld [tilespmem:s25+$0x10];
	v27 =	vbroadcast v2, $0xF;
	v28 =	vmul.f32 v61, v22;
	v4 =	vadd.f32 v23, v4  }
0x229: {  	v29 =	vmul.f32 v62, v22;
	v30 =	vld [tilespmem:s25+$0x20];
	v5 =	vadd.f32 v24, v5  }
0x22a: {  	v31 =	vld [tilespmem:s25+$0x30];
	v32 =	vbroadcast v0, $0x0;
	v33 =	vmul.f32 v20, v27;
	v4 =	vadd.f32 v28, v4  }
0x22b: {  	v2 =	vmul.f32 v21, v27;
	v34 =	vld [tilespmem:s25+$0x40];
	v5 =	vadd.f32 v29, v5  }
0x22c: {  	v36 =	vbroadcast v0, $0x1;
	v35 =	vld [tilespmem:s25+$0x50];
	v37 =	vmul.f32 v25, v32;
	v4 =	vadd.f32 v33, v4  }
0x22d: {  	v38 =	vmul.f32 v26, v32;
	v39 =	vld [tilespmem:s25+$0x60];
	v2 =	vadd.f32 v2, v5  }
0x22e: {  	v41 =	vbroadcast v0, $0x2;
	v40 =	vld [tilespmem:s25+$0x70];
	v42 =	vmul.f32 v30, v36;
	v4 =	vadd.f32 v37, v4  }
0x22f: {  	v43 =	vmul.f32 v31, v36;
	v44 =	vld [tilespmem:s25+$0x80];
	v2 =	vadd.f32 v38, v2  }
0x230: {  	v46 =	vbroadcast v0, $0x3;
	v45 =	vld [tilespmem:s25+$0x90];
	v47 =	vmul.f32 v34, v41;
	v4 =	vadd.f32 v42, v4  }
0x231: {  	v48 =	vmul.f32 v35, v41;
	v49 =	vld [tilespmem:s25+$0xA0];
	v2 =	vadd.f32 v43, v2  }
0x232: {  	v51 =	vbroadcast v0, $0x4;
	v50 =	vld [tilespmem:s25+$0xB0];
	v5 =	vmul.f32 v39, v46;
	v4 =	vadd.f32 v47, v4  }
0x233: {  	v53 =	vld [tilespmem:s25+$0xC0];
	v52 =	vmul.f32 v40, v46;
	v2 =	vadd.f32 v48, v2  }
0x234: {  	v54 =	vld [tilespmem:s25+$0xD0];
	v55 =	vbroadcast v0, $0x5;
	v56 =	vmul.f32 v44, v51;
	v4 =	vadd.f32 v5, v4  }
0x235: {  	v58 =	vld [tilespmem:s25+$0xE0];
	v57 =	vmul.f32 v45, v51;
	v2 =	vadd.f32 v52, v2  }
0x236: {  	v59 =	vld [tilespmem:s25+$0xF0];
	v60 =	vbroadcast v0, $0x6;
	v61 =	vmul.f32 v49, v55;
	v4 =	vadd.f32 v56, v4  }
0x237: {  	v63 =	vld [tilespmem:s25+$0x100];
	v62 =	vmul.f32 v50, v55;
	v2 =	vadd.f32 v57, v2  }
0x238: {  	v17 =	vbroadcast v0, $0x7;
	v16 =	vld [tilespmem:s25+$0x110];
	v18 =	vmul.f32 v53, v60;
	v4 =	vadd.f32 v61, v4  }
0x239: {  	v20 =	vld [tilespmem:s25+$0x120];
	v19 =	vmul.f32 v54, v60;
	v2 =	vadd.f32 v62, v2  }
0x23a: {  	v21 =	vld [tilespmem:s25+$0x130];
	v22 =	vbroadcast v0, $0x8;
	v23 =	vmul.f32 v58, v17;
	v4 =	vadd.f32 v18, v4  }
0x23b: {  	v25 =	vld [tilespmem:s25+$0x140];
	v24 =	vmul.f32 v59, v17;
	v2 =	vadd.f32 v19, v2  }
0x23c: {  	v26 =	vld [tilespmem:s25+$0x150];
	v27 =	vbroadcast v0, $0x9;
	v28 =	vmul.f32 v63, v22;
	v4 =	vadd.f32 v23, v4  }
0x23d: {  	v30 =	vld [tilespmem:s25+$0x160];
	v29 =	vmul.f32 v16, v22;
	v2 =	vadd.f32 v24, v2  }
0x23e: {  	v31 =	vld [tilespmem:s25+$0x170];
	v32 =	vbroadcast v0, $0xA;
	v33 =	vmul.f32 v20, v27;
	v4 =	vadd.f32 v28, v4  }
0x23f: {  	v34 =	vmul.f32 v21, v27;
	v35 =	vld [tilespmem:s25+$0x180];
	v2 =	vadd.f32 v29, v2  }
0x240: {  	v36 =	vld [tilespmem:s25+$0x190];
	v37 =	vbroadcast v0, $0xB;
	v38 =	vmul.f32 v25, v32;
	v4 =	vadd.f32 v33, v4  }
0x241: {  	v40 =	vld [tilespmem:s25+$0x1A0];
	v39 =	vmul.f32 v26, v32;
	v2 =	vadd.f32 v34, v2  }
0x242: {  	v41 =	vld [tilespmem:s25+$0x1B0];
	v42 =	vbroadcast v0, $0xC;
	v43 =	vmul.f32 v30, v37;
	v4 =	vadd.f32 v38, v4  }
0x243: {  	v45 =	vld [tilespmem:s25+$0x1C0];
	v44 =	vmul.f32 v31, v37;
	v2 =	vadd.f32 v39, v2  }
0x244: {  	v46 =	vld [tilespmem:s25+$0x1D0];
	v47 =	vbroadcast v0, $0xD;
	v48 =	vmul.f32 v35, v42;
	v4 =	vadd.f32 v43, v4  }
0x245: {  	v50 =	vld [tilespmem:s25+$0x1E0];
	v49 =	vmul.f32 v36, v42;
	v2 =	vadd.f32 v44, v2  }
0x246: {  	v51 =	vld [tilespmem:s25+$0x1F0];
	v52 =	vbroadcast v0, $0xE;
	v53 =	vmul.f32 v40, v47;
	v4 =	vadd.f32 v48, v4  }
0x247: {  	v54 =	vmul.f32 v41, v47;
	v2 =	vadd.f32 v49, v2  }
0x248: {  	v55 =	vbroadcast v0, $0xF;
	v56 =	vmul.f32 v45, v52;
	v4 =	vadd.f32 v53, v4  }
0x249: {  	v57 =	vmul.f32 v46, v52;
	v2 =	vadd.f32 v54, v2  }
0x24a: {  	v58 =	vmul.f32 v50, v55;
	v4 =	vadd.f32 v56, v4  }
0x24b: {  	v0 =	vmul.f32 v51, v55;
	v2 =	vadd.f32 v57, v2  }
0x24c: {  	v4 =	vadd.f32 v58, v4  }
0x24d: {  	v0 =	vadd.f32 v0, v2  }
0x24e: {  	[tilespmem:s22+$0x197F0] =	vst v4  }
0x24f: {  	s23 =	sadd.s32 $0x400, s23;
	[tilespmem:s22+$0x19800] =	vst v0  }
0x250: {  	v0 =	vld [tilespmem:s23+$0xFFFFFE00]  }
0x251: {  	v59 =	vld [tilespmem:s23+$0xFFFFFE10]  }
0x252: {  	v4 =	vld [tilespmem:s23+$0xFFFFFE20]  }
0x253: {  	v61 =	vbroadcast v3, $0x0;
	v60 =	vld [tilespmem:s23+$0xFFFFFE30]  }
0x254: {  	v62 =	vld [tilespmem:s23+$0xFFFFFE40]  }
0x255: {  	v16 =	vbroadcast v3, $0x1;
	v63 =	vld [tilespmem:s23+$0xFFFFFE50];
	v0 =	vmul.f32 v0, v61  }
0x256: {  	v17 =	vld [tilespmem:s23+$0xFFFFFE60];
	v2 =	vmul.f32 v59, v61  }
0x257: {  	v19 =	vbroadcast v3, $0x2;
	v18 =	vld [tilespmem:s23+$0xFFFFFE70];
	v4 =	vmul.f32 v4, v16;
	v0 =	vadd.f32 $0.0e+00, v0  }
0x258: {  	v20 =	vld [tilespmem:s23+$0xFFFFFE80];
	v5 =	vmul.f32 v60, v16;
	v2 =	vadd.f32 $0.0e+00, v2  }
0x259: {  	v22 =	vbroadcast v3, $0x3;
	v21 =	vld [tilespmem:s23+$0xFFFFFE90];
	v23 =	vmul.f32 v62, v19;
	v0 =	vadd.f32 v4, v0  }
0x25a: {  	v25 =	vld [tilespmem:s23+$0xFFFFFEA0];
	v24 =	vmul.f32 v63, v19;
	v2 =	vadd.f32 v5, v2  }
0x25b: {  	v27 =	vbroadcast v3, $0x4;
	v26 =	vld [tilespmem:s23+$0xFFFFFEB0];
	v28 =	vmul.f32 v17, v22;
	v0 =	vadd.f32 v23, v0  }
0x25c: {  	v30 =	vld [tilespmem:s23+$0xFFFFFEC0];
	v29 =	vmul.f32 v18, v22;
	v2 =	vadd.f32 v24, v2  }
0x25d: {  	v32 =	vbroadcast v3, $0x5;
	v31 =	vld [tilespmem:s23+$0xFFFFFED0];
	v33 =	vmul.f32 v20, v27;
	v0 =	vadd.f32 v28, v0  }
0x25e: {  	v35 =	vld [tilespmem:s23+$0xFFFFFEE0];
	v34 =	vmul.f32 v21, v27;
	v2 =	vadd.f32 v29, v2  }
0x25f: {  	v37 =	vbroadcast v3, $0x6;
	v36 =	vld [tilespmem:s23+$0xFFFFFEF0];
	v38 =	vmul.f32 v25, v32;
	v0 =	vadd.f32 v33, v0  }
0x260: {  	v40 =	vld [tilespmem:s23+$0xFFFFFF00];
	v39 =	vmul.f32 v26, v32;
	v2 =	vadd.f32 v34, v2  }
0x261: {  	v42 =	vbroadcast v3, $0x7;
	v41 =	vld [tilespmem:s23+$0xFFFFFF10];
	v43 =	vmul.f32 v30, v37;
	v0 =	vadd.f32 v38, v0  }
0x262: {  	v45 =	vld [tilespmem:s23+$0xFFFFFF20];
	v44 =	vmul.f32 v31, v37;
	v2 =	vadd.f32 v39, v2  }
0x263: {  	v47 =	vbroadcast v3, $0x8;
	v46 =	vld [tilespmem:s23+$0xFFFFFF30];
	v48 =	vmul.f32 v35, v42;
	v0 =	vadd.f32 v43, v0  }
0x264: {  	v50 =	vld [tilespmem:s23+$0xFFFFFF40];
	v49 =	vmul.f32 v36, v42;
	v2 =	vadd.f32 v44, v2  }
0x265: {  	v52 =	vbroadcast v3, $0x9;
	v51 =	vld [tilespmem:s23+$0xFFFFFF50];
	v53 =	vmul.f32 v40, v47;
	v0 =	vadd.f32 v48, v0  }
0x266: {  	v55 =	vld [tilespmem:s23+$0xFFFFFF60];
	v54 =	vmul.f32 v41, v47;
	v2 =	vadd.f32 v49, v2  }
0x267: {  	v57 =	vbroadcast v3, $0xA;
	v56 =	vld [tilespmem:s23+$0xFFFFFF70];
	v58 =	vmul.f32 v45, v52;
	v0 =	vadd.f32 v53, v0  }
0x268: {  	v59 =	vmul.f32 v46, v52;
	v60 =	vld [tilespmem:s23+$0xFFFFFF80];
	v2 =	vadd.f32 v54, v2  }
0x269: {  	v61 =	vld [tilespmem:s23+$0xFFFFFF90];
	v62 =	vbroadcast v3, $0xB;
	v63 =	vmul.f32 v50, v57;
	v0 =	vadd.f32 v58, v0  }
0x26a: {  	v16 =	vmul.f32 v51, v57;
	v17 =	vld [tilespmem:s23+$0xFFFFFFA0];
	v2 =	vadd.f32 v59, v2  }
0x26b: {  	v18 =	vld [tilespmem:s23+$0xFFFFFFB0];
	v19 =	vbroadcast v3, $0xC;
	v20 =	vmul.f32 v55, v62;
	v0 =	vadd.f32 v63, v0  }
0x26c: {  	v22 =	vld [tilespmem:s23+$0xFFFFFFC0];
	v21 =	vmul.f32 v56, v62;
	v2 =	vadd.f32 v16, v2  }
0x26d: {  	v25 =	vmul.f32 v60, v19;
	v23 =	vld [tilespmem:s23+$0xFFFFFFD0];
	v24 =	vbroadcast v3, $0xD;
	v0 =	vadd.f32 v20, v0  }
0x26e: {  	v27 =	vld [tilespmem:s23+$0xFFFFFFE0];
	v26 =	vmul.f32 v61, v19;
	v2 =	vadd.f32 v21, v2  }
0x26f: {  	v28 =	vld [tilespmem:s23+$0xFFFFFFF0];
	v29 =	vbroadcast v3, $0xE;
	v30 =	vmul.f32 v17, v24;
	v0 =	vadd.f32 v25, v0  }
0x270: {  	v32 =	vld [tilespmem:s23+$0x0];
	v31 =	vmul.f32 v18, v24;
	v2 =	vadd.f32 v26, v2  }
0x271: {  	v3 =	vbroadcast v3, $0xF;
	v33 =	vld [tilespmem:s23+$0x10];
	v34 =	vmul.f32 v22, v29;
	v0 =	vadd.f32 v30, v0  }
0x272: {  	v36 =	vld [tilespmem:s23+$0x20];
	v35 =	vmul.f32 v23, v29;
	v2 =	vadd.f32 v31, v2  }
0x273: {  	v37 =	vld [tilespmem:s23+$0x30];
	v38 =	vbroadcast v1, $0x0;
	v39 =	vmul.f32 v27, v3;
	v0 =	vadd.f32 v34, v0  }
0x274: {  	v40 =	vld [tilespmem:s23+$0x40];
	v3 =	vmul.f32 v28, v3;
	v2 =	vadd.f32 v35, v2  }
0x275: {  	v41 =	vld [tilespmem:s23+$0x50];
	v42 =	vbroadcast v1, $0x1;
	v43 =	vmul.f32 v32, v38;
	v0 =	vadd.f32 v39, v0  }
0x276: {  	v45 =	vld [tilespmem:s23+$0x60];
	v44 =	vmul.f32 v33, v38;
	v2 =	vadd.f32 v3, v2  }
0x277: {  	v46 =	vld [tilespmem:s23+$0x70];
	v47 =	vbroadcast v1, $0x2;
	v48 =	vmul.f32 v36, v42;
	v0 =	vadd.f32 v43, v0  }
0x278: {  	v50 =	vld [tilespmem:s23+$0x80];
	v49 =	vmul.f32 v37, v42;
	v2 =	vadd.f32 v44, v2  }
0x279: {  	v51 =	vld [tilespmem:s23+$0x90];
	v52 =	vbroadcast v1, $0x3;
	v53 =	vmul.f32 v40, v47;
	v0 =	vadd.f32 v48, v0  }
0x27a: {  	v55 =	vld [tilespmem:s23+$0xA0];
	v54 =	vmul.f32 v41, v47;
	v2 =	vadd.f32 v49, v2  }
0x27b: {  	v57 =	vbroadcast v1, $0x4;
	v56 =	vld [tilespmem:s23+$0xB0];
	v3 =	vmul.f32 v45, v52;
	v0 =	vadd.f32 v53, v0  }
0x27c: {  	v58 =	vmul.f32 v46, v52;
	v59 =	vld [tilespmem:s23+$0xC0];
	v2 =	vadd.f32 v54, v2  }
0x27d: {  	v60 =	vld [tilespmem:s23+$0xD0];
	v61 =	vbroadcast v1, $0x5;
	v62 =	vmul.f32 v50, v57;
	v0 =	vadd.f32 v3, v0  }
0x27e: {  	v63 =	vmul.f32 v51, v57;
	v16 =	vld [tilespmem:s23+$0xE0];
	v2 =	vadd.f32 v58, v2  }
0x27f: {  	v19 =	vmul.f32 v55, v61;
	v17 =	vld [tilespmem:s23+$0xF0];
	v18 =	vbroadcast v1, $0x6;
	v0 =	vadd.f32 v62, v0  }
0x280: {  	v20 =	vmul.f32 v56, v61;
	v21 =	vld [tilespmem:s23+$0x100];
	v2 =	vadd.f32 v63, v2  }
0x281: {  	v22 =	vld [tilespmem:s23+$0x110];
	v23 =	vbroadcast v1, $0x7;
	v24 =	vmul.f32 v59, v18;
	v0 =	vadd.f32 v19, v0  }
0x282: {  	v25 =	vmul.f32 v60, v18;
	v26 =	vld [tilespmem:s23+$0x120];
	v2 =	vadd.f32 v20, v2  }
0x283: {  	v27 =	vld [tilespmem:s23+$0x130];
	v28 =	vbroadcast v1, $0x8;
	v29 =	vmul.f32 v16, v23;
	v0 =	vadd.f32 v24, v0  }
0x284: {  	v30 =	vmul.f32 v17, v23;
	v31 =	vld [tilespmem:s23+$0x140];
	v2 =	vadd.f32 v25, v2  }
0x285: {  	v32 =	vld [tilespmem:s23+$0x150];
	v33 =	vbroadcast v1, $0x9;
	v34 =	vmul.f32 v21, v28;
	v0 =	vadd.f32 v29, v0  }
0x286: {  	v36 =	vld [tilespmem:s23+$0x160];
	v35 =	vmul.f32 v22, v28;
	v2 =	vadd.f32 v30, v2  }
0x287: {  	v38 =	vbroadcast v1, $0xA;
	v37 =	vld [tilespmem:s23+$0x170];
	v39 =	vmul.f32 v26, v33;
	v0 =	vadd.f32 v34, v0  }
0x288: {  	v40 =	vmul.f32 v27, v33;
	v41 =	vld [tilespmem:s23+$0x180];
	v2 =	vadd.f32 v35, v2  }
0x289: {  	v42 =	vld [tilespmem:s23+$0x190];
	v43 =	vbroadcast v1, $0xB;
	v44 =	vmul.f32 v31, v38;
	v0 =	vadd.f32 v39, v0  }
0x28a: {  	v46 =	vld [tilespmem:s23+$0x1A0];
	v45 =	vmul.f32 v32, v38;
	v2 =	vadd.f32 v40, v2  }
0x28b: {  	v47 =	vld [tilespmem:s23+$0x1B0];
	v48 =	vbroadcast v1, $0xC;
	v49 =	vmul.f32 v36, v43;
	v0 =	vadd.f32 v44, v0  }
0x28c: {  	v51 =	vld [tilespmem:s23+$0x1C0];
	v50 =	vmul.f32 v37, v43;
	v2 =	vadd.f32 v45, v2  }
0x28d: {  	v52 =	vld [tilespmem:s23+$0x1D0];
	v53 =	vbroadcast v1, $0xD;
	v54 =	vmul.f32 v41, v48;
	v0 =	vadd.f32 v49, v0  }
0x28e: {  	v56 =	vld [tilespmem:s23+$0x1E0];
	v55 =	vmul.f32 v42, v48;
	v2 =	vadd.f32 v50, v2  }
0x28f: {  	v57 =	vld [tilespmem:s23+$0x1F0];
	v58 =	vbroadcast v1, $0xE;
	v59 =	vmul.f32 v46, v53;
	v0 =	vadd.f32 v54, v0  }
0x290: {  	v60 =	vmul.f32 v47, v53;
	v2 =	vadd.f32 v55, v2  }
0x291: {  	v1 =	vbroadcast v1, $0xF;
	v61 =	vmul.f32 v51, v58;
	v0 =	vadd.f32 v59, v0  }
0x292: {  	v62 =	vmul.f32 v52, v58;
	v2 =	vadd.f32 v60, v2  }
0x293: {  	v63 =	vmul.f32 v56, v1;
	v0 =	vadd.f32 v61, v0  }
0x294: {  	v1 =	vmul.f32 v57, v1;
	v2 =	vadd.f32 v62, v2  }
0x295: {  	v0 =	vadd.f32 v63, v0  }
0x296: {  	s0 =	smul.u32 $0xC0, s21;
	v1 =	vadd.f32 v1, v2  }
0x297: {  	[tilespmem:s26+$0x197F0] =	vst v0  }
.Ltmp8:
0x298: {  	s0 =	sadd.s32 s7, s0;
	[tilespmem:s26+$0x19800] =	vst v1;
	(pc) =	sbr.rel .LBB2_10-.Ltmp8, $4  }
0x299: {  	[hbm4b:s0+s2] =	stream.linear.scatter [tilespmem:s16], [sflag:$0x3], $0x600, $0x38;
	[tilespmem:$0x19E00] =	vst v63  }
0x29a: {  	_ =	swait.ge [sflag:s12], $0x600  }
0x29b: {  	[sflag:s12] =	ssyncset.done $0x0  }
0x29c: {  	[sflag:s12] =	ssyncadd.s32 $0xFFFFFA00  }
.LBB2_12:
0x29d: {  	_ =	sfence.sel $0x180000  }
0x29e: {  	[bflag:$0x0] =	sbarrier.arrive $0xFFFF  }
0x29f: {  	_ =	strace $0x90000047  }
0x2a0: {  	[bflag:$0x2] =	sbarrier.arrive $0xFFFF  }
0x2a1: {  	p0 =	sne.s32 s1, $0x0;
	s0 =	rddreg [dreg:$0x1]  }
0x2a2: {  	s0 =	sadd.s32 @!p0 $0x100000, s0  }
0x2a3: {  	[sflag:s0] =	ssyncadd.tile.s32 @!p0 $0x1;
	_ =	shalt  }
.Lfunc_end2:
_tile_overlayer_lowered:
.L_overlay_start_2:
0x2a4: {  	(tag) =	ssettag $0x2  }
0x2a5: {  	s0 =	rddreg [dreg:$0x0];
	s2 =	stileid.u32  }
0x2a6: {  	s1 =	rddreg [dreg:$0x1];
	p0 =	sne.s32 s2, $0x0  }
0x2a7: {  	s3 =	rddreg [dreg:$0x2];
	[bflag:$0x3] =	sbarrier.arrive $0xFFFF;
	s2 =	simm.s32 @!p0 $0x1C03  }
0x2a8: {  	[timem:s3], [sflag:s2] =	dma.local @!p0 [hbm:s0], s1  }
0x2a9: {  	s0 =	simm.s32 @!p0 $0x3  }
0x2aa: {  	_ =	swait.ge @!p0 [sflag:s0], s1  }
0x2ab: {  	s1 =	ssub.s32 @!p0 $0x0, s1;
	[sflag:s0] =	ssyncset.done @!p0 $0x0  }
0x2ac: {  	[sflag:s0] =	ssyncadd.s32 @!p0 s1  }
0x2ad: {  	[bflag:$0x3] =	sbarrier.arrive $0xFFFF  }
0x2ae: {  	_ =	shalt  }

</sc_bundles>
